<compile_context>
chip_gen: v7x
topology: tpu7x:2x2x1
jax: 0.10.2.dev20260603
libtpu: 0.0.44.dev20260713+nightly
codegen_flags: <defaults>
</compile_context>

<pallas_src>
import functools
import math

import jax
import jax.numpy as jnp
from jax import lax
from jax.experimental import pallas as pl
from jax.experimental.pallas import tpu as pltpu
from jax.experimental.pallas import tpu_sc as plsc

_NC = 2
_NS = 16
_NW = _NC * _NS
_LANES = 16

_CHUNK = 400
_GPIECE = 80


def _pos_signal(length, channels, min_timescale=1.0, max_timescale=10000.0):
    num_timescales = channels // 2
    log_timescale_increment = math.log(
        float(max_timescale) / float(min_timescale)) / (float(num_timescales) - 1.0)
    position = jnp.arange(0, length, dtype=jnp.float32)
    inv_timescales = jnp.exp(
        jnp.arange(0, num_timescales, dtype=jnp.float32)
        * (-log_timescale_increment)) * min_timescale
    scaled_time = position[:, None] * inv_timescales[None, :]
    return jnp.concatenate([jnp.sin(scaled_time), jnp.cos(scaled_time)], axis=1)


def _make_sc_kernel(n_rows, seq_len, dim, scale):
    per_w = n_rows // _NW
    n_chunks = per_w // _CHUNK
    n_pieces = _CHUNK // _GPIECE
    half = _CHUNK // 2
    mesh = plsc.VectorSubcoreMesh(core_axis_name="c", subcore_axis_name="s")

    @functools.partial(
        pl.kernel,
        out_type=jax.ShapeDtypeStruct((n_rows, dim), jnp.float32),
        mesh=mesh,
        compiler_params=pltpu.CompilerParams(use_tc_tiling_on_sc=False),
        scratch_types=[
            pltpu.VMEM((seq_len, dim), jnp.float32),
            pltpu.VMEM((per_w,), jnp.int32),
            pltpu.VMEM((3, _CHUNK, dim), jnp.float32),
            pltpu.SemaphoreType.DMA,
            pltpu.SemaphoreType.DMA,
            pltpu.SemaphoreType.DMA,
            pltpu.SemaphoreType.DMA,
            pltpu.SemaphoreType.DMA,
            pltpu.SemaphoreType.DMA,
        ],
    )
    def emb_kernel(table_hbm, idx_hbm, sig_hbm, out_hbm,
                   sig_v, idx_v, rows_v, g0, g1, g2, o0, o1, o2):
        cid = lax.axis_index("c")
        sid = lax.axis_index("s")
        wid = sid * _NC + cid
        base = wid * per_w
        gsems = (g0, g1, g2)
        osems = (o0, o1, o2)
        pltpu.sync_copy(sig_hbm, sig_v)
        pltpu.sync_copy(idx_hbm.at[pl.ds(base, per_w)], idx_v)

        def gather_desc(i, b, p, make_only):
            mk = pltpu.make_async_copy if make_only else pltpu.async_copy
            return mk(
                table_hbm.at[idx_v.at[pl.ds(i * _CHUNK + p * _GPIECE, _GPIECE)]],
                rows_v.at[b].at[pl.ds(p * _GPIECE, _GPIECE)],
                gsems[b],
            )

        def out_desc(i, b, make_only):
            mk = pltpu.make_async_copy if make_only else pltpu.async_copy
            return mk(rows_v.at[b], out_hbm.at[pl.ds(base + i * _CHUNK, _CHUNK)],
                      osems[b])

        def compute(b):
            @pl.loop(0, half, unroll=2)
            def _row(j):
                for d in range(dim // _LANES):
                    sl = pl.ds(d * _LANES, _LANES)
                    s = sig_v[j, sl]
                    rows_v[b, j, sl] = rows_v[b, j, sl] * scale + s
                    rows_v[b, half + j, sl] = rows_v[b, half + j, sl] * scale + s

        for p in range(n_pieces):
            gather_desc(0, 0, p, False)
        for p in range(n_pieces):
            gather_desc(1, 1, p, False)

        @pl.loop(0, ((n_chunks + 2) // 3) * 3, step=3)
        def _chunk(i):
            for b in range(3):
                cur = i + b
                nxt = (b + 2) % 3

                @pl.when(cur < n_chunks)
                def _body():
                    @pl.when(cur + 2 < n_chunks)
                    def _fire_next():
                        @pl.when(cur >= 1)
                        def _wait_out():
                            out_desc(cur - 1, nxt, True).wait()
                        for p in range(n_pieces):
                            gather_desc(cur + 2, nxt, p, False)

                    for p in range(n_pieces):
                        gather_desc(cur, b, p, True).wait()
                    compute(b)
                    out_desc(cur, b, False)

        out_desc(n_chunks - 3, (n_chunks - 3) % 3, True).wait()
        out_desc(n_chunks - 2, (n_chunks - 2) % 3, True).wait()
        out_desc(n_chunks - 1, (n_chunks - 1) % 3, True).wait()

    return emb_kernel


def kernel(x, table):
    b, seq_len = x.shape
    num_emb, dim = table.shape
    scale = float(dim) ** 0.5
    sig = _pos_signal(seq_len, dim)
    xf = x.reshape(-1)
    sc = _make_sc_kernel(b * seq_len, seq_len, dim, scale)
    out = sc(table, xf, sig)
    return out.reshape(b, seq_len, dim)

# --- scband reference (transcript-rebuilt; emitter-appended) ---
"""Pipeline reference for scband-embeddings-14456859918969 (READ-ONLY COPY).

The authoritative reference and input builder live on the scoring server;
editing this copy changes nothing except your own understanding.
"""

import jax, jax.numpy as jnp
import numpy as np
import math

NUM_EMB = 1000000
DIM = 64
PAD = 0
B = 4096
L = 200


def _pos_signal(length, channels, min_timescale=1.0, max_timescale=10000.0):
    num_timescales = channels // 2
    log_timescale_increment = math.log(float(max_timescale) / float(min_timescale)) / (float(num_timescales) - 1.0)
    position = jnp.arange(0, length, dtype=jnp.float32)
    inv_timescales = jnp.exp(jnp.arange(0, num_timescales, dtype=jnp.float32) * (-log_timescale_increment)) * min_timescale
    scaled_time = position[:, None] * inv_timescales[None, :]
    signal = jnp.concatenate([jnp.sin(scaled_time), jnp.cos(scaled_time)], axis=1)
    return signal


def setup_inputs(seed: int = 0) -> dict:
    key = jax.random.key(seed)
    k1, k2 = jax.random.split(key)
    x = jax.random.randint(k1, (B, L), 0, NUM_EMB, dtype=jnp.int32)
    scale = DIM ** 0.5
    table = jax.random.uniform(k2, (NUM_EMB, DIM), minval=-1.0 / scale, maxval=1.0 / scale, dtype=jnp.float32)
    table = table.at[PAD].set(0.0)
    return {"x": x, "table": table}


def reference(x, table):
    scale = DIM ** 0.5
    emb = jnp.take(table, x, axis=0)
    emb = emb * scale
    sig = _pos_signal(L, DIM)
    emb = emb + sig[None, :, :]
    return emb

if __name__ == "__main__":
    import jax
    _d = setup_inputs()
    print(jax.jit(kernel)(*tuple(_d.values())))

</pallas_src>

<mosaic_0001>
#map = affine_map<(d0, d1) -> (0, 0)>
#map1 = affine_map<(d0, d1) -> (0)>
module attributes {stable_mosaic.version = 14 : i64} {
  func.func @emb_kernel(%arg0: i32, %arg1: i32, %arg2: memref<1000000x64xf32, #tpu.memory_space<hbm>>, %arg3: memref<819200xi32, #tpu.memory_space<hbm>>, %arg4: memref<200x64xf32, #tpu.memory_space<hbm>>, %arg5: memref<819200x64xf32, #tpu.memory_space<hbm>>, %arg6: memref<200x64xf32, #tpu.memory_space<vmem>>, %arg7: memref<25600xi32, #tpu.memory_space<vmem>>, %arg8: memref<3x400x64xf32, #tpu.memory_space<vmem>>, %arg9: memref<!tpu.dma_semaphore, #tpu.memory_space<semaphore_mem>>, %arg10: memref<!tpu.dma_semaphore, #tpu.memory_space<semaphore_mem>>, %arg11: memref<!tpu.dma_semaphore, #tpu.memory_space<semaphore_mem>>, %arg12: memref<!tpu.dma_semaphore, #tpu.memory_space<semaphore_mem>>, %arg13: memref<!tpu.dma_semaphore, #tpu.memory_space<semaphore_mem>>, %arg14: memref<!tpu.dma_semaphore, #tpu.memory_space<semaphore_mem>>) attributes {dimension_semantics = [#tpu.dimension_semantics<core_parallel>, #tpu.dimension_semantics<subcore_parallel>], iteration_bounds = array<i64: 2, 16>, scalar_prefetch = 0 : i64, scratch_operands = 9 : i64, tpu.core_type = #tpu.core_type<sc_vector_subcore>, window_params = [{transform_indices = #map}, {transform_indices = #map1}, {transform_indices = #map}, {transform_indices = #map}]} {
    %mul3A = arith.constant 2 : i32
    %mul3A_0 = arith.muli %arg1, %mul3A : i32
    %add3A = arith.addi %mul3A_0, %arg0 : i32
    %mul3A_1 = arith.constant 25600 : i32
    %mul3A_2 = arith.muli %add3A, %mul3A_1 : i32
    "tpu.region"() ({
      %run_scoped3A = tpu.sem_alloc : memref<!tpu.dma_semaphore, #tpu.memory_space<semaphore_mem>>
      tpu.enqueue_dma source(%arg4 : memref<200x64xf32, #tpu.memory_space<hbm>>) target(%arg6 : memref<200x64xf32, #tpu.memory_space<vmem>>) target_semaphore(%run_scoped3A : memref<!tpu.dma_semaphore, #tpu.memory_space<semaphore_mem>>)
      tpu.wait_dma2 semaphore(%run_scoped3A : memref<!tpu.dma_semaphore, #tpu.memory_space<semaphore_mem>>) src(%arg4 : memref<200x64xf32, #tpu.memory_space<hbm>>) dst(%arg6 : memref<200x64xf32, #tpu.memory_space<vmem>>)
      tpu.yield
    }) : () -> ()
    "tpu.region"() ({
      %run_scoped3A = tpu.sem_alloc : memref<!tpu.dma_semaphore, #tpu.memory_space<semaphore_mem>>
      %dma_start3A_180 = tpu.memref_slice %arg3[%mul3A_2] : memref<819200xi32, #tpu.memory_space<hbm>> -> memref<25600xi32, #tpu.memory_space<hbm>>
      %dma_start3A_181 = tpu.memref_slice %arg3[%mul3A_2] : memref<819200xi32, #tpu.memory_space<hbm>> -> memref<25600xi32, #tpu.memory_space<hbm>>
      tpu.enqueue_dma source(%dma_start3A_181 : memref<25600xi32, #tpu.memory_space<hbm>>) target(%arg7 : memref<25600xi32, #tpu.memory_space<vmem>>) target_semaphore(%run_scoped3A : memref<!tpu.dma_semaphore, #tpu.memory_space<semaphore_mem>>)
      %dma_wait3A_182 = tpu.memref_slice %arg3[%mul3A_2] : memref<819200xi32, #tpu.memory_space<hbm>> -> memref<25600xi32, #tpu.memory_space<hbm>>
      %dma_wait3A_183 = tpu.memref_slice %arg3[%mul3A_2] : memref<819200xi32, #tpu.memory_space<hbm>> -> memref<25600xi32, #tpu.memory_space<hbm>>
      tpu.wait_dma2 semaphore(%run_scoped3A : memref<!tpu.dma_semaphore, #tpu.memory_space<semaphore_mem>>) src(%dma_wait3A_183 : memref<25600xi32, #tpu.memory_space<hbm>>) dst(%arg7 : memref<25600xi32, #tpu.memory_space<vmem>>)
      tpu.yield
    }) : () -> ()
    %dma_start3A = arith.constant 0 : i32
    %dma_start3A_3 = arith.constant 0 : i32
    %dma_start3A_4 = arith.constant 0 : i32
    %dma_start3A_5 = tpu.memref_slice %arg8[%dma_start3A, %dma_start3A_3, %dma_start3A_4] : memref<3x400x64xf32, #tpu.memory_space<vmem>> -> memref<1x400x64xf32, #tpu.memory_space<vmem>>
    %dma_start3A_6 = tpu.memref_squeeze %dma_start3A_5 : memref<1x400x64xf32, #tpu.memory_space<vmem>> -> memref<400x64xf32, #tpu.memory_space<vmem>>
    %dma_start3A_7 = arith.constant 0 : i32
    %dma_start3A_8 = arith.constant 0 : i32
    %dma_start3A_9 = tpu.memref_slice %dma_start3A_6[%dma_start3A_7, %dma_start3A_8] : memref<400x64xf32, #tpu.memory_space<vmem>> -> memref<80x64xf32, #tpu.memory_space<vmem>>
    %dma_start3A_10 = arith.constant 0 : i32
    %dma_start3A_11 = tpu.memref_slice %arg7[%dma_start3A_10] : memref<25600xi32, #tpu.memory_space<vmem>> -> memref<80xi32, #tpu.memory_space<vmem>>
    %dma_start3A_12 = arith.constant 0 : i32
    %dma_start3A_13 = arith.constant 0 : i32
    %dma_start3A_14 = tpu.memref_slice %arg2[%dma_start3A_12, %dma_start3A_13] : memref<1000000x64xf32, #tpu.memory_space<hbm>> -> memref<1000000x64xf32, #tpu.memory_space<hbm>>
    tpu.enqueue_indirect_dma source(%dma_start3A_14 : memref<1000000x64xf32, #tpu.memory_space<hbm>>) target(%dma_start3A_9 : memref<80x64xf32, #tpu.memory_space<vmem>>) offsets(%dma_start3A_11 : memref<80xi32, #tpu.memory_space<vmem>>) semaphore(%arg9 : memref<!tpu.dma_semaphore, #tpu.memory_space<semaphore_mem>>)
    %dma_start3A_15 = arith.constant 0 : i32
    %dma_start3A_16 = arith.constant 0 : i32
    %dma_start3A_17 = arith.constant 0 : i32
    %dma_start3A_18 = tpu.memref_slice %arg8[%dma_start3A_15, %dma_start3A_16, %dma_start3A_17] : memref<3x400x64xf32, #tpu.memory_space<vmem>> -> memref<1x400x64xf32, #tpu.memory_space<vmem>>
    %dma_start3A_19 = tpu.memref_squeeze %dma_start3A_18 : memref<1x400x64xf32, #tpu.memory_space<vmem>> -> memref<400x64xf32, #tpu.memory_space<vmem>>
    %dma_start3A_20 = arith.constant 80 : i32
    %dma_start3A_21 = arith.constant 0 : i32
    %dma_start3A_22 = tpu.memref_slice %dma_start3A_19[%dma_start3A_20, %dma_start3A_21] : memref<400x64xf32, #tpu.memory_space<vmem>> -> memref<80x64xf32, #tpu.memory_space<vmem>>
    %dma_start3A_23 = arith.constant 80 : i32
    %dma_start3A_24 = tpu.memref_slice %arg7[%dma_start3A_23] : memref<25600xi32, #tpu.memory_space<vmem>> -> memref<80xi32, #tpu.memory_space<vmem>>
    %dma_start3A_25 = arith.constant 0 : i32
    %dma_start3A_26 = arith.constant 0 : i32
    %dma_start3A_27 = tpu.memref_slice %arg2[%dma_start3A_25, %dma_start3A_26] : memref<1000000x64xf32, #tpu.memory_space<hbm>> -> memref<1000000x64xf32, #tpu.memory_space<hbm>>
    tpu.enqueue_indirect_dma source(%dma_start3A_27 : memref<1000000x64xf32, #tpu.memory_space<hbm>>) target(%dma_start3A_22 : memref<80x64xf32, #tpu.memory_space<vmem>>) offsets(%dma_start3A_24 : memref<80xi32, #tpu.memory_space<vmem>>) semaphore(%arg9 : memref<!tpu.dma_semaphore, #tpu.memory_space<semaphore_mem>>)
    %dma_start3A_28 = arith.constant 0 : i32
    %dma_start3A_29 = arith.constant 0 : i32
    %dma_start3A_30 = arith.constant 0 : i32
    %dma_start3A_31 = tpu.memref_slice %arg8[%dma_start3A_28, %dma_start3A_29, %dma_start3A_30] : memref<3x400x64xf32, #tpu.memory_space<vmem>> -> memref<1x400x64xf32, #tpu.memory_space<vmem>>
    %dma_start3A_32 = tpu.memref_squeeze %dma_start3A_31 : memref<1x400x64xf32, #tpu.memory_space<vmem>> -> memref<400x64xf32, #tpu.memory_space<vmem>>
    %dma_start3A_33 = arith.constant 160 : i32
    %dma_start3A_34 = arith.constant 0 : i32
    %dma_start3A_35 = tpu.memref_slice %dma_start3A_32[%dma_start3A_33, %dma_start3A_34] : memref<400x64xf32, #tpu.memory_space<vmem>> -> memref<80x64xf32, #tpu.memory_space<vmem>>
    %dma_start3A_36 = arith.constant 160 : i32
    %dma_start3A_37 = tpu.memref_slice %arg7[%dma_start3A_36] : memref<25600xi32, #tpu.memory_space<vmem>> -> memref<80xi32, #tpu.memory_space<vmem>>
    %dma_start3A_38 = arith.constant 0 : i32
    %dma_start3A_39 = arith.constant 0 : i32
    %dma_start3A_40 = tpu.memref_slice %arg2[%dma_start3A_38, %dma_start3A_39] : memref<1000000x64xf32, #tpu.memory_space<hbm>> -> memref<1000000x64xf32, #tpu.memory_space<hbm>>
    tpu.enqueue_indirect_dma source(%dma_start3A_40 : memref<1000000x64xf32, #tpu.memory_space<hbm>>) target(%dma_start3A_35 : memref<80x64xf32, #tpu.memory_space<vmem>>) offsets(%dma_start3A_37 : memref<80xi32, #tpu.memory_space<vmem>>) semaphore(%arg9 : memref<!tpu.dma_semaphore, #tpu.memory_space<semaphore_mem>>)
    %dma_start3A_41 = arith.constant 0 : i32
    %dma_start3A_42 = arith.constant 0 : i32
    %dma_start3A_43 = arith.constant 0 : i32
    %dma_start3A_44 = tpu.memref_slice %arg8[%dma_start3A_41, %dma_start3A_42, %dma_start3A_43] : memref<3x400x64xf32, #tpu.memory_space<vmem>> -> memref<1x400x64xf32, #tpu.memory_space<vmem>>
    %dma_start3A_45 = tpu.memref_squeeze %dma_start3A_44 : memref<1x400x64xf32, #tpu.memory_space<vmem>> -> memref<400x64xf32, #tpu.memory_space<vmem>>
    %dma_start3A_46 = arith.constant 240 : i32
    %dma_start3A_47 = arith.constant 0 : i32
    %dma_start3A_48 = tpu.memref_slice %dma_start3A_45[%dma_start3A_46, %dma_start3A_47] : memref<400x64xf32, #tpu.memory_space<vmem>> -> memref<80x64xf32, #tpu.memory_space<vmem>>
    %dma_start3A_49 = arith.constant 240 : i32
    %dma_start3A_50 = tpu.memref_slice %arg7[%dma_start3A_49] : memref<25600xi32, #tpu.memory_space<vmem>> -> memref<80xi32, #tpu.memory_space<vmem>>
    %dma_start3A_51 = arith.constant 0 : i32
    %dma_start3A_52 = arith.constant 0 : i32
    %dma_start3A_53 = tpu.memref_slice %arg2[%dma_start3A_51, %dma_start3A_52] : memref<1000000x64xf32, #tpu.memory_space<hbm>> -> memref<1000000x64xf32, #tpu.memory_space<hbm>>
    tpu.enqueue_indirect_dma source(%dma_start3A_53 : memref<1000000x64xf32, #tpu.memory_space<hbm>>) target(%dma_start3A_48 : memref<80x64xf32, #tpu.memory_space<vmem>>) offsets(%dma_start3A_50 : memref<80xi32, #tpu.memory_space<vmem>>) semaphore(%arg9 : memref<!tpu.dma_semaphore, #tpu.memory_space<semaphore_mem>>)
    %dma_start3A_54 = arith.constant 0 : i32
    %dma_start3A_55 = arith.constant 0 : i32
    %dma_start3A_56 = arith.constant 0 : i32
    %dma_start3A_57 = tpu.memref_slice %arg8[%dma_start3A_54, %dma_start3A_55, %dma_start3A_56] : memref<3x400x64xf32, #tpu.memory_space<vmem>> -> memref<1x400x64xf32, #tpu.memory_space<vmem>>
    %dma_start3A_58 = tpu.memref_squeeze %dma_start3A_57 : memref<1x400x64xf32, #tpu.memory_space<vmem>> -> memref<400x64xf32, #tpu.memory_space<vmem>>
    %dma_start3A_59 = arith.constant 320 : i32
    %dma_start3A_60 = arith.constant 0 : i32
    %dma_start3A_61 = tpu.memref_slice %dma_start3A_58[%dma_start3A_59, %dma_start3A_60] : memref<400x64xf32, #tpu.memory_space<vmem>> -> memref<80x64xf32, #tpu.memory_space<vmem>>
    %dma_start3A_62 = arith.constant 320 : i32
    %dma_start3A_63 = tpu.memref_slice %arg7[%dma_start3A_62] : memref<25600xi32, #tpu.memory_space<vmem>> -> memref<80xi32, #tpu.memory_space<vmem>>
    %dma_start3A_64 = arith.constant 0 : i32
    %dma_start3A_65 = arith.constant 0 : i32
    %dma_start3A_66 = tpu.memref_slice %arg2[%dma_start3A_64, %dma_start3A_65] : memref<1000000x64xf32, #tpu.memory_space<hbm>> -> memref<1000000x64xf32, #tpu.memory_space<hbm>>
    tpu.enqueue_indirect_dma source(%dma_start3A_66 : memref<1000000x64xf32, #tpu.memory_space<hbm>>) target(%dma_start3A_61 : memref<80x64xf32, #tpu.memory_space<vmem>>) offsets(%dma_start3A_63 : memref<80xi32, #tpu.memory_space<vmem>>) semaphore(%arg9 : memref<!tpu.dma_semaphore, #tpu.memory_space<semaphore_mem>>)
    %dma_start3A_67 = arith.constant 1 : i32
    %dma_start3A_68 = arith.constant 0 : i32
    %dma_start3A_69 = arith.constant 0 : i32
    %dma_start3A_70 = tpu.memref_slice %arg8[%dma_start3A_67, %dma_start3A_68, %dma_start3A_69] : memref<3x400x64xf32, #tpu.memory_space<vmem>> -> memref<1x400x64xf32, #tpu.memory_space<vmem>>
    %dma_start3A_71 = tpu.memref_squeeze %dma_start3A_70 : memref<1x400x64xf32, #tpu.memory_space<vmem>> -> memref<400x64xf32, #tpu.memory_space<vmem>>
    %dma_start3A_72 = arith.constant 0 : i32
    %dma_start3A_73 = arith.constant 0 : i32
    %dma_start3A_74 = tpu.memref_slice %dma_start3A_71[%dma_start3A_72, %dma_start3A_73] : memref<400x64xf32, #tpu.memory_space<vmem>> -> memref<80x64xf32, #tpu.memory_space<vmem>>
    %dma_start3A_75 = arith.constant 400 : i32
    %dma_start3A_76 = tpu.memref_slice %arg7[%dma_start3A_75] : memref<25600xi32, #tpu.memory_space<vmem>> -> memref<80xi32, #tpu.memory_space<vmem>>
    %dma_start3A_77 = arith.constant 0 : i32
    %dma_start3A_78 = arith.constant 0 : i32
    %dma_start3A_79 = tpu.memref_slice %arg2[%dma_start3A_77, %dma_start3A_78] : memref<1000000x64xf32, #tpu.memory_space<hbm>> -> memref<1000000x64xf32, #tpu.memory_space<hbm>>
    tpu.enqueue_indirect_dma source(%dma_start3A_79 : memref<1000000x64xf32, #tpu.memory_space<hbm>>) target(%dma_start3A_74 : memref<80x64xf32, #tpu.memory_space<vmem>>) offsets(%dma_start3A_76 : memref<80xi32, #tpu.memory_space<vmem>>) semaphore(%arg10 : memref<!tpu.dma_semaphore, #tpu.memory_space<semaphore_mem>>)
    %dma_start3A_80 = arith.constant 1 : i32
    %dma_start3A_81 = arith.constant 0 : i32
    %dma_start3A_82 = arith.constant 0 : i32
    %dma_start3A_83 = tpu.memref_slice %arg8[%dma_start3A_80, %dma_start3A_81, %dma_start3A_82] : memref<3x400x64xf32, #tpu.memory_space<vmem>> -> memref<1x400x64xf32, #tpu.memory_space<vmem>>
    %dma_start3A_84 = tpu.memref_squeeze %dma_start3A_83 : memref<1x400x64xf32, #tpu.memory_space<vmem>> -> memref<400x64xf32, #tpu.memory_space<vmem>>
    %dma_start3A_85 = arith.constant 80 : i32
    %dma_start3A_86 = arith.constant 0 : i32
    %dma_start3A_87 = tpu.memref_slice %dma_start3A_84[%dma_start3A_85, %dma_start3A_86] : memref<400x64xf32, #tpu.memory_space<vmem>> -> memref<80x64xf32, #tpu.memory_space<vmem>>
    %dma_start3A_88 = arith.constant 480 : i32
    %dma_start3A_89 = tpu.memref_slice %arg7[%dma_start3A_88] : memref<25600xi32, #tpu.memory_space<vmem>> -> memref<80xi32, #tpu.memory_space<vmem>>
    %dma_start3A_90 = arith.constant 0 : i32
    %dma_start3A_91 = arith.constant 0 : i32
    %dma_start3A_92 = tpu.memref_slice %arg2[%dma_start3A_90, %dma_start3A_91] : memref<1000000x64xf32, #tpu.memory_space<hbm>> -> memref<1000000x64xf32, #tpu.memory_space<hbm>>
    tpu.enqueue_indirect_dma source(%dma_start3A_92 : memref<1000000x64xf32, #tpu.memory_space<hbm>>) target(%dma_start3A_87 : memref<80x64xf32, #tpu.memory_space<vmem>>) offsets(%dma_start3A_89 : memref<80xi32, #tpu.memory_space<vmem>>) semaphore(%arg10 : memref<!tpu.dma_semaphore, #tpu.memory_space<semaphore_mem>>)
    %dma_start3A_93 = arith.constant 1 : i32
    %dma_start3A_94 = arith.constant 0 : i32
    %dma_start3A_95 = arith.constant 0 : i32
    %dma_start3A_96 = tpu.memref_slice %arg8[%dma_start3A_93, %dma_start3A_94, %dma_start3A_95] : memref<3x400x64xf32, #tpu.memory_space<vmem>> -> memref<1x400x64xf32, #tpu.memory_space<vmem>>
    %dma_start3A_97 = tpu.memref_squeeze %dma_start3A_96 : memref<1x400x64xf32, #tpu.memory_space<vmem>> -> memref<400x64xf32, #tpu.memory_space<vmem>>
    %dma_start3A_98 = arith.constant 160 : i32
    %dma_start3A_99 = arith.constant 0 : i32
    %dma_start3A_100 = tpu.memref_slice %dma_start3A_97[%dma_start3A_98, %dma_start3A_99] : memref<400x64xf32, #tpu.memory_space<vmem>> -> memref<80x64xf32, #tpu.memory_space<vmem>>
    %dma_start3A_101 = arith.constant 560 : i32
    %dma_start3A_102 = tpu.memref_slice %arg7[%dma_start3A_101] : memref<25600xi32, #tpu.memory_space<vmem>> -> memref<80xi32, #tpu.memory_space<vmem>>
    %dma_start3A_103 = arith.constant 0 : i32
    %dma_start3A_104 = arith.constant 0 : i32
    %dma_start3A_105 = tpu.memref_slice %arg2[%dma_start3A_103, %dma_start3A_104] : memref<1000000x64xf32, #tpu.memory_space<hbm>> -> memref<1000000x64xf32, #tpu.memory_space<hbm>>
    tpu.enqueue_indirect_dma source(%dma_start3A_105 : memref<1000000x64xf32, #tpu.memory_space<hbm>>) target(%dma_start3A_100 : memref<80x64xf32, #tpu.memory_space<vmem>>) offsets(%dma_start3A_102 : memref<80xi32, #tpu.memory_space<vmem>>) semaphore(%arg10 : memref<!tpu.dma_semaphore, #tpu.memory_space<semaphore_mem>>)
    %dma_start3A_106 = arith.constant 1 : i32
    %dma_start3A_107 = arith.constant 0 : i32
    %dma_start3A_108 = arith.constant 0 : i32
    %dma_start3A_109 = tpu.memref_slice %arg8[%dma_start3A_106, %dma_start3A_107, %dma_start3A_108] : memref<3x400x64xf32, #tpu.memory_space<vmem>> -> memref<1x400x64xf32, #tpu.memory_space<vmem>>
    %dma_start3A_110 = tpu.memref_squeeze %dma_start3A_109 : memref<1x400x64xf32, #tpu.memory_space<vmem>> -> memref<400x64xf32, #tpu.memory_space<vmem>>
    %dma_start3A_111 = arith.constant 240 : i32
    %dma_start3A_112 = arith.constant 0 : i32
    %dma_start3A_113 = tpu.memref_slice %dma_start3A_110[%dma_start3A_111, %dma_start3A_112] : memref<400x64xf32, #tpu.memory_space<vmem>> -> memref<80x64xf32, #tpu.memory_space<vmem>>
    %dma_start3A_114 = arith.constant 640 : i32
    %dma_start3A_115 = tpu.memref_slice %arg7[%dma_start3A_114] : memref<25600xi32, #tpu.memory_space<vmem>> -> memref<80xi32, #tpu.memory_space<vmem>>
    %dma_start3A_116 = arith.constant 0 : i32
    %dma_start3A_117 = arith.constant 0 : i32
    %dma_start3A_118 = tpu.memref_slice %arg2[%dma_start3A_116, %dma_start3A_117] : memref<1000000x64xf32, #tpu.memory_space<hbm>> -> memref<1000000x64xf32, #tpu.memory_space<hbm>>
    tpu.enqueue_indirect_dma source(%dma_start3A_118 : memref<1000000x64xf32, #tpu.memory_space<hbm>>) target(%dma_start3A_113 : memref<80x64xf32, #tpu.memory_space<vmem>>) offsets(%dma_start3A_115 : memref<80xi32, #tpu.memory_space<vmem>>) semaphore(%arg10 : memref<!tpu.dma_semaphore, #tpu.memory_space<semaphore_mem>>)
    %dma_start3A_119 = arith.constant 1 : i32
    %dma_start3A_120 = arith.constant 0 : i32
    %dma_start3A_121 = arith.constant 0 : i32
    %dma_start3A_122 = tpu.memref_slice %arg8[%dma_start3A_119, %dma_start3A_120, %dma_start3A_121] : memref<3x400x64xf32, #tpu.memory_space<vmem>> -> memref<1x400x64xf32, #tpu.memory_space<vmem>>
    %dma_start3A_123 = tpu.memref_squeeze %dma_start3A_122 : memref<1x400x64xf32, #tpu.memory_space<vmem>> -> memref<400x64xf32, #tpu.memory_space<vmem>>
    %dma_start3A_124 = arith.constant 320 : i32
    %dma_start3A_125 = arith.constant 0 : i32
    %dma_start3A_126 = tpu.memref_slice %dma_start3A_123[%dma_start3A_124, %dma_start3A_125] : memref<400x64xf32, #tpu.memory_space<vmem>> -> memref<80x64xf32, #tpu.memory_space<vmem>>
    %dma_start3A_127 = arith.constant 720 : i32
    %dma_start3A_128 = tpu.memref_slice %arg7[%dma_start3A_127] : memref<25600xi32, #tpu.memory_space<vmem>> -> memref<80xi32, #tpu.memory_space<vmem>>
    %dma_start3A_129 = arith.constant 0 : i32
    %dma_start3A_130 = arith.constant 0 : i32
    %dma_start3A_131 = tpu.memref_slice %arg2[%dma_start3A_129, %dma_start3A_130] : memref<1000000x64xf32, #tpu.memory_space<hbm>> -> memref<1000000x64xf32, #tpu.memory_space<hbm>>
    tpu.enqueue_indirect_dma source(%dma_start3A_131 : memref<1000000x64xf32, #tpu.memory_space<hbm>>) target(%dma_start3A_126 : memref<80x64xf32, #tpu.memory_space<vmem>>) offsets(%dma_start3A_128 : memref<80xi32, #tpu.memory_space<vmem>>) semaphore(%arg10 : memref<!tpu.dma_semaphore, #tpu.memory_space<semaphore_mem>>)
    %scan3A = arith.constant 0 : i32
    %scan3A_132 = arith.constant 22 : i32
    %scan3A_133 = arith.addi %scan3A, %scan3A_132 : i32
    %scan3A_134 = arith.constant 1 : i32
    scf.for %scan3A_180 = %scan3A to %scan3A_133 step %scan3A_134  : i32 {
      %mul3A_181 = arith.constant 3 : i32
      %mul3A_182 = arith.muli %scan3A_180, %mul3A_181 : i32
      %add3A_183 = arith.constant 0 : i32
      %add3A_184 = arith.addi %add3A_183, %mul3A_182 : i32
      %add3A_185 = arith.constant 0 : i32
      %add3A_186 = arith.addi %add3A_184, %add3A_185 : i32
      %lt3A = arith.constant 64 : i32
      %lt3A_187 = arith.cmpi slt, %add3A_186, %lt3A : i32
      %convert_element_type3A = arith.extui %lt3A_187 : i1 to i32
      %cond3A = arith.constant 0 : i32
      %cond3A_188 = arith.cmpi ne, %convert_element_type3A, %cond3A : i32
      scf.if %cond3A_188 {
        %add3A_203 = arith.constant 2 : i32
        %add3A_204 = arith.addi %add3A_186, %add3A_203 : i32
        %lt3A_205 = arith.constant 64 : i32
        %lt3A_206 = arith.cmpi slt, %add3A_204, %lt3A_205 : i32
        %convert_element_type3A_207 = arith.extui %lt3A_206 : i1 to i32
        %cond3A_208 = arith.constant 0 : i32
        %cond3A_209 = arith.cmpi ne, %convert_element_type3A_207, %cond3A_208 : i32
        scf.if %cond3A_209 {
          %ge3A = arith.constant 1 : i32
          %ge3A_311 = arith.cmpi sge, %add3A_186, %ge3A : i32
          %convert_element_type3A_312 = arith.extui %ge3A_311 : i1 to i32
          %cond3A_313 = arith.constant 0 : i32
          %cond3A_314 = arith.cmpi ne, %convert_element_type3A_312, %cond3A_313 : i32
          scf.if %cond3A_314 {
            %sub3A = arith.constant 1 : i32
            %sub3A_405 = arith.subi %add3A_186, %sub3A : i32
            %mul3A_406 = arith.constant 400 : i32
            %mul3A_407 = arith.muli %sub3A_405, %mul3A_406 : i32
            %add3A_408 = arith.addi %mul3A_2, %mul3A_407 : i32
            %dma_wait3A_409 = arith.constant 2 : i32
            %dma_wait3A_410 = arith.constant 0 : i32
            %dma_wait3A_411 = arith.constant 0 : i32
            %dma_wait3A_412 = tpu.memref_slice %arg8[%dma_wait3A_409, %dma_wait3A_410, %dma_wait3A_411] : memref<3x400x64xf32, #tpu.memory_space<vmem>> -> memref<1x400x64xf32, #tpu.memory_space<vmem>>
            %dma_wait3A_413 = tpu.memref_squeeze %dma_wait3A_412 : memref<1x400x64xf32, #tpu.memory_space<vmem>> -> memref<400x64xf32, #tpu.memory_space<vmem>>
            %dma_wait3A_414 = arith.constant 0 : i32
            %dma_wait3A_415 = tpu.memref_slice %arg5[%add3A_408, %dma_wait3A_414] : memref<819200x64xf32, #tpu.memory_space<hbm>> -> memref<400x64xf32, #tpu.memory_space<hbm>>
            %dma_wait3A_416 = arith.constant 0 : i32
            %dma_wait3A_417 = tpu.memref_slice %arg5[%add3A_408, %dma_wait3A_416] : memref<819200x64xf32, #tpu.memory_space<hbm>> -> memref<400x64xf32, #tpu.memory_space<hbm>>
            %dma_wait3A_418 = arith.constant 0 : i32
            %dma_wait3A_419 = arith.constant 0 : i32
            %dma_wait3A_420 = tpu.memref_slice %arg8[%dma_wait3A_409, %dma_wait3A_418, %dma_wait3A_419] : memref<3x400x64xf32, #tpu.memory_space<vmem>> -> memref<1x400x64xf32, #tpu.memory_space<vmem>>
            %dma_wait3A_421 = tpu.memref_squeeze %dma_wait3A_420 : memref<1x400x64xf32, #tpu.memory_space<vmem>> -> memref<400x64xf32, #tpu.memory_space<vmem>>
            tpu.wait_dma2 semaphore(%arg14 : memref<!tpu.dma_semaphore, #tpu.memory_space<semaphore_mem>>) src(%dma_wait3A_421 : memref<400x64xf32, #tpu.memory_space<vmem>>) dst(%dma_wait3A_417 : memref<400x64xf32, #tpu.memory_space<hbm>>)
          } else {
          }
          %add3A_315 = arith.constant 2 : i32
          %add3A_316 = arith.addi %add3A_186, %add3A_315 : i32
          %mul3A_317 = arith.constant 400 : i32
          %mul3A_318 = arith.muli %add3A_316, %mul3A_317 : i32
          %add3A_319 = arith.constant 0 : i32
          %add3A_320 = arith.addi %mul3A_318, %add3A_319 : i32
          %dma_start3A_321 = arith.constant 2 : i32
          %dma_start3A_322 = arith.constant 0 : i32
          %dma_start3A_323 = arith.constant 0 : i32
          %dma_start3A_324 = tpu.memref_slice %arg8[%dma_start3A_321, %dma_start3A_322, %dma_start3A_323] : memref<3x400x64xf32, #tpu.memory_space<vmem>> -> memref<1x400x64xf32, #tpu.memory_space<vmem>>
          %dma_start3A_325 = tpu.memref_squeeze %dma_start3A_324 : memref<1x400x64xf32, #tpu.memory_space<vmem>> -> memref<400x64xf32, #tpu.memory_space<vmem>>
          %dma_start3A_326 = arith.constant 0 : i32
          %dma_start3A_327 = arith.constant 0 : i32
          %dma_start3A_328 = tpu.memref_slice %dma_start3A_325[%dma_start3A_326, %dma_start3A_327] : memref<400x64xf32, #tpu.memory_space<vmem>> -> memref<80x64xf32, #tpu.memory_space<vmem>>
          %dma_start3A_329 = tpu.memref_slice %arg7[%add3A_320] : memref<25600xi32, #tpu.memory_space<vmem>> -> memref<80xi32, #tpu.memory_space<vmem>>
          %dma_start3A_330 = arith.constant 0 : i32
          %dma_start3A_331 = arith.constant 0 : i32
          %dma_start3A_332 = tpu.memref_slice %arg2[%dma_start3A_330, %dma_start3A_331] : memref<1000000x64xf32, #tpu.memory_space<hbm>> -> memref<1000000x64xf32, #tpu.memory_space<hbm>>
          tpu.enqueue_indirect_dma source(%dma_start3A_332 : memref<1000000x64xf32, #tpu.memory_space<hbm>>) target(%dma_start3A_328 : memref<80x64xf32, #tpu.memory_space<vmem>>) offsets(%dma_start3A_329 : memref<80xi32, #tpu.memory_space<vmem>>) semaphore(%arg11 : memref<!tpu.dma_semaphore, #tpu.memory_space<semaphore_mem>>)
          %add3A_333 = arith.constant 2 : i32
          %add3A_334 = arith.addi %add3A_186, %add3A_333 : i32
          %mul3A_335 = arith.constant 400 : i32
          %mul3A_336 = arith.muli %add3A_334, %mul3A_335 : i32
          %add3A_337 = arith.constant 80 : i32
          %add3A_338 = arith.addi %mul3A_336, %add3A_337 : i32
          %dma_start3A_339 = arith.constant 2 : i32
          %dma_start3A_340 = arith.constant 0 : i32
          %dma_start3A_341 = arith.constant 0 : i32
          %dma_start3A_342 = tpu.memref_slice %arg8[%dma_start3A_339, %dma_start3A_340, %dma_start3A_341] : memref<3x400x64xf32, #tpu.memory_space<vmem>> -> memref<1x400x64xf32, #tpu.memory_space<vmem>>
          %dma_start3A_343 = tpu.memref_squeeze %dma_start3A_342 : memref<1x400x64xf32, #tpu.memory_space<vmem>> -> memref<400x64xf32, #tpu.memory_space<vmem>>
          %dma_start3A_344 = arith.constant 80 : i32
          %dma_start3A_345 = arith.constant 0 : i32
          %dma_start3A_346 = tpu.memref_slice %dma_start3A_343[%dma_start3A_344, %dma_start3A_345] : memref<400x64xf32, #tpu.memory_space<vmem>> -> memref<80x64xf32, #tpu.memory_space<vmem>>
          %dma_start3A_347 = tpu.memref_slice %arg7[%add3A_338] : memref<25600xi32, #tpu.memory_space<vmem>> -> memref<80xi32, #tpu.memory_space<vmem>>
          %dma_start3A_348 = arith.constant 0 : i32
          %dma_start3A_349 = arith.constant 0 : i32
          %dma_start3A_350 = tpu.memref_slice %arg2[%dma_start3A_348, %dma_start3A_349] : memref<1000000x64xf32, #tpu.memory_space<hbm>> -> memref<1000000x64xf32, #tpu.memory_space<hbm>>
          tpu.enqueue_indirect_dma source(%dma_start3A_350 : memref<1000000x64xf32, #tpu.memory_space<hbm>>) target(%dma_start3A_346 : memref<80x64xf32, #tpu.memory_space<vmem>>) offsets(%dma_start3A_347 : memref<80xi32, #tpu.memory_space<vmem>>) semaphore(%arg11 : memref<!tpu.dma_semaphore, #tpu.memory_space<semaphore_mem>>)
          %add3A_351 = arith.constant 2 : i32
          %add3A_352 = arith.addi %add3A_186, %add3A_351 : i32
          %mul3A_353 = arith.constant 400 : i32
          %mul3A_354 = arith.muli %add3A_352, %mul3A_353 : i32
          %add3A_355 = arith.constant 160 : i32
          %add3A_356 = arith.addi %mul3A_354, %add3A_355 : i32
          %dma_start3A_357 = arith.constant 2 : i32
          %dma_start3A_358 = arith.constant 0 : i32
          %dma_start3A_359 = arith.constant 0 : i32
          %dma_start3A_360 = tpu.memref_slice %arg8[%dma_start3A_357, %dma_start3A_358, %dma_start3A_359] : memref<3x400x64xf32, #tpu.memory_space<vmem>> -> memref<1x400x64xf32, #tpu.memory_space<vmem>>
          %dma_start3A_361 = tpu.memref_squeeze %dma_start3A_360 : memref<1x400x64xf32, #tpu.memory_space<vmem>> -> memref<400x64xf32, #tpu.memory_space<vmem>>
          %dma_start3A_362 = arith.constant 160 : i32
          %dma_start3A_363 = arith.constant 0 : i32
          %dma_start3A_364 = tpu.memref_slice %dma_start3A_361[%dma_start3A_362, %dma_start3A_363] : memref<400x64xf32, #tpu.memory_space<vmem>> -> memref<80x64xf32, #tpu.memory_space<vmem>>
          %dma_start3A_365 = tpu.memref_slice %arg7[%add3A_356] : memref<25600xi32, #tpu.memory_space<vmem>> -> memref<80xi32, #tpu.memory_space<vmem>>
          %dma_start3A_366 = arith.constant 0 : i32
          %dma_start3A_367 = arith.constant 0 : i32
          %dma_start3A_368 = tpu.memref_slice %arg2[%dma_start3A_366, %dma_start3A_367] : memref<1000000x64xf32, #tpu.memory_space<hbm>> -> memref<1000000x64xf32, #tpu.memory_space<hbm>>
          tpu.enqueue_indirect_dma source(%dma_start3A_368 : memref<1000000x64xf32, #tpu.memory_space<hbm>>) target(%dma_start3A_364 : memref<80x64xf32, #tpu.memory_space<vmem>>) offsets(%dma_start3A_365 : memref<80xi32, #tpu.memory_space<vmem>>) semaphore(%arg11 : memref<!tpu.dma_semaphore, #tpu.memory_space<semaphore_mem>>)
          %add3A_369 = arith.constant 2 : i32
          %add3A_370 = arith.addi %add3A_186, %add3A_369 : i32
          %mul3A_371 = arith.constant 400 : i32
          %mul3A_372 = arith.muli %add3A_370, %mul3A_371 : i32
          %add3A_373 = arith.constant 240 : i32
          %add3A_374 = arith.addi %mul3A_372, %add3A_373 : i32
          %dma_start3A_375 = arith.constant 2 : i32
          %dma_start3A_376 = arith.constant 0 : i32
          %dma_start3A_377 = arith.constant 0 : i32
          %dma_start3A_378 = tpu.memref_slice %arg8[%dma_start3A_375, %dma_start3A_376, %dma_start3A_377] : memref<3x400x64xf32, #tpu.memory_space<vmem>> -> memref<1x400x64xf32, #tpu.memory_space<vmem>>
          %dma_start3A_379 = tpu.memref_squeeze %dma_start3A_378 : memref<1x400x64xf32, #tpu.memory_space<vmem>> -> memref<400x64xf32, #tpu.memory_space<vmem>>
          %dma_start3A_380 = arith.constant 240 : i32
          %dma_start3A_381 = arith.constant 0 : i32
          %dma_start3A_382 = tpu.memref_slice %dma_start3A_379[%dma_start3A_380, %dma_start3A_381] : memref<400x64xf32, #tpu.memory_space<vmem>> -> memref<80x64xf32, #tpu.memory_space<vmem>>
          %dma_start3A_383 = tpu.memref_slice %arg7[%add3A_374] : memref<25600xi32, #tpu.memory_space<vmem>> -> memref<80xi32, #tpu.memory_space<vmem>>
          %dma_start3A_384 = arith.constant 0 : i32
          %dma_start3A_385 = arith.constant 0 : i32
          %dma_start3A_386 = tpu.memref_slice %arg2[%dma_start3A_384, %dma_start3A_385] : memref<1000000x64xf32, #tpu.memory_space<hbm>> -> memref<1000000x64xf32, #tpu.memory_space<hbm>>
          tpu.enqueue_indirect_dma source(%dma_start3A_386 : memref<1000000x64xf32, #tpu.memory_space<hbm>>) target(%dma_start3A_382 : memref<80x64xf32, #tpu.memory_space<vmem>>) offsets(%dma_start3A_383 : memref<80xi32, #tpu.memory_space<vmem>>) semaphore(%arg11 : memref<!tpu.dma_semaphore, #tpu.memory_space<semaphore_mem>>)
          %add3A_387 = arith.constant 2 : i32
          %add3A_388 = arith.addi %add3A_186, %add3A_387 : i32
          %mul3A_389 = arith.constant 400 : i32
          %mul3A_390 = arith.muli %add3A_388, %mul3A_389 : i32
          %add3A_391 = arith.constant 320 : i32
          %add3A_392 = arith.addi %mul3A_390, %add3A_391 : i32
          %dma_start3A_393 = arith.constant 2 : i32
          %dma_start3A_394 = arith.constant 0 : i32
          %dma_start3A_395 = arith.constant 0 : i32
          %dma_start3A_396 = tpu.memref_slice %arg8[%dma_start3A_393, %dma_start3A_394, %dma_start3A_395] : memref<3x400x64xf32, #tpu.memory_space<vmem>> -> memref<1x400x64xf32, #tpu.memory_space<vmem>>
          %dma_start3A_397 = tpu.memref_squeeze %dma_start3A_396 : memref<1x400x64xf32, #tpu.memory_space<vmem>> -> memref<400x64xf32, #tpu.memory_space<vmem>>
          %dma_start3A_398 = arith.constant 320 : i32
          %dma_start3A_399 = arith.constant 0 : i32
          %dma_start3A_400 = tpu.memref_slice %dma_start3A_397[%dma_start3A_398, %dma_start3A_399] : memref<400x64xf32, #tpu.memory_space<vmem>> -> memref<80x64xf32, #tpu.memory_space<vmem>>
          %dma_start3A_401 = tpu.memref_slice %arg7[%add3A_392] : memref<25600xi32, #tpu.memory_space<vmem>> -> memref<80xi32, #tpu.memory_space<vmem>>
          %dma_start3A_402 = arith.constant 0 : i32
          %dma_start3A_403 = arith.constant 0 : i32
          %dma_start3A_404 = tpu.memref_slice %arg2[%dma_start3A_402, %dma_start3A_403] : memref<1000000x64xf32, #tpu.memory_space<hbm>> -> memref<1000000x64xf32, #tpu.memory_space<hbm>>
          tpu.enqueue_indirect_dma source(%dma_start3A_404 : memref<1000000x64xf32, #tpu.memory_space<hbm>>) target(%dma_start3A_400 : memref<80x64xf32, #tpu.memory_space<vmem>>) offsets(%dma_start3A_401 : memref<80xi32, #tpu.memory_space<vmem>>) semaphore(%arg11 : memref<!tpu.dma_semaphore, #tpu.memory_space<semaphore_mem>>)
        } else {
        }
        %mul3A_210 = arith.constant 400 : i32
        %mul3A_211 = arith.muli %add3A_186, %mul3A_210 : i32
        %add3A_212 = arith.constant 0 : i32
        %add3A_213 = arith.addi %mul3A_211, %add3A_212 : i32
        %dma_wait3A_214 = arith.constant 0 : i32
        %dma_wait3A_215 = arith.constant 0 : i32
        %dma_wait3A_216 = arith.constant 0 : i32
        %dma_wait3A_217 = tpu.memref_slice %arg8[%dma_wait3A_214, %dma_wait3A_215, %dma_wait3A_216] : memref<3x400x64xf32, #tpu.memory_space<vmem>> -> memref<1x400x64xf32, #tpu.memory_space<vmem>>
        %dma_wait3A_218 = tpu.memref_squeeze %dma_wait3A_217 : memref<1x400x64xf32, #tpu.memory_space<vmem>> -> memref<400x64xf32, #tpu.memory_space<vmem>>
        %dma_wait3A_219 = arith.constant 0 : i32
        %dma_wait3A_220 = arith.constant 0 : i32
        %dma_wait3A_221 = tpu.memref_slice %dma_wait3A_218[%dma_wait3A_219, %dma_wait3A_220] : memref<400x64xf32, #tpu.memory_space<vmem>> -> memref<80x64xf32, #tpu.memory_space<vmem>>
        %dma_wait3A_222 = tpu.memref_slice %arg7[%add3A_213] : memref<25600xi32, #tpu.memory_space<vmem>> -> memref<80xi32, #tpu.memory_space<vmem>>
        %dma_wait3A_223 = arith.constant 0 : i32
        %dma_wait3A_224 = arith.constant 0 : i32
        %dma_wait3A_225 = tpu.memref_slice %arg2[%dma_wait3A_223, %dma_wait3A_224] : memref<1000000x64xf32, #tpu.memory_space<hbm>> -> memref<1000000x64xf32, #tpu.memory_space<hbm>>
        tpu.wait_indirect_dma semaphore(%arg9 : memref<!tpu.dma_semaphore, #tpu.memory_space<semaphore_mem>>) src(%dma_wait3A_225 : memref<1000000x64xf32, #tpu.memory_space<hbm>>) dst(%dma_wait3A_221 : memref<80x64xf32, #tpu.memory_space<vmem>>)
        %mul3A_226 = arith.constant 400 : i32
        %mul3A_227 = arith.muli %add3A_186, %mul3A_226 : i32
        %add3A_228 = arith.constant 80 : i32
        %add3A_229 = arith.addi %mul3A_227, %add3A_228 : i32
        %dma_wait3A_230 = arith.constant 0 : i32
        %dma_wait3A_231 = arith.constant 0 : i32
        %dma_wait3A_232 = arith.constant 0 : i32
        %dma_wait3A_233 = tpu.memref_slice %arg8[%dma_wait3A_230, %dma_wait3A_231, %dma_wait3A_232] : memref<3x400x64xf32, #tpu.memory_space<vmem>> -> memref<1x400x64xf32, #tpu.memory_space<vmem>>
        %dma_wait3A_234 = tpu.memref_squeeze %dma_wait3A_233 : memref<1x400x64xf32, #tpu.memory_space<vmem>> -> memref<400x64xf32, #tpu.memory_space<vmem>>
        %dma_wait3A_235 = arith.constant 80 : i32
        %dma_wait3A_236 = arith.constant 0 : i32
        %dma_wait3A_237 = tpu.memref_slice %dma_wait3A_234[%dma_wait3A_235, %dma_wait3A_236] : memref<400x64xf32, #tpu.memory_space<vmem>> -> memref<80x64xf32, #tpu.memory_space<vmem>>
        %dma_wait3A_238 = tpu.memref_slice %arg7[%add3A_229] : memref<25600xi32, #tpu.memory_space<vmem>> -> memref<80xi32, #tpu.memory_space<vmem>>
        %dma_wait3A_239 = arith.constant 0 : i32
        %dma_wait3A_240 = arith.constant 0 : i32
        %dma_wait3A_241 = tpu.memref_slice %arg2[%dma_wait3A_239, %dma_wait3A_240] : memref<1000000x64xf32, #tpu.memory_space<hbm>> -> memref<1000000x64xf32, #tpu.memory_space<hbm>>
        tpu.wait_indirect_dma semaphore(%arg9 : memref<!tpu.dma_semaphore, #tpu.memory_space<semaphore_mem>>) src(%dma_wait3A_241 : memref<1000000x64xf32, #tpu.memory_space<hbm>>) dst(%dma_wait3A_237 : memref<80x64xf32, #tpu.memory_space<vmem>>)
        %mul3A_242 = arith.constant 400 : i32
        %mul3A_243 = arith.muli %add3A_186, %mul3A_242 : i32
        %add3A_244 = arith.constant 160 : i32
        %add3A_245 = arith.addi %mul3A_243, %add3A_244 : i32
        %dma_wait3A_246 = arith.constant 0 : i32
        %dma_wait3A_247 = arith.constant 0 : i32
        %dma_wait3A_248 = arith.constant 0 : i32
        %dma_wait3A_249 = tpu.memref_slice %arg8[%dma_wait3A_246, %dma_wait3A_247, %dma_wait3A_248] : memref<3x400x64xf32, #tpu.memory_space<vmem>> -> memref<1x400x64xf32, #tpu.memory_space<vmem>>
        %dma_wait3A_250 = tpu.memref_squeeze %dma_wait3A_249 : memref<1x400x64xf32, #tpu.memory_space<vmem>> -> memref<400x64xf32, #tpu.memory_space<vmem>>
        %dma_wait3A_251 = arith.constant 160 : i32
        %dma_wait3A_252 = arith.constant 0 : i32
        %dma_wait3A_253 = tpu.memref_slice %dma_wait3A_250[%dma_wait3A_251, %dma_wait3A_252] : memref<400x64xf32, #tpu.memory_space<vmem>> -> memref<80x64xf32, #tpu.memory_space<vmem>>
        %dma_wait3A_254 = tpu.memref_slice %arg7[%add3A_245] : memref<25600xi32, #tpu.memory_space<vmem>> -> memref<80xi32, #tpu.memory_space<vmem>>
        %dma_wait3A_255 = arith.constant 0 : i32
        %dma_wait3A_256 = arith.constant 0 : i32
        %dma_wait3A_257 = tpu.memref_slice %arg2[%dma_wait3A_255, %dma_wait3A_256] : memref<1000000x64xf32, #tpu.memory_space<hbm>> -> memref<1000000x64xf32, #tpu.memory_space<hbm>>
        tpu.wait_indirect_dma semaphore(%arg9 : memref<!tpu.dma_semaphore, #tpu.memory_space<semaphore_mem>>) src(%dma_wait3A_257 : memref<1000000x64xf32, #tpu.memory_space<hbm>>) dst(%dma_wait3A_253 : memref<80x64xf32, #tpu.memory_space<vmem>>)
        %mul3A_258 = arith.constant 400 : i32
        %mul3A_259 = arith.muli %add3A_186, %mul3A_258 : i32
        %add3A_260 = arith.constant 240 : i32
        %add3A_261 = arith.addi %mul3A_259, %add3A_260 : i32
        %dma_wait3A_262 = arith.constant 0 : i32
        %dma_wait3A_263 = arith.constant 0 : i32
        %dma_wait3A_264 = arith.constant 0 : i32
        %dma_wait3A_265 = tpu.memref_slice %arg8[%dma_wait3A_262, %dma_wait3A_263, %dma_wait3A_264] : memref<3x400x64xf32, #tpu.memory_space<vmem>> -> memref<1x400x64xf32, #tpu.memory_space<vmem>>
        %dma_wait3A_266 = tpu.memref_squeeze %dma_wait3A_265 : memref<1x400x64xf32, #tpu.memory_space<vmem>> -> memref<400x64xf32, #tpu.memory_space<vmem>>
        %dma_wait3A_267 = arith.constant 240 : i32
        %dma_wait3A_268 = arith.constant 0 : i32
        %dma_wait3A_269 = tpu.memref_slice %dma_wait3A_266[%dma_wait3A_267, %dma_wait3A_268] : memref<400x64xf32, #tpu.memory_space<vmem>> -> memref<80x64xf32, #tpu.memory_space<vmem>>
        %dma_wait3A_270 = tpu.memref_slice %arg7[%add3A_261] : memref<25600xi32, #tpu.memory_space<vmem>> -> memref<80xi32, #tpu.memory_space<vmem>>
        %dma_wait3A_271 = arith.constant 0 : i32
        %dma_wait3A_272 = arith.constant 0 : i32
        %dma_wait3A_273 = tpu.memref_slice %arg2[%dma_wait3A_271, %dma_wait3A_272] : memref<1000000x64xf32, #tpu.memory_space<hbm>> -> memref<1000000x64xf32, #tpu.memory_space<hbm>>
        tpu.wait_indirect_dma semaphore(%arg9 : memref<!tpu.dma_semaphore, #tpu.memory_space<semaphore_mem>>) src(%dma_wait3A_273 : memref<1000000x64xf32, #tpu.memory_space<hbm>>) dst(%dma_wait3A_269 : memref<80x64xf32, #tpu.memory_space<vmem>>)
        %mul3A_274 = arith.constant 400 : i32
        %mul3A_275 = arith.muli %add3A_186, %mul3A_274 : i32
        %add3A_276 = arith.constant 320 : i32
        %add3A_277 = arith.addi %mul3A_275, %add3A_276 : i32
        %dma_wait3A_278 = arith.constant 0 : i32
        %dma_wait3A_279 = arith.constant 0 : i32
        %dma_wait3A_280 = arith.constant 0 : i32
        %dma_wait3A_281 = tpu.memref_slice %arg8[%dma_wait3A_278, %dma_wait3A_279, %dma_wait3A_280] : memref<3x400x64xf32, #tpu.memory_space<vmem>> -> memref<1x400x64xf32, #tpu.memory_space<vmem>>
        %dma_wait3A_282 = tpu.memref_squeeze %dma_wait3A_281 : memref<1x400x64xf32, #tpu.memory_space<vmem>> -> memref<400x64xf32, #tpu.memory_space<vmem>>
        %dma_wait3A_283 = arith.constant 320 : i32
        %dma_wait3A_284 = arith.constant 0 : i32
        %dma_wait3A_285 = tpu.memref_slice %dma_wait3A_282[%dma_wait3A_283, %dma_wait3A_284] : memref<400x64xf32, #tpu.memory_space<vmem>> -> memref<80x64xf32, #tpu.memory_space<vmem>>
        %dma_wait3A_286 = tpu.memref_slice %arg7[%add3A_277] : memref<25600xi32, #tpu.memory_space<vmem>> -> memref<80xi32, #tpu.memory_space<vmem>>
        %dma_wait3A_287 = arith.constant 0 : i32
        %dma_wait3A_288 = arith.constant 0 : i32
        %dma_wait3A_289 = tpu.memref_slice %arg2[%dma_wait3A_287, %dma_wait3A_288] : memref<1000000x64xf32, #tpu.memory_space<hbm>> -> memref<1000000x64xf32, #tpu.memory_space<hbm>>
        tpu.wait_indirect_dma semaphore(%arg9 : memref<!tpu.dma_semaphore, #tpu.memory_space<semaphore_mem>>) src(%dma_wait3A_289 : memref<1000000x64xf32, #tpu.memory_space<hbm>>) dst(%dma_wait3A_285 : memref<80x64xf32, #tpu.memory_space<vmem>>)
        %scan3A_290 = arith.constant 0 : i32
        %scan3A_291 = arith.constant 200 : i32
        %scan3A_292 = arith.addi %scan3A_290, %scan3A_291 : i32
        %scan3A_293 = arith.constant 2 : i32
        scf.for %scan3A_311 = %scan3A_290 to %scan3A_292 step %scan3A_293  : i32 {
          %mul3A_312 = arith.constant 1 : i32
          %mul3A_313 = arith.muli %scan3A_311, %mul3A_312 : i32
          %add3A_314 = arith.constant 0 : i32
          %add3A_315 = arith.addi %add3A_314, %mul3A_313 : i32
          %get3A = arith.index_cast %add3A_315 : i32 to index
          %get3A_316 = arith.constant 0 : index
          %get3A_317 = tpu.vector_load %arg6[%get3A, %get3A_316] {strides = array<i32>} : memref<200x64xf32, #tpu.memory_space<vmem>>, vector<1x16xf32>,
          %get3A_318 = vector.shape_cast %get3A_317 : vector<1x16xf32> to vector<16xf32>
          %get3A_319 = arith.constant 0 : i32
          %get3A_320 = arith.index_cast %get3A_319 : i32 to index
          %get3A_321 = arith.index_cast %add3A_315 : i32 to index
          %get3A_322 = arith.constant 0 : index
          %get3A_323 = tpu.vector_load %arg8[%get3A_320, %get3A_321, %get3A_322] {strides = array<i32>} : memref<3x400x64xf32, #tpu.memory_space<vmem>>, vector<1x1x16xf32>,
          %get3A_324 = vector.shape_cast %get3A_323 : vector<1x1x16xf32> to vector<16xf32>
          %mul3A_325 = arith.constant 8.000000e+00 : f32
          %mul3A_326 = vector.broadcast %mul3A_325 : f32 to vector<16xf32>
          %mul3A_327 = arith.mulf %get3A_324, %mul3A_326 : vector<16xf32>
          %add3A_328 = arith.addf %mul3A_327, %get3A_318 : vector<16xf32>
          %swap3A = arith.constant 0 : i32
          %swap3A_329 = arith.index_cast %swap3A : i32 to index
          %swap3A_330 = arith.index_cast %add3A_315 : i32 to index
          %swap3A_331 = arith.constant 0 : index
          %swap3A_332 = tpu.vector_load %arg8[%swap3A_329, %swap3A_330, %swap3A_331] {strides = array<i32>} : memref<3x400x64xf32, #tpu.memory_space<vmem>>, vector<1x1x16xf32>,
          %swap3A_333 = vector.shape_cast %swap3A_332 : vector<1x1x16xf32> to vector<16xf32>
          %swap3A_334 = vector.shape_cast %add3A_328 : vector<16xf32> to vector<1x1x16xf32>
          tpu.vector_store %arg8[%swap3A_329, %swap3A_330, %swap3A_331], %swap3A_334 {strides = array<i32>} : memref<3x400x64xf32, #tpu.memory_space<vmem>>, vector<1x1x16xf32>,
          %add3A_335 = arith.constant 200 : i32
          %add3A_336 = arith.addi %add3A_335, %add3A_315 : i32
          %get3A_337 = arith.constant 0 : i32
          %get3A_338 = arith.index_cast %get3A_337 : i32 to index
          %get3A_339 = arith.index_cast %add3A_336 : i32 to index
          %get3A_340 = arith.constant 0 : index
          %get3A_341 = tpu.vector_load %arg8[%get3A_338, %get3A_339, %get3A_340] {strides = array<i32>} : memref<3x400x64xf32, #tpu.memory_space<vmem>>, vector<1x1x16xf32>,
          %get3A_342 = vector.shape_cast %get3A_341 : vector<1x1x16xf32> to vector<16xf32>
          %mul3A_343 = arith.constant 8.000000e+00 : f32
          %mul3A_344 = vector.broadcast %mul3A_343 : f32 to vector<16xf32>
          %mul3A_345 = arith.mulf %get3A_342, %mul3A_344 : vector<16xf32>
          %add3A_346 = arith.addf %mul3A_345, %get3A_318 : vector<16xf32>
          %add3A_347 = arith.constant 200 : i32
          %add3A_348 = arith.addi %add3A_347, %add3A_315 : i32
          %swap3A_349 = arith.constant 0 : i32
          %swap3A_350 = arith.index_cast %swap3A_349 : i32 to index
          %swap3A_351 = arith.index_cast %add3A_348 : i32 to index
          %swap3A_352 = arith.constant 0 : index
          %swap3A_353 = tpu.vector_load %arg8[%swap3A_350, %swap3A_351, %swap3A_352] {strides = array<i32>} : memref<3x400x64xf32, #tpu.memory_space<vmem>>, vector<1x1x16xf32>,
          %swap3A_354 = vector.shape_cast %swap3A_353 : vector<1x1x16xf32> to vector<16xf32>
          %swap3A_355 = vector.shape_cast %add3A_346 : vector<16xf32> to vector<1x1x16xf32>
          tpu.vector_store %arg8[%swap3A_350, %swap3A_351, %swap3A_352], %swap3A_355 {strides = array<i32>} : memref<3x400x64xf32, #tpu.memory_space<vmem>>, vector<1x1x16xf32>,
          %get3A_356 = arith.index_cast %add3A_315 : i32 to index
          %get3A_357 = arith.constant 16 : index
          %get3A_358 = tpu.vector_load %arg6[%get3A_356, %get3A_357] {strides = array<i32>} : memref<200x64xf32, #tpu.memory_space<vmem>>, vector<1x16xf32>,
          %get3A_359 = vector.shape_cast %get3A_358 : vector<1x16xf32> to vector<16xf32>
          %get3A_360 = arith.constant 0 : i32
          %get3A_361 = arith.index_cast %get3A_360 : i32 to index
          %get3A_362 = arith.index_cast %add3A_315 : i32 to index
          %get3A_363 = arith.constant 16 : index
          %get3A_364 = tpu.vector_load %arg8[%get3A_361, %get3A_362, %get3A_363] {strides = array<i32>} : memref<3x400x64xf32, #tpu.memory_space<vmem>>, vector<1x1x16xf32>,
          %get3A_365 = vector.shape_cast %get3A_364 : vector<1x1x16xf32> to vector<16xf32>
          %mul3A_366 = arith.constant 8.000000e+00 : f32
          %mul3A_367 = vector.broadcast %mul3A_366 : f32 to vector<16xf32>
          %mul3A_368 = arith.mulf %get3A_365, %mul3A_367 : vector<16xf32>
          %add3A_369 = arith.addf %mul3A_368, %get3A_359 : vector<16xf32>
          %swap3A_370 = arith.constant 0 : i32
          %swap3A_371 = arith.index_cast %swap3A_370 : i32 to index
          %swap3A_372 = arith.index_cast %add3A_315 : i32 to index
          %swap3A_373 = arith.constant 16 : index
          %swap3A_374 = tpu.vector_load %arg8[%swap3A_371, %swap3A_372, %swap3A_373] {strides = array<i32>} : memref<3x400x64xf32, #tpu.memory_space<vmem>>, vector<1x1x16xf32>,
          %swap3A_375 = vector.shape_cast %swap3A_374 : vector<1x1x16xf32> to vector<16xf32>
          %swap3A_376 = vector.shape_cast %add3A_369 : vector<16xf32> to vector<1x1x16xf32>
          tpu.vector_store %arg8[%swap3A_371, %swap3A_372, %swap3A_373], %swap3A_376 {strides = array<i32>} : memref<3x400x64xf32, #tpu.memory_space<vmem>>, vector<1x1x16xf32>,
          %add3A_377 = arith.constant 200 : i32
          %add3A_378 = arith.addi %add3A_377, %add3A_315 : i32
          %get3A_379 = arith.constant 0 : i32
          %get3A_380 = arith.index_cast %get3A_379 : i32 to index
          %get3A_381 = arith.index_cast %add3A_378 : i32 to index
          %get3A_382 = arith.constant 16 : index
          %get3A_383 = tpu.vector_load %arg8[%get3A_380, %get3A_381, %get3A_382] {strides = array<i32>} : memref<3x400x64xf32, #tpu.memory_space<vmem>>, vector<1x1x16xf32>,
          %get3A_384 = vector.shape_cast %get3A_383 : vector<1x1x16xf32> to vector<16xf32>
          %mul3A_385 = arith.constant 8.000000e+00 : f32
          %mul3A_386 = vector.broadcast %mul3A_385 : f32 to vector<16xf32>
          %mul3A_387 = arith.mulf %get3A_384, %mul3A_386 : vector<16xf32>
          %add3A_388 = arith.addf %mul3A_387, %get3A_359 : vector<16xf32>
          %add3A_389 = arith.constant 200 : i32
          %add3A_390 = arith.addi %add3A_389, %add3A_315 : i32
          %swap3A_391 = arith.constant 0 : i32
          %swap3A_392 = arith.index_cast %swap3A_391 : i32 to index
          %swap3A_393 = arith.index_cast %add3A_390 : i32 to index
          %swap3A_394 = arith.constant 16 : index
          %swap3A_395 = tpu.vector_load %arg8[%swap3A_392, %swap3A_393, %swap3A_394] {strides = array<i32>} : memref<3x400x64xf32, #tpu.memory_space<vmem>>, vector<1x1x16xf32>,
          %swap3A_396 = vector.shape_cast %swap3A_395 : vector<1x1x16xf32> to vector<16xf32>
          %swap3A_397 = vector.shape_cast %add3A_388 : vector<16xf32> to vector<1x1x16xf32>
          tpu.vector_store %arg8[%swap3A_392, %swap3A_393, %swap3A_394], %swap3A_397 {strides = array<i32>} : memref<3x400x64xf32, #tpu.memory_space<vmem>>, vector<1x1x16xf32>,
          %get3A_398 = arith.index_cast %add3A_315 : i32 to index
          %get3A_399 = arith.constant 32 : index
          %get3A_400 = tpu.vector_load %arg6[%get3A_398, %get3A_399] {strides = array<i32>} : memref<200x64xf32, #tpu.memory_space<vmem>>, vector<1x16xf32>,
          %get3A_401 = vector.shape_cast %get3A_400 : vector<1x16xf32> to vector<16xf32>
          %get3A_402 = arith.constant 0 : i32
          %get3A_403 = arith.index_cast %get3A_402 : i32 to index
          %get3A_404 = arith.index_cast %add3A_315 : i32 to index
          %get3A_405 = arith.constant 32 : index
          %get3A_406 = tpu.vector_load %arg8[%get3A_403, %get3A_404, %get3A_405] {strides = array<i32>} : memref<3x400x64xf32, #tpu.memory_space<vmem>>, vector<1x1x16xf32>,
          %get3A_407 = vector.shape_cast %get3A_406 : vector<1x1x16xf32> to vector<16xf32>
          %mul3A_408 = arith.constant 8.000000e+00 : f32
          %mul3A_409 = vector.broadcast %mul3A_408 : f32 to vector<16xf32>
          %mul3A_410 = arith.mulf %get3A_407, %mul3A_409 : vector<16xf32>
          %add3A_411 = arith.addf %mul3A_410, %get3A_401 : vector<16xf32>
          %swap3A_412 = arith.constant 0 : i32
          %swap3A_413 = arith.index_cast %swap3A_412 : i32 to index
          %swap3A_414 = arith.index_cast %add3A_315 : i32 to index
          %swap3A_415 = arith.constant 32 : index
          %swap3A_416 = tpu.vector_load %arg8[%swap3A_413, %swap3A_414, %swap3A_415] {strides = array<i32>} : memref<3x400x64xf32, #tpu.memory_space<vmem>>, vector<1x1x16xf32>,
          %swap3A_417 = vector.shape_cast %swap3A_416 : vector<1x1x16xf32> to vector<16xf32>
          %swap3A_418 = vector.shape_cast %add3A_411 : vector<16xf32> to vector<1x1x16xf32>
          tpu.vector_store %arg8[%swap3A_413, %swap3A_414, %swap3A_415], %swap3A_418 {strides = array<i32>} : memref<3x400x64xf32, #tpu.memory_space<vmem>>, vector<1x1x16xf32>,
          %add3A_419 = arith.constant 200 : i32
          %add3A_420 = arith.addi %add3A_419, %add3A_315 : i32
          %get3A_421 = arith.constant 0 : i32
          %get3A_422 = arith.index_cast %get3A_421 : i32 to index
          %get3A_423 = arith.index_cast %add3A_420 : i32 to index
          %get3A_424 = arith.constant 32 : index
          %get3A_425 = tpu.vector_load %arg8[%get3A_422, %get3A_423, %get3A_424] {strides = array<i32>} : memref<3x400x64xf32, #tpu.memory_space<vmem>>, vector<1x1x16xf32>,
          %get3A_426 = vector.shape_cast %get3A_425 : vector<1x1x16xf32> to vector<16xf32>
          %mul3A_427 = arith.constant 8.000000e+00 : f32
          %mul3A_428 = vector.broadcast %mul3A_427 : f32 to vector<16xf32>
          %mul3A_429 = arith.mulf %get3A_426, %mul3A_428 : vector<16xf32>
          %add3A_430 = arith.addf %mul3A_429, %get3A_401 : vector<16xf32>
          %add3A_431 = arith.constant 200 : i32
          %add3A_432 = arith.addi %add3A_431, %add3A_315 : i32
          %swap3A_433 = arith.constant 0 : i32
          %swap3A_434 = arith.index_cast %swap3A_433 : i32 to index
          %swap3A_435 = arith.index_cast %add3A_432 : i32 to index
          %swap3A_436 = arith.constant 32 : index
          %swap3A_437 = tpu.vector_load %arg8[%swap3A_434, %swap3A_435, %swap3A_436] {strides = array<i32>} : memref<3x400x64xf32, #tpu.memory_space<vmem>>, vector<1x1x16xf32>,
          %swap3A_438 = vector.shape_cast %swap3A_437 : vector<1x1x16xf32> to vector<16xf32>
          %swap3A_439 = vector.shape_cast %add3A_430 : vector<16xf32> to vector<1x1x16xf32>
          tpu.vector_store %arg8[%swap3A_434, %swap3A_435, %swap3A_436], %swap3A_439 {strides = array<i32>} : memref<3x400x64xf32, #tpu.memory_space<vmem>>, vector<1x1x16xf32>,
          %get3A_440 = arith.index_cast %add3A_315 : i32 to index
          %get3A_441 = arith.constant 48 : index
          %get3A_442 = tpu.vector_load %arg6[%get3A_440, %get3A_441] {strides = array<i32>} : memref<200x64xf32, #tpu.memory_space<vmem>>, vector<1x16xf32>,
          %get3A_443 = vector.shape_cast %get3A_442 : vector<1x16xf32> to vector<16xf32>
          %get3A_444 = arith.constant 0 : i32
          %get3A_445 = arith.index_cast %get3A_444 : i32 to index
          %get3A_446 = arith.index_cast %add3A_315 : i32 to index
          %get3A_447 = arith.constant 48 : index
          %get3A_448 = tpu.vector_load %arg8[%get3A_445, %get3A_446, %get3A_447] {strides = array<i32>} : memref<3x400x64xf32, #tpu.memory_space<vmem>>, vector<1x1x16xf32>,
          %get3A_449 = vector.shape_cast %get3A_448 : vector<1x1x16xf32> to vector<16xf32>
          %mul3A_450 = arith.constant 8.000000e+00 : f32
          %mul3A_451 = vector.broadcast %mul3A_450 : f32 to vector<16xf32>
          %mul3A_452 = arith.mulf %get3A_449, %mul3A_451 : vector<16xf32>
          %add3A_453 = arith.addf %mul3A_452, %get3A_443 : vector<16xf32>
          %swap3A_454 = arith.constant 0 : i32
          %swap3A_455 = arith.index_cast %swap3A_454 : i32 to index
          %swap3A_456 = arith.index_cast %add3A_315 : i32 to index
          %swap3A_457 = arith.constant 48 : index
          %swap3A_458 = tpu.vector_load %arg8[%swap3A_455, %swap3A_456, %swap3A_457] {strides = array<i32>} : memref<3x400x64xf32, #tpu.memory_space<vmem>>, vector<1x1x16xf32>,
          %swap3A_459 = vector.shape_cast %swap3A_458 : vector<1x1x16xf32> to vector<16xf32>
          %swap3A_460 = vector.shape_cast %add3A_453 : vector<16xf32> to vector<1x1x16xf32>
          tpu.vector_store %arg8[%swap3A_455, %swap3A_456, %swap3A_457], %swap3A_460 {strides = array<i32>} : memref<3x400x64xf32, #tpu.memory_space<vmem>>, vector<1x1x16xf32>,
          %add3A_461 = arith.constant 200 : i32
          %add3A_462 = arith.addi %add3A_461, %add3A_315 : i32
          %get3A_463 = arith.constant 0 : i32
          %get3A_464 = arith.index_cast %get3A_463 : i32 to index
          %get3A_465 = arith.index_cast %add3A_462 : i32 to index
          %get3A_466 = arith.constant 48 : index
          %get3A_467 = tpu.vector_load %arg8[%get3A_464, %get3A_465, %get3A_466] {strides = array<i32>} : memref<3x400x64xf32, #tpu.memory_space<vmem>>, vector<1x1x16xf32>,
          %get3A_468 = vector.shape_cast %get3A_467 : vector<1x1x16xf32> to vector<16xf32>
          %mul3A_469 = arith.constant 8.000000e+00 : f32
          %mul3A_470 = vector.broadcast %mul3A_469 : f32 to vector<16xf32>
          %mul3A_471 = arith.mulf %get3A_468, %mul3A_470 : vector<16xf32>
          %add3A_472 = arith.addf %mul3A_471, %get3A_443 : vector<16xf32>
          %add3A_473 = arith.constant 200 : i32
          %add3A_474 = arith.addi %add3A_473, %add3A_315 : i32
          %swap3A_475 = arith.constant 0 : i32
          %swap3A_476 = arith.index_cast %swap3A_475 : i32 to index
          %swap3A_477 = arith.index_cast %add3A_474 : i32 to index
          %swap3A_478 = arith.constant 48 : index
          %swap3A_479 = tpu.vector_load %arg8[%swap3A_476, %swap3A_477, %swap3A_478] {strides = array<i32>} : memref<3x400x64xf32, #tpu.memory_space<vmem>>, vector<1x1x16xf32>,
          %swap3A_480 = vector.shape_cast %swap3A_479 : vector<1x1x16xf32> to vector<16xf32>
          %swap3A_481 = vector.shape_cast %add3A_472 : vector<16xf32> to vector<1x1x16xf32>
          tpu.vector_store %arg8[%swap3A_476, %swap3A_477, %swap3A_478], %swap3A_481 {strides = array<i32>} : memref<3x400x64xf32, #tpu.memory_space<vmem>>, vector<1x1x16xf32>,
          %scan3A_482 = arith.constant 1 : i32
          %scan3A_483 = arith.addi %scan3A_311, %scan3A_482 : i32
          %mul3A_484 = arith.constant 1 : i32
          %mul3A_485 = arith.muli %scan3A_483, %mul3A_484 : i32
          %add3A_486 = arith.constant 0 : i32
          %add3A_487 = arith.addi %add3A_486, %mul3A_485 : i32
          %get3A_488 = arith.index_cast %add3A_487 : i32 to index
          %get3A_489 = arith.constant 0 : index
          %get3A_490 = tpu.vector_load %arg6[%get3A_488, %get3A_489] {strides = array<i32>} : memref<200x64xf32, #tpu.memory_space<vmem>>, vector<1x16xf32>,
          %get3A_491 = vector.shape_cast %get3A_490 : vector<1x16xf32> to vector<16xf32>
          %get3A_492 = arith.constant 0 : i32
          %get3A_493 = arith.index_cast %get3A_492 : i32 to index
          %get3A_494 = arith.index_cast %add3A_487 : i32 to index
          %get3A_495 = arith.constant 0 : index
          %get3A_496 = tpu.vector_load %arg8[%get3A_493, %get3A_494, %get3A_495] {strides = array<i32>} : memref<3x400x64xf32, #tpu.memory_space<vmem>>, vector<1x1x16xf32>,
          %get3A_497 = vector.shape_cast %get3A_496 : vector<1x1x16xf32> to vector<16xf32>
          %mul3A_498 = arith.constant 8.000000e+00 : f32
          %mul3A_499 = vector.broadcast %mul3A_498 : f32 to vector<16xf32>
          %mul3A_500 = arith.mulf %get3A_497, %mul3A_499 : vector<16xf32>
          %add3A_501 = arith.addf %mul3A_500, %get3A_491 : vector<16xf32>
          %swap3A_502 = arith.constant 0 : i32
          %swap3A_503 = arith.index_cast %swap3A_502 : i32 to index
          %swap3A_504 = arith.index_cast %add3A_487 : i32 to index
          %swap3A_505 = arith.constant 0 : index
          %swap3A_506 = tpu.vector_load %arg8[%swap3A_503, %swap3A_504, %swap3A_505] {strides = array<i32>} : memref<3x400x64xf32, #tpu.memory_space<vmem>>, vector<1x1x16xf32>,
          %swap3A_507 = vector.shape_cast %swap3A_506 : vector<1x1x16xf32> to vector<16xf32>
          %swap3A_508 = vector.shape_cast %add3A_501 : vector<16xf32> to vector<1x1x16xf32>
          tpu.vector_store %arg8[%swap3A_503, %swap3A_504, %swap3A_505], %swap3A_508 {strides = array<i32>} : memref<3x400x64xf32, #tpu.memory_space<vmem>>, vector<1x1x16xf32>,
          %add3A_509 = arith.constant 200 : i32
          %add3A_510 = arith.addi %add3A_509, %add3A_487 : i32
          %get3A_511 = arith.constant 0 : i32
          %get3A_512 = arith.index_cast %get3A_511 : i32 to index
          %get3A_513 = arith.index_cast %add3A_510 : i32 to index
          %get3A_514 = arith.constant 0 : index
          %get3A_515 = tpu.vector_load %arg8[%get3A_512, %get3A_513, %get3A_514] {strides = array<i32>} : memref<3x400x64xf32, #tpu.memory_space<vmem>>, vector<1x1x16xf32>,
          %get3A_516 = vector.shape_cast %get3A_515 : vector<1x1x16xf32> to vector<16xf32>
          %mul3A_517 = arith.constant 8.000000e+00 : f32
          %mul3A_518 = vector.broadcast %mul3A_517 : f32 to vector<16xf32>
          %mul3A_519 = arith.mulf %get3A_516, %mul3A_518 : vector<16xf32>
          %add3A_520 = arith.addf %mul3A_519, %get3A_491 : vector<16xf32>
          %add3A_521 = arith.constant 200 : i32
          %add3A_522 = arith.addi %add3A_521, %add3A_487 : i32
          %swap3A_523 = arith.constant 0 : i32
          %swap3A_524 = arith.index_cast %swap3A_523 : i32 to index
          %swap3A_525 = arith.index_cast %add3A_522 : i32 to index
          %swap3A_526 = arith.constant 0 : index
          %swap3A_527 = tpu.vector_load %arg8[%swap3A_524, %swap3A_525, %swap3A_526] {strides = array<i32>} : memref<3x400x64xf32, #tpu.memory_space<vmem>>, vector<1x1x16xf32>,
          %swap3A_528 = vector.shape_cast %swap3A_527 : vector<1x1x16xf32> to vector<16xf32>
          %swap3A_529 = vector.shape_cast %add3A_520 : vector<16xf32> to vector<1x1x16xf32>
          tpu.vector_store %arg8[%swap3A_524, %swap3A_525, %swap3A_526], %swap3A_529 {strides = array<i32>} : memref<3x400x64xf32, #tpu.memory_space<vmem>>, vector<1x1x16xf32>,
          %get3A_530 = arith.index_cast %add3A_487 : i32 to index
          %get3A_531 = arith.constant 16 : index
          %get3A_532 = tpu.vector_load %arg6[%get3A_530, %get3A_531] {strides = array<i32>} : memref<200x64xf32, #tpu.memory_space<vmem>>, vector<1x16xf32>,
          %get3A_533 = vector.shape_cast %get3A_532 : vector<1x16xf32> to vector<16xf32>
          %get3A_534 = arith.constant 0 : i32
          %get3A_535 = arith.index_cast %get3A_534 : i32 to index
          %get3A_536 = arith.index_cast %add3A_487 : i32 to index
          %get3A_537 = arith.constant 16 : index
          %get3A_538 = tpu.vector_load %arg8[%get3A_535, %get3A_536, %get3A_537] {strides = array<i32>} : memref<3x400x64xf32, #tpu.memory_space<vmem>>, vector<1x1x16xf32>,
          %get3A_539 = vector.shape_cast %get3A_538 : vector<1x1x16xf32> to vector<16xf32>
          %mul3A_540 = arith.constant 8.000000e+00 : f32
          %mul3A_541 = vector.broadcast %mul3A_540 : f32 to vector<16xf32>
          %mul3A_542 = arith.mulf %get3A_539, %mul3A_541 : vector<16xf32>
          %add3A_543 = arith.addf %mul3A_542, %get3A_533 : vector<16xf32>
          %swap3A_544 = arith.constant 0 : i32
          %swap3A_545 = arith.index_cast %swap3A_544 : i32 to index
          %swap3A_546 = arith.index_cast %add3A_487 : i32 to index
          %swap3A_547 = arith.constant 16 : index
          %swap3A_548 = tpu.vector_load %arg8[%swap3A_545, %swap3A_546, %swap3A_547] {strides = array<i32>} : memref<3x400x64xf32, #tpu.memory_space<vmem>>, vector<1x1x16xf32>,
          %swap3A_549 = vector.shape_cast %swap3A_548 : vector<1x1x16xf32> to vector<16xf32>
          %swap3A_550 = vector.shape_cast %add3A_543 : vector<16xf32> to vector<1x1x16xf32>
          tpu.vector_store %arg8[%swap3A_545, %swap3A_546, %swap3A_547], %swap3A_550 {strides = array<i32>} : memref<3x400x64xf32, #tpu.memory_space<vmem>>, vector<1x1x16xf32>,
          %add3A_551 = arith.constant 200 : i32
          %add3A_552 = arith.addi %add3A_551, %add3A_487 : i32
          %get3A_553 = arith.constant 0 : i32
          %get3A_554 = arith.index_cast %get3A_553 : i32 to index
          %get3A_555 = arith.index_cast %add3A_552 : i32 to index
          %get3A_556 = arith.constant 16 : index
          %get3A_557 = tpu.vector_load %arg8[%get3A_554, %get3A_555, %get3A_556] {strides = array<i32>} : memref<3x400x64xf32, #tpu.memory_space<vmem>>, vector<1x1x16xf32>,
          %get3A_558 = vector.shape_cast %get3A_557 : vector<1x1x16xf32> to vector<16xf32>
          %mul3A_559 = arith.constant 8.000000e+00 : f32
          %mul3A_560 = vector.broadcast %mul3A_559 : f32 to vector<16xf32>
          %mul3A_561 = arith.mulf %get3A_558, %mul3A_560 : vector<16xf32>
          %add3A_562 = arith.addf %mul3A_561, %get3A_533 : vector<16xf32>
          %add3A_563 = arith.constant 200 : i32
          %add3A_564 = arith.addi %add3A_563, %add3A_487 : i32
          %swap3A_565 = arith.constant 0 : i32
          %swap3A_566 = arith.index_cast %swap3A_565 : i32 to index
          %swap3A_567 = arith.index_cast %add3A_564 : i32 to index
          %swap3A_568 = arith.constant 16 : index
          %swap3A_569 = tpu.vector_load %arg8[%swap3A_566, %swap3A_567, %swap3A_568] {strides = array<i32>} : memref<3x400x64xf32, #tpu.memory_space<vmem>>, vector<1x1x16xf32>,
          %swap3A_570 = vector.shape_cast %swap3A_569 : vector<1x1x16xf32> to vector<16xf32>
          %swap3A_571 = vector.shape_cast %add3A_562 : vector<16xf32> to vector<1x1x16xf32>
          tpu.vector_store %arg8[%swap3A_566, %swap3A_567, %swap3A_568], %swap3A_571 {strides = array<i32>} : memref<3x400x64xf32, #tpu.memory_space<vmem>>, vector<1x1x16xf32>,
          %get3A_572 = arith.index_cast %add3A_487 : i32 to index
          %get3A_573 = arith.constant 32 : index
          %get3A_574 = tpu.vector_load %arg6[%get3A_572, %get3A_573] {strides = array<i32>} : memref<200x64xf32, #tpu.memory_space<vmem>>, vector<1x16xf32>,
          %get3A_575 = vector.shape_cast %get3A_574 : vector<1x16xf32> to vector<16xf32>
          %get3A_576 = arith.constant 0 : i32
          %get3A_577 = arith.index_cast %get3A_576 : i32 to index
          %get3A_578 = arith.index_cast %add3A_487 : i32 to index
          %get3A_579 = arith.constant 32 : index
          %get3A_580 = tpu.vector_load %arg8[%get3A_577, %get3A_578, %get3A_579] {strides = array<i32>} : memref<3x400x64xf32, #tpu.memory_space<vmem>>, vector<1x1x16xf32>,
          %get3A_581 = vector.shape_cast %get3A_580 : vector<1x1x16xf32> to vector<16xf32>
          %mul3A_582 = arith.constant 8.000000e+00 : f32
          %mul3A_583 = vector.broadcast %mul3A_582 : f32 to vector<16xf32>
          %mul3A_584 = arith.mulf %get3A_581, %mul3A_583 : vector<16xf32>
          %add3A_585 = arith.addf %mul3A_584, %get3A_575 : vector<16xf32>
          %swap3A_586 = arith.constant 0 : i32
          %swap3A_587 = arith.index_cast %swap3A_586 : i32 to index
          %swap3A_588 = arith.index_cast %add3A_487 : i32 to index
          %swap3A_589 = arith.constant 32 : index
          %swap3A_590 = tpu.vector_load %arg8[%swap3A_587, %swap3A_588, %swap3A_589] {strides = array<i32>} : memref<3x400x64xf32, #tpu.memory_space<vmem>>, vector<1x1x16xf32>,
          %swap3A_591 = vector.shape_cast %swap3A_590 : vector<1x1x16xf32> to vector<16xf32>
          %swap3A_592 = vector.shape_cast %add3A_585 : vector<16xf32> to vector<1x1x16xf32>
          tpu.vector_store %arg8[%swap3A_587, %swap3A_588, %swap3A_589], %swap3A_592 {strides = array<i32>} : memref<3x400x64xf32, #tpu.memory_space<vmem>>, vector<1x1x16xf32>,
          %add3A_593 = arith.constant 200 : i32
          %add3A_594 = arith.addi %add3A_593, %add3A_487 : i32
          %get3A_595 = arith.constant 0 : i32
          %get3A_596 = arith.index_cast %get3A_595 : i32 to index
          %get3A_597 = arith.index_cast %add3A_594 : i32 to index
          %get3A_598 = arith.constant 32 : index
          %get3A_599 = tpu.vector_load %arg8[%get3A_596, %get3A_597, %get3A_598] {strides = array<i32>} : memref<3x400x64xf32, #tpu.memory_space<vmem>>, vector<1x1x16xf32>,
          %get3A_600 = vector.shape_cast %get3A_599 : vector<1x1x16xf32> to vector<16xf32>
          %mul3A_601 = arith.constant 8.000000e+00 : f32
          %mul3A_602 = vector.broadcast %mul3A_601 : f32 to vector<16xf32>
          %mul3A_603 = arith.mulf %get3A_600, %mul3A_602 : vector<16xf32>
          %add3A_604 = arith.addf %mul3A_603, %get3A_575 : vector<16xf32>
          %add3A_605 = arith.constant 200 : i32
          %add3A_606 = arith.addi %add3A_605, %add3A_487 : i32
          %swap3A_607 = arith.constant 0 : i32
          %swap3A_608 = arith.index_cast %swap3A_607 : i32 to index
          %swap3A_609 = arith.index_cast %add3A_606 : i32 to index
          %swap3A_610 = arith.constant 32 : index
          %swap3A_611 = tpu.vector_load %arg8[%swap3A_608, %swap3A_609, %swap3A_610] {strides = array<i32>} : memref<3x400x64xf32, #tpu.memory_space<vmem>>, vector<1x1x16xf32>,
          %swap3A_612 = vector.shape_cast %swap3A_611 : vector<1x1x16xf32> to vector<16xf32>
          %swap3A_613 = vector.shape_cast %add3A_604 : vector<16xf32> to vector<1x1x16xf32>
          tpu.vector_store %arg8[%swap3A_608, %swap3A_609, %swap3A_610], %swap3A_613 {strides = array<i32>} : memref<3x400x64xf32, #tpu.memory_space<vmem>>, vector<1x1x16xf32>,
          %get3A_614 = arith.index_cast %add3A_487 : i32 to index
          %get3A_615 = arith.constant 48 : index
          %get3A_616 = tpu.vector_load %arg6[%get3A_614, %get3A_615] {strides = array<i32>} : memref<200x64xf32, #tpu.memory_space<vmem>>, vector<1x16xf32>,
          %get3A_617 = vector.shape_cast %get3A_616 : vector<1x16xf32> to vector<16xf32>
          %get3A_618 = arith.constant 0 : i32
          %get3A_619 = arith.index_cast %get3A_618 : i32 to index
          %get3A_620 = arith.index_cast %add3A_487 : i32 to index
          %get3A_621 = arith.constant 48 : index
          %get3A_622 = tpu.vector_load %arg8[%get3A_619, %get3A_620, %get3A_621] {strides = array<i32>} : memref<3x400x64xf32, #tpu.memory_space<vmem>>, vector<1x1x16xf32>,
          %get3A_623 = vector.shape_cast %get3A_622 : vector<1x1x16xf32> to vector<16xf32>
          %mul3A_624 = arith.constant 8.000000e+00 : f32
          %mul3A_625 = vector.broadcast %mul3A_624 : f32 to vector<16xf32>
          %mul3A_626 = arith.mulf %get3A_623, %mul3A_625 : vector<16xf32>
          %add3A_627 = arith.addf %mul3A_626, %get3A_617 : vector<16xf32>
          %swap3A_628 = arith.constant 0 : i32
          %swap3A_629 = arith.index_cast %swap3A_628 : i32 to index
          %swap3A_630 = arith.index_cast %add3A_487 : i32 to index
          %swap3A_631 = arith.constant 48 : index
          %swap3A_632 = tpu.vector_load %arg8[%swap3A_629, %swap3A_630, %swap3A_631] {strides = array<i32>} : memref<3x400x64xf32, #tpu.memory_space<vmem>>, vector<1x1x16xf32>,
          %swap3A_633 = vector.shape_cast %swap3A_632 : vector<1x1x16xf32> to vector<16xf32>
          %swap3A_634 = vector.shape_cast %add3A_627 : vector<16xf32> to vector<1x1x16xf32>
          tpu.vector_store %arg8[%swap3A_629, %swap3A_630, %swap3A_631], %swap3A_634 {strides = array<i32>} : memref<3x400x64xf32, #tpu.memory_space<vmem>>, vector<1x1x16xf32>,
          %add3A_635 = arith.constant 200 : i32
          %add3A_636 = arith.addi %add3A_635, %add3A_487 : i32
          %get3A_637 = arith.constant 0 : i32
          %get3A_638 = arith.index_cast %get3A_637 : i32 to index
          %get3A_639 = arith.index_cast %add3A_636 : i32 to index
          %get3A_640 = arith.constant 48 : index
          %get3A_641 = tpu.vector_load %arg8[%get3A_638, %get3A_639, %get3A_640] {strides = array<i32>} : memref<3x400x64xf32, #tpu.memory_space<vmem>>, vector<1x1x16xf32>,
          %get3A_642 = vector.shape_cast %get3A_641 : vector<1x1x16xf32> to vector<16xf32>
          %mul3A_643 = arith.constant 8.000000e+00 : f32
          %mul3A_644 = vector.broadcast %mul3A_643 : f32 to vector<16xf32>
          %mul3A_645 = arith.mulf %get3A_642, %mul3A_644 : vector<16xf32>
          %add3A_646 = arith.addf %mul3A_645, %get3A_617 : vector<16xf32>
          %add3A_647 = arith.constant 200 : i32
          %add3A_648 = arith.addi %add3A_647, %add3A_487 : i32
          %swap3A_649 = arith.constant 0 : i32
          %swap3A_650 = arith.index_cast %swap3A_649 : i32 to index
          %swap3A_651 = arith.index_cast %add3A_648 : i32 to index
          %swap3A_652 = arith.constant 48 : index
          %swap3A_653 = tpu.vector_load %arg8[%swap3A_650, %swap3A_651, %swap3A_652] {strides = array<i32>} : memref<3x400x64xf32, #tpu.memory_space<vmem>>, vector<1x1x16xf32>,
          %swap3A_654 = vector.shape_cast %swap3A_653 : vector<1x1x16xf32> to vector<16xf32>
          %swap3A_655 = vector.shape_cast %add3A_646 : vector<16xf32> to vector<1x1x16xf32>
          tpu.vector_store %arg8[%swap3A_650, %swap3A_651, %swap3A_652], %swap3A_655 {strides = array<i32>} : memref<3x400x64xf32, #tpu.memory_space<vmem>>, vector<1x1x16xf32>,
        }
        %scan3A_294 = arith.constant 200 : i32
        %mul3A_295 = arith.constant 400 : i32
        %mul3A_296 = arith.muli %add3A_186, %mul3A_295 : i32
        %add3A_297 = arith.addi %mul3A_2, %mul3A_296 : i32
        %dma_start3A_298 = arith.constant 0 : i32
        %dma_start3A_299 = arith.constant 0 : i32
        %dma_start3A_300 = arith.constant 0 : i32
        %dma_start3A_301 = tpu.memref_slice %arg8[%dma_start3A_298, %dma_start3A_299, %dma_start3A_300] : memref<3x400x64xf32, #tpu.memory_space<vmem>> -> memref<1x400x64xf32, #tpu.memory_space<vmem>>
        %dma_start3A_302 = tpu.memref_squeeze %dma_start3A_301 : memref<1x400x64xf32, #tpu.memory_space<vmem>> -> memref<400x64xf32, #tpu.memory_space<vmem>>
        %dma_start3A_303 = arith.constant 0 : i32
        %dma_start3A_304 = tpu.memref_slice %arg5[%add3A_297, %dma_start3A_303] : memref<819200x64xf32, #tpu.memory_space<hbm>> -> memref<400x64xf32, #tpu.memory_space<hbm>>
        %dma_start3A_305 = arith.constant 0 : i32
        %dma_start3A_306 = tpu.memref_slice %arg5[%add3A_297, %dma_start3A_305] : memref<819200x64xf32, #tpu.memory_space<hbm>> -> memref<400x64xf32, #tpu.memory_space<hbm>>
        %dma_start3A_307 = arith.constant 0 : i32
        %dma_start3A_308 = arith.constant 0 : i32
        %dma_start3A_309 = tpu.memref_slice %arg8[%dma_start3A_298, %dma_start3A_307, %dma_start3A_308] : memref<3x400x64xf32, #tpu.memory_space<vmem>> -> memref<1x400x64xf32, #tpu.memory_space<vmem>>
        %dma_start3A_310 = tpu.memref_squeeze %dma_start3A_309 : memref<1x400x64xf32, #tpu.memory_space<vmem>> -> memref<400x64xf32, #tpu.memory_space<vmem>>
        tpu.enqueue_dma source(%dma_start3A_310 : memref<400x64xf32, #tpu.memory_space<vmem>>) target(%dma_start3A_306 : memref<400x64xf32, #tpu.memory_space<hbm>>) target_semaphore(%arg12 : memref<!tpu.dma_semaphore, #tpu.memory_space<semaphore_mem>>)
      } else {
      }
      %add3A_189 = arith.constant 1 : i32
      %add3A_190 = arith.addi %add3A_184, %add3A_189 : i32
      %lt3A_191 = arith.constant 64 : i32
      %lt3A_192 = arith.cmpi slt, %add3A_190, %lt3A_191 : i32
      %convert_element_type3A_193 = arith.extui %lt3A_192 : i1 to i32
      %cond3A_194 = arith.constant 0 : i32
      %cond3A_195 = arith.cmpi ne, %convert_element_type3A_193, %cond3A_194 : i32
      scf.if %cond3A_195 {
        %add3A_203 = arith.constant 2 : i32
        %add3A_204 = arith.addi %add3A_190, %add3A_203 : i32
        %lt3A_205 = arith.constant 64 : i32
        %lt3A_206 = arith.cmpi slt, %add3A_204, %lt3A_205 : i32
        %convert_element_type3A_207 = arith.extui %lt3A_206 : i1 to i32
        %cond3A_208 = arith.constant 0 : i32
        %cond3A_209 = arith.cmpi ne, %convert_element_type3A_207, %cond3A_208 : i32
        scf.if %cond3A_209 {
          %ge3A = arith.constant 1 : i32
          %ge3A_311 = arith.cmpi sge, %add3A_190, %ge3A : i32
          %convert_element_type3A_312 = arith.extui %ge3A_311 : i1 to i32
          %cond3A_313 = arith.constant 0 : i32
          %cond3A_314 = arith.cmpi ne, %convert_element_type3A_312, %cond3A_313 : i32
          scf.if %cond3A_314 {
            %sub3A = arith.constant 1 : i32
            %sub3A_405 = arith.subi %add3A_190, %sub3A : i32
            %mul3A_406 = arith.constant 400 : i32
            %mul3A_407 = arith.muli %sub3A_405, %mul3A_406 : i32
            %add3A_408 = arith.addi %mul3A_2, %mul3A_407 : i32
            %dma_wait3A_409 = arith.constant 0 : i32
            %dma_wait3A_410 = arith.constant 0 : i32
            %dma_wait3A_411 = arith.constant 0 : i32
            %dma_wait3A_412 = tpu.memref_slice %arg8[%dma_wait3A_409, %dma_wait3A_410, %dma_wait3A_411] : memref<3x400x64xf32, #tpu.memory_space<vmem>> -> memref<1x400x64xf32, #tpu.memory_space<vmem>>
            %dma_wait3A_413 = tpu.memref_squeeze %dma_wait3A_412 : memref<1x400x64xf32, #tpu.memory_space<vmem>> -> memref<400x64xf32, #tpu.memory_space<vmem>>
            %dma_wait3A_414 = arith.constant 0 : i32
            %dma_wait3A_415 = tpu.memref_slice %arg5[%add3A_408, %dma_wait3A_414] : memref<819200x64xf32, #tpu.memory_space<hbm>> -> memref<400x64xf32, #tpu.memory_space<hbm>>
            %dma_wait3A_416 = arith.constant 0 : i32
            %dma_wait3A_417 = tpu.memref_slice %arg5[%add3A_408, %dma_wait3A_416] : memref<819200x64xf32, #tpu.memory_space<hbm>> -> memref<400x64xf32, #tpu.memory_space<hbm>>
            %dma_wait3A_418 = arith.constant 0 : i32
            %dma_wait3A_419 = arith.constant 0 : i32
            %dma_wait3A_420 = tpu.memref_slice %arg8[%dma_wait3A_409, %dma_wait3A_418, %dma_wait3A_419] : memref<3x400x64xf32, #tpu.memory_space<vmem>> -> memref<1x400x64xf32, #tpu.memory_space<vmem>>
            %dma_wait3A_421 = tpu.memref_squeeze %dma_wait3A_420 : memref<1x400x64xf32, #tpu.memory_space<vmem>> -> memref<400x64xf32, #tpu.memory_space<vmem>>
            tpu.wait_dma2 semaphore(%arg12 : memref<!tpu.dma_semaphore, #tpu.memory_space<semaphore_mem>>) src(%dma_wait3A_421 : memref<400x64xf32, #tpu.memory_space<vmem>>) dst(%dma_wait3A_417 : memref<400x64xf32, #tpu.memory_space<hbm>>)
          } else {
          }
          %add3A_315 = arith.constant 2 : i32
          %add3A_316 = arith.addi %add3A_190, %add3A_315 : i32
          %mul3A_317 = arith.constant 400 : i32
          %mul3A_318 = arith.muli %add3A_316, %mul3A_317 : i32
          %add3A_319 = arith.constant 0 : i32
          %add3A_320 = arith.addi %mul3A_318, %add3A_319 : i32
          %dma_start3A_321 = arith.constant 0 : i32
          %dma_start3A_322 = arith.constant 0 : i32
          %dma_start3A_323 = arith.constant 0 : i32
          %dma_start3A_324 = tpu.memref_slice %arg8[%dma_start3A_321, %dma_start3A_322, %dma_start3A_323] : memref<3x400x64xf32, #tpu.memory_space<vmem>> -> memref<1x400x64xf32, #tpu.memory_space<vmem>>
          %dma_start3A_325 = tpu.memref_squeeze %dma_start3A_324 : memref<1x400x64xf32, #tpu.memory_space<vmem>> -> memref<400x64xf32, #tpu.memory_space<vmem>>
          %dma_start3A_326 = arith.constant 0 : i32
          %dma_start3A_327 = arith.constant 0 : i32
          %dma_start3A_328 = tpu.memref_slice %dma_start3A_325[%dma_start3A_326, %dma_start3A_327] : memref<400x64xf32, #tpu.memory_space<vmem>> -> memref<80x64xf32, #tpu.memory_space<vmem>>
          %dma_start3A_329 = tpu.memref_slice %arg7[%add3A_320] : memref<25600xi32, #tpu.memory_space<vmem>> -> memref<80xi32, #tpu.memory_space<vmem>>
          %dma_start3A_330 = arith.constant 0 : i32
          %dma_start3A_331 = arith.constant 0 : i32
          %dma_start3A_332 = tpu.memref_slice %arg2[%dma_start3A_330, %dma_start3A_331] : memref<1000000x64xf32, #tpu.memory_space<hbm>> -> memref<1000000x64xf32, #tpu.memory_space<hbm>>
          tpu.enqueue_indirect_dma source(%dma_start3A_332 : memref<1000000x64xf32, #tpu.memory_space<hbm>>) target(%dma_start3A_328 : memref<80x64xf32, #tpu.memory_space<vmem>>) offsets(%dma_start3A_329 : memref<80xi32, #tpu.memory_space<vmem>>) semaphore(%arg9 : memref<!tpu.dma_semaphore, #tpu.memory_space<semaphore_mem>>)
          %add3A_333 = arith.constant 2 : i32
          %add3A_334 = arith.addi %add3A_190, %add3A_333 : i32
          %mul3A_335 = arith.constant 400 : i32
          %mul3A_336 = arith.muli %add3A_334, %mul3A_335 : i32
          %add3A_337 = arith.constant 80 : i32
          %add3A_338 = arith.addi %mul3A_336, %add3A_337 : i32
          %dma_start3A_339 = arith.constant 0 : i32
          %dma_start3A_340 = arith.constant 0 : i32
          %dma_start3A_341 = arith.constant 0 : i32
          %dma_start3A_342 = tpu.memref_slice %arg8[%dma_start3A_339, %dma_start3A_340, %dma_start3A_341] : memref<3x400x64xf32, #tpu.memory_space<vmem>> -> memref<1x400x64xf32, #tpu.memory_space<vmem>>
          %dma_start3A_343 = tpu.memref_squeeze %dma_start3A_342 : memref<1x400x64xf32, #tpu.memory_space<vmem>> -> memref<400x64xf32, #tpu.memory_space<vmem>>
          %dma_start3A_344 = arith.constant 80 : i32
          %dma_start3A_345 = arith.constant 0 : i32
          %dma_start3A_346 = tpu.memref_slice %dma_start3A_343[%dma_start3A_344, %dma_start3A_345] : memref<400x64xf32, #tpu.memory_space<vmem>> -> memref<80x64xf32, #tpu.memory_space<vmem>>
          %dma_start3A_347 = tpu.memref_slice %arg7[%add3A_338] : memref<25600xi32, #tpu.memory_space<vmem>> -> memref<80xi32, #tpu.memory_space<vmem>>
          %dma_start3A_348 = arith.constant 0 : i32
          %dma_start3A_349 = arith.constant 0 : i32
          %dma_start3A_350 = tpu.memref_slice %arg2[%dma_start3A_348, %dma_start3A_349] : memref<1000000x64xf32, #tpu.memory_space<hbm>> -> memref<1000000x64xf32, #tpu.memory_space<hbm>>
          tpu.enqueue_indirect_dma source(%dma_start3A_350 : memref<1000000x64xf32, #tpu.memory_space<hbm>>) target(%dma_start3A_346 : memref<80x64xf32, #tpu.memory_space<vmem>>) offsets(%dma_start3A_347 : memref<80xi32, #tpu.memory_space<vmem>>) semaphore(%arg9 : memref<!tpu.dma_semaphore, #tpu.memory_space<semaphore_mem>>)
          %add3A_351 = arith.constant 2 : i32
          %add3A_352 = arith.addi %add3A_190, %add3A_351 : i32
          %mul3A_353 = arith.constant 400 : i32
          %mul3A_354 = arith.muli %add3A_352, %mul3A_353 : i32
          %add3A_355 = arith.constant 160 : i32
          %add3A_356 = arith.addi %mul3A_354, %add3A_355 : i32
          %dma_start3A_357 = arith.constant 0 : i32
          %dma_start3A_358 = arith.constant 0 : i32
          %dma_start3A_359 = arith.constant 0 : i32
          %dma_start3A_360 = tpu.memref_slice %arg8[%dma_start3A_357, %dma_start3A_358, %dma_start3A_359] : memref<3x400x64xf32, #tpu.memory_space<vmem>> -> memref<1x400x64xf32, #tpu.memory_space<vmem>>
          %dma_start3A_361 = tpu.memref_squeeze %dma_start3A_360 : memref<1x400x64xf32, #tpu.memory_space<vmem>> -> memref<400x64xf32, #tpu.memory_space<vmem>>
          %dma_start3A_362 = arith.constant 160 : i32
          %dma_start3A_363 = arith.constant 0 : i32
          %dma_start3A_364 = tpu.memref_slice %dma_start3A_361[%dma_start3A_362, %dma_start3A_363] : memref<400x64xf32, #tpu.memory_space<vmem>> -> memref<80x64xf32, #tpu.memory_space<vmem>>
          %dma_start3A_365 = tpu.memref_slice %arg7[%add3A_356] : memref<25600xi32, #tpu.memory_space<vmem>> -> memref<80xi32, #tpu.memory_space<vmem>>
          %dma_start3A_366 = arith.constant 0 : i32
          %dma_start3A_367 = arith.constant 0 : i32
          %dma_start3A_368 = tpu.memref_slice %arg2[%dma_start3A_366, %dma_start3A_367] : memref<1000000x64xf32, #tpu.memory_space<hbm>> -> memref<1000000x64xf32, #tpu.memory_space<hbm>>
          tpu.enqueue_indirect_dma source(%dma_start3A_368 : memref<1000000x64xf32, #tpu.memory_space<hbm>>) target(%dma_start3A_364 : memref<80x64xf32, #tpu.memory_space<vmem>>) offsets(%dma_start3A_365 : memref<80xi32, #tpu.memory_space<vmem>>) semaphore(%arg9 : memref<!tpu.dma_semaphore, #tpu.memory_space<semaphore_mem>>)
          %add3A_369 = arith.constant 2 : i32
          %add3A_370 = arith.addi %add3A_190, %add3A_369 : i32
          %mul3A_371 = arith.constant 400 : i32
          %mul3A_372 = arith.muli %add3A_370, %mul3A_371 : i32
          %add3A_373 = arith.constant 240 : i32
          %add3A_374 = arith.addi %mul3A_372, %add3A_373 : i32
          %dma_start3A_375 = arith.constant 0 : i32
          %dma_start3A_376 = arith.constant 0 : i32
          %dma_start3A_377 = arith.constant 0 : i32
          %dma_start3A_378 = tpu.memref_slice %arg8[%dma_start3A_375, %dma_start3A_376, %dma_start3A_377] : memref<3x400x64xf32, #tpu.memory_space<vmem>> -> memref<1x400x64xf32, #tpu.memory_space<vmem>>
          %dma_start3A_379 = tpu.memref_squeeze %dma_start3A_378 : memref<1x400x64xf32, #tpu.memory_space<vmem>> -> memref<400x64xf32, #tpu.memory_space<vmem>>
          %dma_start3A_380 = arith.constant 240 : i32
          %dma_start3A_381 = arith.constant 0 : i32
          %dma_start3A_382 = tpu.memref_slice %dma_start3A_379[%dma_start3A_380, %dma_start3A_381] : memref<400x64xf32, #tpu.memory_space<vmem>> -> memref<80x64xf32, #tpu.memory_space<vmem>>
          %dma_start3A_383 = tpu.memref_slice %arg7[%add3A_374] : memref<25600xi32, #tpu.memory_space<vmem>> -> memref<80xi32, #tpu.memory_space<vmem>>
          %dma_start3A_384 = arith.constant 0 : i32
          %dma_start3A_385 = arith.constant 0 : i32
          %dma_start3A_386 = tpu.memref_slice %arg2[%dma_start3A_384, %dma_start3A_385] : memref<1000000x64xf32, #tpu.memory_space<hbm>> -> memref<1000000x64xf32, #tpu.memory_space<hbm>>
          tpu.enqueue_indirect_dma source(%dma_start3A_386 : memref<1000000x64xf32, #tpu.memory_space<hbm>>) target(%dma_start3A_382 : memref<80x64xf32, #tpu.memory_space<vmem>>) offsets(%dma_start3A_383 : memref<80xi32, #tpu.memory_space<vmem>>) semaphore(%arg9 : memref<!tpu.dma_semaphore, #tpu.memory_space<semaphore_mem>>)
          %add3A_387 = arith.constant 2 : i32
          %add3A_388 = arith.addi %add3A_190, %add3A_387 : i32
          %mul3A_389 = arith.constant 400 : i32
          %mul3A_390 = arith.muli %add3A_388, %mul3A_389 : i32
          %add3A_391 = arith.constant 320 : i32
          %add3A_392 = arith.addi %mul3A_390, %add3A_391 : i32
          %dma_start3A_393 = arith.constant 0 : i32
          %dma_start3A_394 = arith.constant 0 : i32
          %dma_start3A_395 = arith.constant 0 : i32
          %dma_start3A_396 = tpu.memref_slice %arg8[%dma_start3A_393, %dma_start3A_394, %dma_start3A_395] : memref<3x400x64xf32, #tpu.memory_space<vmem>> -> memref<1x400x64xf32, #tpu.memory_space<vmem>>
          %dma_start3A_397 = tpu.memref_squeeze %dma_start3A_396 : memref<1x400x64xf32, #tpu.memory_space<vmem>> -> memref<400x64xf32, #tpu.memory_space<vmem>>
          %dma_start3A_398 = arith.constant 320 : i32
          %dma_start3A_399 = arith.constant 0 : i32
          %dma_start3A_400 = tpu.memref_slice %dma_start3A_397[%dma_start3A_398, %dma_start3A_399] : memref<400x64xf32, #tpu.memory_space<vmem>> -> memref<80x64xf32, #tpu.memory_space<vmem>>
          %dma_start3A_401 = tpu.memref_slice %arg7[%add3A_392] : memref<25600xi32, #tpu.memory_space<vmem>> -> memref<80xi32, #tpu.memory_space<vmem>>
          %dma_start3A_402 = arith.constant 0 : i32
          %dma_start3A_403 = arith.constant 0 : i32
          %dma_start3A_404 = tpu.memref_slice %arg2[%dma_start3A_402, %dma_start3A_403] : memref<1000000x64xf32, #tpu.memory_space<hbm>> -> memref<1000000x64xf32, #tpu.memory_space<hbm>>
          tpu.enqueue_indirect_dma source(%dma_start3A_404 : memref<1000000x64xf32, #tpu.memory_space<hbm>>) target(%dma_start3A_400 : memref<80x64xf32, #tpu.memory_space<vmem>>) offsets(%dma_start3A_401 : memref<80xi32, #tpu.memory_space<vmem>>) semaphore(%arg9 : memref<!tpu.dma_semaphore, #tpu.memory_space<semaphore_mem>>)
        } else {
        }
        %mul3A_210 = arith.constant 400 : i32
        %mul3A_211 = arith.muli %add3A_190, %mul3A_210 : i32
        %add3A_212 = arith.constant 0 : i32
        %add3A_213 = arith.addi %mul3A_211, %add3A_212 : i32
        %dma_wait3A_214 = arith.constant 1 : i32
        %dma_wait3A_215 = arith.constant 0 : i32
        %dma_wait3A_216 = arith.constant 0 : i32
        %dma_wait3A_217 = tpu.memref_slice %arg8[%dma_wait3A_214, %dma_wait3A_215, %dma_wait3A_216] : memref<3x400x64xf32, #tpu.memory_space<vmem>> -> memref<1x400x64xf32, #tpu.memory_space<vmem>>
        %dma_wait3A_218 = tpu.memref_squeeze %dma_wait3A_217 : memref<1x400x64xf32, #tpu.memory_space<vmem>> -> memref<400x64xf32, #tpu.memory_space<vmem>>
        %dma_wait3A_219 = arith.constant 0 : i32
        %dma_wait3A_220 = arith.constant 0 : i32
        %dma_wait3A_221 = tpu.memref_slice %dma_wait3A_218[%dma_wait3A_219, %dma_wait3A_220] : memref<400x64xf32, #tpu.memory_space<vmem>> -> memref<80x64xf32, #tpu.memory_space<vmem>>
        %dma_wait3A_222 = tpu.memref_slice %arg7[%add3A_213] : memref<25600xi32, #tpu.memory_space<vmem>> -> memref<80xi32, #tpu.memory_space<vmem>>
        %dma_wait3A_223 = arith.constant 0 : i32
        %dma_wait3A_224 = arith.constant 0 : i32
        %dma_wait3A_225 = tpu.memref_slice %arg2[%dma_wait3A_223, %dma_wait3A_224] : memref<1000000x64xf32, #tpu.memory_space<hbm>> -> memref<1000000x64xf32, #tpu.memory_space<hbm>>
        tpu.wait_indirect_dma semaphore(%arg10 : memref<!tpu.dma_semaphore, #tpu.memory_space<semaphore_mem>>) src(%dma_wait3A_225 : memref<1000000x64xf32, #tpu.memory_space<hbm>>) dst(%dma_wait3A_221 : memref<80x64xf32, #tpu.memory_space<vmem>>)
        %mul3A_226 = arith.constant 400 : i32
        %mul3A_227 = arith.muli %add3A_190, %mul3A_226 : i32
        %add3A_228 = arith.constant 80 : i32
        %add3A_229 = arith.addi %mul3A_227, %add3A_228 : i32
        %dma_wait3A_230 = arith.constant 1 : i32
        %dma_wait3A_231 = arith.constant 0 : i32
        %dma_wait3A_232 = arith.constant 0 : i32
        %dma_wait3A_233 = tpu.memref_slice %arg8[%dma_wait3A_230, %dma_wait3A_231, %dma_wait3A_232] : memref<3x400x64xf32, #tpu.memory_space<vmem>> -> memref<1x400x64xf32, #tpu.memory_space<vmem>>
        %dma_wait3A_234 = tpu.memref_squeeze %dma_wait3A_233 : memref<1x400x64xf32, #tpu.memory_space<vmem>> -> memref<400x64xf32, #tpu.memory_space<vmem>>
        %dma_wait3A_235 = arith.constant 80 : i32
        %dma_wait3A_236 = arith.constant 0 : i32
        %dma_wait3A_237 = tpu.memref_slice %dma_wait3A_234[%dma_wait3A_235, %dma_wait3A_236] : memref<400x64xf32, #tpu.memory_space<vmem>> -> memref<80x64xf32, #tpu.memory_space<vmem>>
        %dma_wait3A_238 = tpu.memref_slice %arg7[%add3A_229] : memref<25600xi32, #tpu.memory_space<vmem>> -> memref<80xi32, #tpu.memory_space<vmem>>
        %dma_wait3A_239 = arith.constant 0 : i32
        %dma_wait3A_240 = arith.constant 0 : i32
        %dma_wait3A_241 = tpu.memref_slice %arg2[%dma_wait3A_239, %dma_wait3A_240] : memref<1000000x64xf32, #tpu.memory_space<hbm>> -> memref<1000000x64xf32, #tpu.memory_space<hbm>>
        tpu.wait_indirect_dma semaphore(%arg10 : memref<!tpu.dma_semaphore, #tpu.memory_space<semaphore_mem>>) src(%dma_wait3A_241 : memref<1000000x64xf32, #tpu.memory_space<hbm>>) dst(%dma_wait3A_237 : memref<80x64xf32, #tpu.memory_space<vmem>>)
        %mul3A_242 = arith.constant 400 : i32
        %mul3A_243 = arith.muli %add3A_190, %mul3A_242 : i32
        %add3A_244 = arith.constant 160 : i32
        %add3A_245 = arith.addi %mul3A_243, %add3A_244 : i32
        %dma_wait3A_246 = arith.constant 1 : i32
        %dma_wait3A_247 = arith.constant 0 : i32
        %dma_wait3A_248 = arith.constant 0 : i32
        %dma_wait3A_249 = tpu.memref_slice %arg8[%dma_wait3A_246, %dma_wait3A_247, %dma_wait3A_248] : memref<3x400x64xf32, #tpu.memory_space<vmem>> -> memref<1x400x64xf32, #tpu.memory_space<vmem>>
        %dma_wait3A_250 = tpu.memref_squeeze %dma_wait3A_249 : memref<1x400x64xf32, #tpu.memory_space<vmem>> -> memref<400x64xf32, #tpu.memory_space<vmem>>
        %dma_wait3A_251 = arith.constant 160 : i32
        %dma_wait3A_252 = arith.constant 0 : i32
        %dma_wait3A_253 = tpu.memref_slice %dma_wait3A_250[%dma_wait3A_251, %dma_wait3A_252] : memref<400x64xf32, #tpu.memory_space<vmem>> -> memref<80x64xf32, #tpu.memory_space<vmem>>
        %dma_wait3A_254 = tpu.memref_slice %arg7[%add3A_245] : memref<25600xi32, #tpu.memory_space<vmem>> -> memref<80xi32, #tpu.memory_space<vmem>>
        %dma_wait3A_255 = arith.constant 0 : i32
        %dma_wait3A_256 = arith.constant 0 : i32
        %dma_wait3A_257 = tpu.memref_slice %arg2[%dma_wait3A_255, %dma_wait3A_256] : memref<1000000x64xf32, #tpu.memory_space<hbm>> -> memref<1000000x64xf32, #tpu.memory_space<hbm>>
        tpu.wait_indirect_dma semaphore(%arg10 : memref<!tpu.dma_semaphore, #tpu.memory_space<semaphore_mem>>) src(%dma_wait3A_257 : memref<1000000x64xf32, #tpu.memory_space<hbm>>) dst(%dma_wait3A_253 : memref<80x64xf32, #tpu.memory_space<vmem>>)
        %mul3A_258 = arith.constant 400 : i32
        %mul3A_259 = arith.muli %add3A_190, %mul3A_258 : i32
        %add3A_260 = arith.constant 240 : i32
        %add3A_261 = arith.addi %mul3A_259, %add3A_260 : i32
        %dma_wait3A_262 = arith.constant 1 : i32
        %dma_wait3A_263 = arith.constant 0 : i32
        %dma_wait3A_264 = arith.constant 0 : i32
        %dma_wait3A_265 = tpu.memref_slice %arg8[%dma_wait3A_262, %dma_wait3A_263, %dma_wait3A_264] : memref<3x400x64xf32, #tpu.memory_space<vmem>> -> memref<1x400x64xf32, #tpu.memory_space<vmem>>
        %dma_wait3A_266 = tpu.memref_squeeze %dma_wait3A_265 : memref<1x400x64xf32, #tpu.memory_space<vmem>> -> memref<400x64xf32, #tpu.memory_space<vmem>>
        %dma_wait3A_267 = arith.constant 240 : i32
        %dma_wait3A_268 = arith.constant 0 : i32
        %dma_wait3A_269 = tpu.memref_slice %dma_wait3A_266[%dma_wait3A_267, %dma_wait3A_268] : memref<400x64xf32, #tpu.memory_space<vmem>> -> memref<80x64xf32, #tpu.memory_space<vmem>>
        %dma_wait3A_270 = tpu.memref_slice %arg7[%add3A_261] : memref<25600xi32, #tpu.memory_space<vmem>> -> memref<80xi32, #tpu.memory_space<vmem>>
        %dma_wait3A_271 = arith.constant 0 : i32
        %dma_wait3A_272 = arith.constant 0 : i32
        %dma_wait3A_273 = tpu.memref_slice %arg2[%dma_wait3A_271, %dma_wait3A_272] : memref<1000000x64xf32, #tpu.memory_space<hbm>> -> memref<1000000x64xf32, #tpu.memory_space<hbm>>
        tpu.wait_indirect_dma semaphore(%arg10 : memref<!tpu.dma_semaphore, #tpu.memory_space<semaphore_mem>>) src(%dma_wait3A_273 : memref<1000000x64xf32, #tpu.memory_space<hbm>>) dst(%dma_wait3A_269 : memref<80x64xf32, #tpu.memory_space<vmem>>)
        %mul3A_274 = arith.constant 400 : i32
        %mul3A_275 = arith.muli %add3A_190, %mul3A_274 : i32
        %add3A_276 = arith.constant 320 : i32
        %add3A_277 = arith.addi %mul3A_275, %add3A_276 : i32
        %dma_wait3A_278 = arith.constant 1 : i32
        %dma_wait3A_279 = arith.constant 0 : i32
        %dma_wait3A_280 = arith.constant 0 : i32
        %dma_wait3A_281 = tpu.memref_slice %arg8[%dma_wait3A_278, %dma_wait3A_279, %dma_wait3A_280] : memref<3x400x64xf32, #tpu.memory_space<vmem>> -> memref<1x400x64xf32, #tpu.memory_space<vmem>>
        %dma_wait3A_282 = tpu.memref_squeeze %dma_wait3A_281 : memref<1x400x64xf32, #tpu.memory_space<vmem>> -> memref<400x64xf32, #tpu.memory_space<vmem>>
        %dma_wait3A_283 = arith.constant 320 : i32
        %dma_wait3A_284 = arith.constant 0 : i32
        %dma_wait3A_285 = tpu.memref_slice %dma_wait3A_282[%dma_wait3A_283, %dma_wait3A_284] : memref<400x64xf32, #tpu.memory_space<vmem>> -> memref<80x64xf32, #tpu.memory_space<vmem>>
        %dma_wait3A_286 = tpu.memref_slice %arg7[%add3A_277] : memref<25600xi32, #tpu.memory_space<vmem>> -> memref<80xi32, #tpu.memory_space<vmem>>
        %dma_wait3A_287 = arith.constant 0 : i32
        %dma_wait3A_288 = arith.constant 0 : i32
        %dma_wait3A_289 = tpu.memref_slice %arg2[%dma_wait3A_287, %dma_wait3A_288] : memref<1000000x64xf32, #tpu.memory_space<hbm>> -> memref<1000000x64xf32, #tpu.memory_space<hbm>>
        tpu.wait_indirect_dma semaphore(%arg10 : memref<!tpu.dma_semaphore, #tpu.memory_space<semaphore_mem>>) src(%dma_wait3A_289 : memref<1000000x64xf32, #tpu.memory_space<hbm>>) dst(%dma_wait3A_285 : memref<80x64xf32, #tpu.memory_space<vmem>>)
        %scan3A_290 = arith.constant 0 : i32
        %scan3A_291 = arith.constant 200 : i32
        %scan3A_292 = arith.addi %scan3A_290, %scan3A_291 : i32
        %scan3A_293 = arith.constant 2 : i32
        scf.for %scan3A_311 = %scan3A_290 to %scan3A_292 step %scan3A_293  : i32 {
          %mul3A_312 = arith.constant 1 : i32
          %mul3A_313 = arith.muli %scan3A_311, %mul3A_312 : i32
          %add3A_314 = arith.constant 0 : i32
          %add3A_315 = arith.addi %add3A_314, %mul3A_313 : i32
          %get3A = arith.index_cast %add3A_315 : i32 to index
          %get3A_316 = arith.constant 0 : index
          %get3A_317 = tpu.vector_load %arg6[%get3A, %get3A_316] {strides = array<i32>} : memref<200x64xf32, #tpu.memory_space<vmem>>, vector<1x16xf32>,
          %get3A_318 = vector.shape_cast %get3A_317 : vector<1x16xf32> to vector<16xf32>
          %get3A_319 = arith.constant 1 : i32
          %get3A_320 = arith.index_cast %get3A_319 : i32 to index
          %get3A_321 = arith.index_cast %add3A_315 : i32 to index
          %get3A_322 = arith.constant 0 : index
          %get3A_323 = tpu.vector_load %arg8[%get3A_320, %get3A_321, %get3A_322] {strides = array<i32>} : memref<3x400x64xf32, #tpu.memory_space<vmem>>, vector<1x1x16xf32>,
          %get3A_324 = vector.shape_cast %get3A_323 : vector<1x1x16xf32> to vector<16xf32>
          %mul3A_325 = arith.constant 8.000000e+00 : f32
          %mul3A_326 = vector.broadcast %mul3A_325 : f32 to vector<16xf32>
          %mul3A_327 = arith.mulf %get3A_324, %mul3A_326 : vector<16xf32>
          %add3A_328 = arith.addf %mul3A_327, %get3A_318 : vector<16xf32>
          %swap3A = arith.constant 1 : i32
          %swap3A_329 = arith.index_cast %swap3A : i32 to index
          %swap3A_330 = arith.index_cast %add3A_315 : i32 to index
          %swap3A_331 = arith.constant 0 : index
          %swap3A_332 = tpu.vector_load %arg8[%swap3A_329, %swap3A_330, %swap3A_331] {strides = array<i32>} : memref<3x400x64xf32, #tpu.memory_space<vmem>>, vector<1x1x16xf32>,
          %swap3A_333 = vector.shape_cast %swap3A_332 : vector<1x1x16xf32> to vector<16xf32>
          %swap3A_334 = vector.shape_cast %add3A_328 : vector<16xf32> to vector<1x1x16xf32>
          tpu.vector_store %arg8[%swap3A_329, %swap3A_330, %swap3A_331], %swap3A_334 {strides = array<i32>} : memref<3x400x64xf32, #tpu.memory_space<vmem>>, vector<1x1x16xf32>,
          %add3A_335 = arith.constant 200 : i32
          %add3A_336 = arith.addi %add3A_335, %add3A_315 : i32
          %get3A_337 = arith.constant 1 : i32
          %get3A_338 = arith.index_cast %get3A_337 : i32 to index
          %get3A_339 = arith.index_cast %add3A_336 : i32 to index
          %get3A_340 = arith.constant 0 : index
          %get3A_341 = tpu.vector_load %arg8[%get3A_338, %get3A_339, %get3A_340] {strides = array<i32>} : memref<3x400x64xf32, #tpu.memory_space<vmem>>, vector<1x1x16xf32>,
          %get3A_342 = vector.shape_cast %get3A_341 : vector<1x1x16xf32> to vector<16xf32>
          %mul3A_343 = arith.constant 8.000000e+00 : f32
          %mul3A_344 = vector.broadcast %mul3A_343 : f32 to vector<16xf32>
          %mul3A_345 = arith.mulf %get3A_342, %mul3A_344 : vector<16xf32>
          %add3A_346 = arith.addf %mul3A_345, %get3A_318 : vector<16xf32>
          %add3A_347 = arith.constant 200 : i32
          %add3A_348 = arith.addi %add3A_347, %add3A_315 : i32
          %swap3A_349 = arith.constant 1 : i32
          %swap3A_350 = arith.index_cast %swap3A_349 : i32 to index
          %swap3A_351 = arith.index_cast %add3A_348 : i32 to index
          %swap3A_352 = arith.constant 0 : index
          %swap3A_353 = tpu.vector_load %arg8[%swap3A_350, %swap3A_351, %swap3A_352] {strides = array<i32>} : memref<3x400x64xf32, #tpu.memory_space<vmem>>, vector<1x1x16xf32>,
          %swap3A_354 = vector.shape_cast %swap3A_353 : vector<1x1x16xf32> to vector<16xf32>
          %swap3A_355 = vector.shape_cast %add3A_346 : vector<16xf32> to vector<1x1x16xf32>
          tpu.vector_store %arg8[%swap3A_350, %swap3A_351, %swap3A_352], %swap3A_355 {strides = array<i32>} : memref<3x400x64xf32, #tpu.memory_space<vmem>>, vector<1x1x16xf32>,
          %get3A_356 = arith.index_cast %add3A_315 : i32 to index
          %get3A_357 = arith.constant 16 : index
          %get3A_358 = tpu.vector_load %arg6[%get3A_356, %get3A_357] {strides = array<i32>} : memref<200x64xf32, #tpu.memory_space<vmem>>, vector<1x16xf32>,
          %get3A_359 = vector.shape_cast %get3A_358 : vector<1x16xf32> to vector<16xf32>
          %get3A_360 = arith.constant 1 : i32
          %get3A_361 = arith.index_cast %get3A_360 : i32 to index
          %get3A_362 = arith.index_cast %add3A_315 : i32 to index
          %get3A_363 = arith.constant 16 : index
          %get3A_364 = tpu.vector_load %arg8[%get3A_361, %get3A_362, %get3A_363] {strides = array<i32>} : memref<3x400x64xf32, #tpu.memory_space<vmem>>, vector<1x1x16xf32>,
          %get3A_365 = vector.shape_cast %get3A_364 : vector<1x1x16xf32> to vector<16xf32>
          %mul3A_366 = arith.constant 8.000000e+00 : f32
          %mul3A_367 = vector.broadcast %mul3A_366 : f32 to vector<16xf32>
          %mul3A_368 = arith.mulf %get3A_365, %mul3A_367 : vector<16xf32>
          %add3A_369 = arith.addf %mul3A_368, %get3A_359 : vector<16xf32>
          %swap3A_370 = arith.constant 1 : i32
          %swap3A_371 = arith.index_cast %swap3A_370 : i32 to index
          %swap3A_372 = arith.index_cast %add3A_315 : i32 to index
          %swap3A_373 = arith.constant 16 : index
          %swap3A_374 = tpu.vector_load %arg8[%swap3A_371, %swap3A_372, %swap3A_373] {strides = array<i32>} : memref<3x400x64xf32, #tpu.memory_space<vmem>>, vector<1x1x16xf32>,
          %swap3A_375 = vector.shape_cast %swap3A_374 : vector<1x1x16xf32> to vector<16xf32>
          %swap3A_376 = vector.shape_cast %add3A_369 : vector<16xf32> to vector<1x1x16xf32>
          tpu.vector_store %arg8[%swap3A_371, %swap3A_372, %swap3A_373], %swap3A_376 {strides = array<i32>} : memref<3x400x64xf32, #tpu.memory_space<vmem>>, vector<1x1x16xf32>,
          %add3A_377 = arith.constant 200 : i32
          %add3A_378 = arith.addi %add3A_377, %add3A_315 : i32
          %get3A_379 = arith.constant 1 : i32
          %get3A_380 = arith.index_cast %get3A_379 : i32 to index
          %get3A_381 = arith.index_cast %add3A_378 : i32 to index
          %get3A_382 = arith.constant 16 : index
          %get3A_383 = tpu.vector_load %arg8[%get3A_380, %get3A_381, %get3A_382] {strides = array<i32>} : memref<3x400x64xf32, #tpu.memory_space<vmem>>, vector<1x1x16xf32>,
          %get3A_384 = vector.shape_cast %get3A_383 : vector<1x1x16xf32> to vector<16xf32>
          %mul3A_385 = arith.constant 8.000000e+00 : f32
          %mul3A_386 = vector.broadcast %mul3A_385 : f32 to vector<16xf32>
          %mul3A_387 = arith.mulf %get3A_384, %mul3A_386 : vector<16xf32>
          %add3A_388 = arith.addf %mul3A_387, %get3A_359 : vector<16xf32>
          %add3A_389 = arith.constant 200 : i32
          %add3A_390 = arith.addi %add3A_389, %add3A_315 : i32
          %swap3A_391 = arith.constant 1 : i32
          %swap3A_392 = arith.index_cast %swap3A_391 : i32 to index
          %swap3A_393 = arith.index_cast %add3A_390 : i32 to index
          %swap3A_394 = arith.constant 16 : index
          %swap3A_395 = tpu.vector_load %arg8[%swap3A_392, %swap3A_393, %swap3A_394] {strides = array<i32>} : memref<3x400x64xf32, #tpu.memory_space<vmem>>, vector<1x1x16xf32>,
          %swap3A_396 = vector.shape_cast %swap3A_395 : vector<1x1x16xf32> to vector<16xf32>
          %swap3A_397 = vector.shape_cast %add3A_388 : vector<16xf32> to vector<1x1x16xf32>
          tpu.vector_store %arg8[%swap3A_392, %swap3A_393, %swap3A_394], %swap3A_397 {strides = array<i32>} : memref<3x400x64xf32, #tpu.memory_space<vmem>>, vector<1x1x16xf32>,
          %get3A_398 = arith.index_cast %add3A_315 : i32 to index
          %get3A_399 = arith.constant 32 : index
          %get3A_400 = tpu.vector_load %arg6[%get3A_398, %get3A_399] {strides = array<i32>} : memref<200x64xf32, #tpu.memory_space<vmem>>, vector<1x16xf32>,
          %get3A_401 = vector.shape_cast %get3A_400 : vector<1x16xf32> to vector<16xf32>
          %get3A_402 = arith.constant 1 : i32
          %get3A_403 = arith.index_cast %get3A_402 : i32 to index
          %get3A_404 = arith.index_cast %add3A_315 : i32 to index
          %get3A_405 = arith.constant 32 : index
          %get3A_406 = tpu.vector_load %arg8[%get3A_403, %get3A_404, %get3A_405] {strides = array<i32>} : memref<3x400x64xf32, #tpu.memory_space<vmem>>, vector<1x1x16xf32>,
          %get3A_407 = vector.shape_cast %get3A_406 : vector<1x1x16xf32> to vector<16xf32>
          %mul3A_408 = arith.constant 8.000000e+00 : f32
          %mul3A_409 = vector.broadcast %mul3A_408 : f32 to vector<16xf32>
          %mul3A_410 = arith.mulf %get3A_407, %mul3A_409 : vector<16xf32>
          %add3A_411 = arith.addf %mul3A_410, %get3A_401 : vector<16xf32>
          %swap3A_412 = arith.constant 1 : i32
          %swap3A_413 = arith.index_cast %swap3A_412 : i32 to index
          %swap3A_414 = arith.index_cast %add3A_315 : i32 to index
          %swap3A_415 = arith.constant 32 : index
          %swap3A_416 = tpu.vector_load %arg8[%swap3A_413, %swap3A_414, %swap3A_415] {strides = array<i32>} : memref<3x400x64xf32, #tpu.memory_space<vmem>>, vector<1x1x16xf32>,
          %swap3A_417 = vector.shape_cast %swap3A_416 : vector<1x1x16xf32> to vector<16xf32>
          %swap3A_418 = vector.shape_cast %add3A_411 : vector<16xf32> to vector<1x1x16xf32>
          tpu.vector_store %arg8[%swap3A_413, %swap3A_414, %swap3A_415], %swap3A_418 {strides = array<i32>} : memref<3x400x64xf32, #tpu.memory_space<vmem>>, vector<1x1x16xf32>,
          %add3A_419 = arith.constant 200 : i32
          %add3A_420 = arith.addi %add3A_419, %add3A_315 : i32
          %get3A_421 = arith.constant 1 : i32
          %get3A_422 = arith.index_cast %get3A_421 : i32 to index
          %get3A_423 = arith.index_cast %add3A_420 : i32 to index
          %get3A_424 = arith.constant 32 : index
          %get3A_425 = tpu.vector_load %arg8[%get3A_422, %get3A_423, %get3A_424] {strides = array<i32>} : memref<3x400x64xf32, #tpu.memory_space<vmem>>, vector<1x1x16xf32>,
          %get3A_426 = vector.shape_cast %get3A_425 : vector<1x1x16xf32> to vector<16xf32>
          %mul3A_427 = arith.constant 8.000000e+00 : f32
          %mul3A_428 = vector.broadcast %mul3A_427 : f32 to vector<16xf32>
          %mul3A_429 = arith.mulf %get3A_426, %mul3A_428 : vector<16xf32>
          %add3A_430 = arith.addf %mul3A_429, %get3A_401 : vector<16xf32>
          %add3A_431 = arith.constant 200 : i32
          %add3A_432 = arith.addi %add3A_431, %add3A_315 : i32
          %swap3A_433 = arith.constant 1 : i32
          %swap3A_434 = arith.index_cast %swap3A_433 : i32 to index
          %swap3A_435 = arith.index_cast %add3A_432 : i32 to index
          %swap3A_436 = arith.constant 32 : index
          %swap3A_437 = tpu.vector_load %arg8[%swap3A_434, %swap3A_435, %swap3A_436] {strides = array<i32>} : memref<3x400x64xf32, #tpu.memory_space<vmem>>, vector<1x1x16xf32>,
          %swap3A_438 = vector.shape_cast %swap3A_437 : vector<1x1x16xf32> to vector<16xf32>
          %swap3A_439 = vector.shape_cast %add3A_430 : vector<16xf32> to vector<1x1x16xf32>
          tpu.vector_store %arg8[%swap3A_434, %swap3A_435, %swap3A_436], %swap3A_439 {strides = array<i32>} : memref<3x400x64xf32, #tpu.memory_space<vmem>>, vector<1x1x16xf32>,
          %get3A_440 = arith.index_cast %add3A_315 : i32 to index
          %get3A_441 = arith.constant 48 : index
          %get3A_442 = tpu.vector_load %arg6[%get3A_440, %get3A_441] {strides = array<i32>} : memref<200x64xf32, #tpu.memory_space<vmem>>, vector<1x16xf32>,
          %get3A_443 = vector.shape_cast %get3A_442 : vector<1x16xf32> to vector<16xf32>
          %get3A_444 = arith.constant 1 : i32
          %get3A_445 = arith.index_cast %get3A_444 : i32 to index
          %get3A_446 = arith.index_cast %add3A_315 : i32 to index
          %get3A_447 = arith.constant 48 : index
          %get3A_448 = tpu.vector_load %arg8[%get3A_445, %get3A_446, %get3A_447] {strides = array<i32>} : memref<3x400x64xf32, #tpu.memory_space<vmem>>, vector<1x1x16xf32>,
          %get3A_449 = vector.shape_cast %get3A_448 : vector<1x1x16xf32> to vector<16xf32>
          %mul3A_450 = arith.constant 8.000000e+00 : f32
          %mul3A_451 = vector.broadcast %mul3A_450 : f32 to vector<16xf32>
          %mul3A_452 = arith.mulf %get3A_449, %mul3A_451 : vector<16xf32>
          %add3A_453 = arith.addf %mul3A_452, %get3A_443 : vector<16xf32>
          %swap3A_454 = arith.constant 1 : i32
          %swap3A_455 = arith.index_cast %swap3A_454 : i32 to index
          %swap3A_456 = arith.index_cast %add3A_315 : i32 to index
          %swap3A_457 = arith.constant 48 : index
          %swap3A_458 = tpu.vector_load %arg8[%swap3A_455, %swap3A_456, %swap3A_457] {strides = array<i32>} : memref<3x400x64xf32, #tpu.memory_space<vmem>>, vector<1x1x16xf32>,
          %swap3A_459 = vector.shape_cast %swap3A_458 : vector<1x1x16xf32> to vector<16xf32>
          %swap3A_460 = vector.shape_cast %add3A_453 : vector<16xf32> to vector<1x1x16xf32>
          tpu.vector_store %arg8[%swap3A_455, %swap3A_456, %swap3A_457], %swap3A_460 {strides = array<i32>} : memref<3x400x64xf32, #tpu.memory_space<vmem>>, vector<1x1x16xf32>,
          %add3A_461 = arith.constant 200 : i32
          %add3A_462 = arith.addi %add3A_461, %add3A_315 : i32
          %get3A_463 = arith.constant 1 : i32
          %get3A_464 = arith.index_cast %get3A_463 : i32 to index
          %get3A_465 = arith.index_cast %add3A_462 : i32 to index
          %get3A_466 = arith.constant 48 : index
          %get3A_467 = tpu.vector_load %arg8[%get3A_464, %get3A_465, %get3A_466] {strides = array<i32>} : memref<3x400x64xf32, #tpu.memory_space<vmem>>, vector<1x1x16xf32>,
          %get3A_468 = vector.shape_cast %get3A_467 : vector<1x1x16xf32> to vector<16xf32>
          %mul3A_469 = arith.constant 8.000000e+00 : f32
          %mul3A_470 = vector.broadcast %mul3A_469 : f32 to vector<16xf32>
          %mul3A_471 = arith.mulf %get3A_468, %mul3A_470 : vector<16xf32>
          %add3A_472 = arith.addf %mul3A_471, %get3A_443 : vector<16xf32>
          %add3A_473 = arith.constant 200 : i32
          %add3A_474 = arith.addi %add3A_473, %add3A_315 : i32
          %swap3A_475 = arith.constant 1 : i32
          %swap3A_476 = arith.index_cast %swap3A_475 : i32 to index
          %swap3A_477 = arith.index_cast %add3A_474 : i32 to index
          %swap3A_478 = arith.constant 48 : index
          %swap3A_479 = tpu.vector_load %arg8[%swap3A_476, %swap3A_477, %swap3A_478] {strides = array<i32>} : memref<3x400x64xf32, #tpu.memory_space<vmem>>, vector<1x1x16xf32>,
          %swap3A_480 = vector.shape_cast %swap3A_479 : vector<1x1x16xf32> to vector<16xf32>
          %swap3A_481 = vector.shape_cast %add3A_472 : vector<16xf32> to vector<1x1x16xf32>
          tpu.vector_store %arg8[%swap3A_476, %swap3A_477, %swap3A_478], %swap3A_481 {strides = array<i32>} : memref<3x400x64xf32, #tpu.memory_space<vmem>>, vector<1x1x16xf32>,
          %scan3A_482 = arith.constant 1 : i32
          %scan3A_483 = arith.addi %scan3A_311, %scan3A_482 : i32
          %mul3A_484 = arith.constant 1 : i32
          %mul3A_485 = arith.muli %scan3A_483, %mul3A_484 : i32
          %add3A_486 = arith.constant 0 : i32
          %add3A_487 = arith.addi %add3A_486, %mul3A_485 : i32
          %get3A_488 = arith.index_cast %add3A_487 : i32 to index
          %get3A_489 = arith.constant 0 : index
          %get3A_490 = tpu.vector_load %arg6[%get3A_488, %get3A_489] {strides = array<i32>} : memref<200x64xf32, #tpu.memory_space<vmem>>, vector<1x16xf32>,
          %get3A_491 = vector.shape_cast %get3A_490 : vector<1x16xf32> to vector<16xf32>
          %get3A_492 = arith.constant 1 : i32
          %get3A_493 = arith.index_cast %get3A_492 : i32 to index
          %get3A_494 = arith.index_cast %add3A_487 : i32 to index
          %get3A_495 = arith.constant 0 : index
          %get3A_496 = tpu.vector_load %arg8[%get3A_493, %get3A_494, %get3A_495] {strides = array<i32>} : memref<3x400x64xf32, #tpu.memory_space<vmem>>, vector<1x1x16xf32>,
          %get3A_497 = vector.shape_cast %get3A_496 : vector<1x1x16xf32> to vector<16xf32>
          %mul3A_498 = arith.constant 8.000000e+00 : f32
          %mul3A_499 = vector.broadcast %mul3A_498 : f32 to vector<16xf32>
          %mul3A_500 = arith.mulf %get3A_497, %mul3A_499 : vector<16xf32>
          %add3A_501 = arith.addf %mul3A_500, %get3A_491 : vector<16xf32>
          %swap3A_502 = arith.constant 1 : i32
          %swap3A_503 = arith.index_cast %swap3A_502 : i32 to index
          %swap3A_504 = arith.index_cast %add3A_487 : i32 to index
          %swap3A_505 = arith.constant 0 : index
          %swap3A_506 = tpu.vector_load %arg8[%swap3A_503, %swap3A_504, %swap3A_505] {strides = array<i32>} : memref<3x400x64xf32, #tpu.memory_space<vmem>>, vector<1x1x16xf32>,
          %swap3A_507 = vector.shape_cast %swap3A_506 : vector<1x1x16xf32> to vector<16xf32>
          %swap3A_508 = vector.shape_cast %add3A_501 : vector<16xf32> to vector<1x1x16xf32>
          tpu.vector_store %arg8[%swap3A_503, %swap3A_504, %swap3A_505], %swap3A_508 {strides = array<i32>} : memref<3x400x64xf32, #tpu.memory_space<vmem>>, vector<1x1x16xf32>,
          %add3A_509 = arith.constant 200 : i32
          %add3A_510 = arith.addi %add3A_509, %add3A_487 : i32
          %get3A_511 = arith.constant 1 : i32
          %get3A_512 = arith.index_cast %get3A_511 : i32 to index
          %get3A_513 = arith.index_cast %add3A_510 : i32 to index
          %get3A_514 = arith.constant 0 : index
          %get3A_515 = tpu.vector_load %arg8[%get3A_512, %get3A_513, %get3A_514] {strides = array<i32>} : memref<3x400x64xf32, #tpu.memory_space<vmem>>, vector<1x1x16xf32>,
          %get3A_516 = vector.shape_cast %get3A_515 : vector<1x1x16xf32> to vector<16xf32>
          %mul3A_517 = arith.constant 8.000000e+00 : f32
          %mul3A_518 = vector.broadcast %mul3A_517 : f32 to vector<16xf32>
          %mul3A_519 = arith.mulf %get3A_516, %mul3A_518 : vector<16xf32>
          %add3A_520 = arith.addf %mul3A_519, %get3A_491 : vector<16xf32>
          %add3A_521 = arith.constant 200 : i32
          %add3A_522 = arith.addi %add3A_521, %add3A_487 : i32
          %swap3A_523 = arith.constant 1 : i32
          %swap3A_524 = arith.index_cast %swap3A_523 : i32 to index
          %swap3A_525 = arith.index_cast %add3A_522 : i32 to index
          %swap3A_526 = arith.constant 0 : index
          %swap3A_527 = tpu.vector_load %arg8[%swap3A_524, %swap3A_525, %swap3A_526] {strides = array<i32>} : memref<3x400x64xf32, #tpu.memory_space<vmem>>, vector<1x1x16xf32>,
          %swap3A_528 = vector.shape_cast %swap3A_527 : vector<1x1x16xf32> to vector<16xf32>
          %swap3A_529 = vector.shape_cast %add3A_520 : vector<16xf32> to vector<1x1x16xf32>
          tpu.vector_store %arg8[%swap3A_524, %swap3A_525, %swap3A_526], %swap3A_529 {strides = array<i32>} : memref<3x400x64xf32, #tpu.memory_space<vmem>>, vector<1x1x16xf32>,
          %get3A_530 = arith.index_cast %add3A_487 : i32 to index
          %get3A_531 = arith.constant 16 : index
          %get3A_532 = tpu.vector_load %arg6[%get3A_530, %get3A_531] {strides = array<i32>} : memref<200x64xf32, #tpu.memory_space<vmem>>, vector<1x16xf32>,
          %get3A_533 = vector.shape_cast %get3A_532 : vector<1x16xf32> to vector<16xf32>
          %get3A_534 = arith.constant 1 : i32
          %get3A_535 = arith.index_cast %get3A_534 : i32 to index
          %get3A_536 = arith.index_cast %add3A_487 : i32 to index
          %get3A_537 = arith.constant 16 : index
          %get3A_538 = tpu.vector_load %arg8[%get3A_535, %get3A_536, %get3A_537] {strides = array<i32>} : memref<3x400x64xf32, #tpu.memory_space<vmem>>, vector<1x1x16xf32>,
          %get3A_539 = vector.shape_cast %get3A_538 : vector<1x1x16xf32> to vector<16xf32>
          %mul3A_540 = arith.constant 8.000000e+00 : f32
          %mul3A_541 = vector.broadcast %mul3A_540 : f32 to vector<16xf32>
          %mul3A_542 = arith.mulf %get3A_539, %mul3A_541 : vector<16xf32>
          %add3A_543 = arith.addf %mul3A_542, %get3A_533 : vector<16xf32>
          %swap3A_544 = arith.constant 1 : i32
          %swap3A_545 = arith.index_cast %swap3A_544 : i32 to index
          %swap3A_546 = arith.index_cast %add3A_487 : i32 to index
          %swap3A_547 = arith.constant 16 : index
          %swap3A_548 = tpu.vector_load %arg8[%swap3A_545, %swap3A_546, %swap3A_547] {strides = array<i32>} : memref<3x400x64xf32, #tpu.memory_space<vmem>>, vector<1x1x16xf32>,
          %swap3A_549 = vector.shape_cast %swap3A_548 : vector<1x1x16xf32> to vector<16xf32>
          %swap3A_550 = vector.shape_cast %add3A_543 : vector<16xf32> to vector<1x1x16xf32>
          tpu.vector_store %arg8[%swap3A_545, %swap3A_546, %swap3A_547], %swap3A_550 {strides = array<i32>} : memref<3x400x64xf32, #tpu.memory_space<vmem>>, vector<1x1x16xf32>,
          %add3A_551 = arith.constant 200 : i32
          %add3A_552 = arith.addi %add3A_551, %add3A_487 : i32
          %get3A_553 = arith.constant 1 : i32
          %get3A_554 = arith.index_cast %get3A_553 : i32 to index
          %get3A_555 = arith.index_cast %add3A_552 : i32 to index
          %get3A_556 = arith.constant 16 : index
          %get3A_557 = tpu.vector_load %arg8[%get3A_554, %get3A_555, %get3A_556] {strides = array<i32>} : memref<3x400x64xf32, #tpu.memory_space<vmem>>, vector<1x1x16xf32>,
          %get3A_558 = vector.shape_cast %get3A_557 : vector<1x1x16xf32> to vector<16xf32>
          %mul3A_559 = arith.constant 8.000000e+00 : f32
          %mul3A_560 = vector.broadcast %mul3A_559 : f32 to vector<16xf32>
          %mul3A_561 = arith.mulf %get3A_558, %mul3A_560 : vector<16xf32>
          %add3A_562 = arith.addf %mul3A_561, %get3A_533 : vector<16xf32>
          %add3A_563 = arith.constant 200 : i32
          %add3A_564 = arith.addi %add3A_563, %add3A_487 : i32
          %swap3A_565 = arith.constant 1 : i32
          %swap3A_566 = arith.index_cast %swap3A_565 : i32 to index
          %swap3A_567 = arith.index_cast %add3A_564 : i32 to index
          %swap3A_568 = arith.constant 16 : index
          %swap3A_569 = tpu.vector_load %arg8[%swap3A_566, %swap3A_567, %swap3A_568] {strides = array<i32>} : memref<3x400x64xf32, #tpu.memory_space<vmem>>, vector<1x1x16xf32>,
          %swap3A_570 = vector.shape_cast %swap3A_569 : vector<1x1x16xf32> to vector<16xf32>
          %swap3A_571 = vector.shape_cast %add3A_562 : vector<16xf32> to vector<1x1x16xf32>
          tpu.vector_store %arg8[%swap3A_566, %swap3A_567, %swap3A_568], %swap3A_571 {strides = array<i32>} : memref<3x400x64xf32, #tpu.memory_space<vmem>>, vector<1x1x16xf32>,
          %get3A_572 = arith.index_cast %add3A_487 : i32 to index
          %get3A_573 = arith.constant 32 : index
          %get3A_574 = tpu.vector_load %arg6[%get3A_572, %get3A_573] {strides = array<i32>} : memref<200x64xf32, #tpu.memory_space<vmem>>, vector<1x16xf32>,
          %get3A_575 = vector.shape_cast %get3A_574 : vector<1x16xf32> to vector<16xf32>
          %get3A_576 = arith.constant 1 : i32
          %get3A_577 = arith.index_cast %get3A_576 : i32 to index
          %get3A_578 = arith.index_cast %add3A_487 : i32 to index
          %get3A_579 = arith.constant 32 : index
          %get3A_580 = tpu.vector_load %arg8[%get3A_577, %get3A_578, %get3A_579] {strides = array<i32>} : memref<3x400x64xf32, #tpu.memory_space<vmem>>, vector<1x1x16xf32>,
          %get3A_581 = vector.shape_cast %get3A_580 : vector<1x1x16xf32> to vector<16xf32>
          %mul3A_582 = arith.constant 8.000000e+00 : f32
          %mul3A_583 = vector.broadcast %mul3A_582 : f32 to vector<16xf32>
          %mul3A_584 = arith.mulf %get3A_581, %mul3A_583 : vector<16xf32>
          %add3A_585 = arith.addf %mul3A_584, %get3A_575 : vector<16xf32>
          %swap3A_586 = arith.constant 1 : i32
          %swap3A_587 = arith.index_cast %swap3A_586 : i32 to index
          %swap3A_588 = arith.index_cast %add3A_487 : i32 to index
          %swap3A_589 = arith.constant 32 : index
          %swap3A_590 = tpu.vector_load %arg8[%swap3A_587, %swap3A_588, %swap3A_589] {strides = array<i32>} : memref<3x400x64xf32, #tpu.memory_space<vmem>>, vector<1x1x16xf32>,
          %swap3A_591 = vector.shape_cast %swap3A_590 : vector<1x1x16xf32> to vector<16xf32>
          %swap3A_592 = vector.shape_cast %add3A_585 : vector<16xf32> to vector<1x1x16xf32>
          tpu.vector_store %arg8[%swap3A_587, %swap3A_588, %swap3A_589], %swap3A_592 {strides = array<i32>} : memref<3x400x64xf32, #tpu.memory_space<vmem>>, vector<1x1x16xf32>,
          %add3A_593 = arith.constant 200 : i32
          %add3A_594 = arith.addi %add3A_593, %add3A_487 : i32
          %get3A_595 = arith.constant 1 : i32
          %get3A_596 = arith.index_cast %get3A_595 : i32 to index
          %get3A_597 = arith.index_cast %add3A_594 : i32 to index
          %get3A_598 = arith.constant 32 : index
          %get3A_599 = tpu.vector_load %arg8[%get3A_596, %get3A_597, %get3A_598] {strides = array<i32>} : memref<3x400x64xf32, #tpu.memory_space<vmem>>, vector<1x1x16xf32>,
          %get3A_600 = vector.shape_cast %get3A_599 : vector<1x1x16xf32> to vector<16xf32>
          %mul3A_601 = arith.constant 8.000000e+00 : f32
          %mul3A_602 = vector.broadcast %mul3A_601 : f32 to vector<16xf32>
          %mul3A_603 = arith.mulf %get3A_600, %mul3A_602 : vector<16xf32>
          %add3A_604 = arith.addf %mul3A_603, %get3A_575 : vector<16xf32>
          %add3A_605 = arith.constant 200 : i32
          %add3A_606 = arith.addi %add3A_605, %add3A_487 : i32
          %swap3A_607 = arith.constant 1 : i32
          %swap3A_608 = arith.index_cast %swap3A_607 : i32 to index
          %swap3A_609 = arith.index_cast %add3A_606 : i32 to index
          %swap3A_610 = arith.constant 32 : index
          %swap3A_611 = tpu.vector_load %arg8[%swap3A_608, %swap3A_609, %swap3A_610] {strides = array<i32>} : memref<3x400x64xf32, #tpu.memory_space<vmem>>, vector<1x1x16xf32>,
          %swap3A_612 = vector.shape_cast %swap3A_611 : vector<1x1x16xf32> to vector<16xf32>
          %swap3A_613 = vector.shape_cast %add3A_604 : vector<16xf32> to vector<1x1x16xf32>
          tpu.vector_store %arg8[%swap3A_608, %swap3A_609, %swap3A_610], %swap3A_613 {strides = array<i32>} : memref<3x400x64xf32, #tpu.memory_space<vmem>>, vector<1x1x16xf32>,
          %get3A_614 = arith.index_cast %add3A_487 : i32 to index
          %get3A_615 = arith.constant 48 : index
          %get3A_616 = tpu.vector_load %arg6[%get3A_614, %get3A_615] {strides = array<i32>} : memref<200x64xf32, #tpu.memory_space<vmem>>, vector<1x16xf32>,
          %get3A_617 = vector.shape_cast %get3A_616 : vector<1x16xf32> to vector<16xf32>
          %get3A_618 = arith.constant 1 : i32
          %get3A_619 = arith.index_cast %get3A_618 : i32 to index
          %get3A_620 = arith.index_cast %add3A_487 : i32 to index
          %get3A_621 = arith.constant 48 : index
          %get3A_622 = tpu.vector_load %arg8[%get3A_619, %get3A_620, %get3A_621] {strides = array<i32>} : memref<3x400x64xf32, #tpu.memory_space<vmem>>, vector<1x1x16xf32>,
          %get3A_623 = vector.shape_cast %get3A_622 : vector<1x1x16xf32> to vector<16xf32>
          %mul3A_624 = arith.constant 8.000000e+00 : f32
          %mul3A_625 = vector.broadcast %mul3A_624 : f32 to vector<16xf32>
          %mul3A_626 = arith.mulf %get3A_623, %mul3A_625 : vector<16xf32>
          %add3A_627 = arith.addf %mul3A_626, %get3A_617 : vector<16xf32>
          %swap3A_628 = arith.constant 1 : i32
          %swap3A_629 = arith.index_cast %swap3A_628 : i32 to index
          %swap3A_630 = arith.index_cast %add3A_487 : i32 to index
          %swap3A_631 = arith.constant 48 : index
          %swap3A_632 = tpu.vector_load %arg8[%swap3A_629, %swap3A_630, %swap3A_631] {strides = array<i32>} : memref<3x400x64xf32, #tpu.memory_space<vmem>>, vector<1x1x16xf32>,
          %swap3A_633 = vector.shape_cast %swap3A_632 : vector<1x1x16xf32> to vector<16xf32>
          %swap3A_634 = vector.shape_cast %add3A_627 : vector<16xf32> to vector<1x1x16xf32>
          tpu.vector_store %arg8[%swap3A_629, %swap3A_630, %swap3A_631], %swap3A_634 {strides = array<i32>} : memref<3x400x64xf32, #tpu.memory_space<vmem>>, vector<1x1x16xf32>,
          %add3A_635 = arith.constant 200 : i32
          %add3A_636 = arith.addi %add3A_635, %add3A_487 : i32
          %get3A_637 = arith.constant 1 : i32
          %get3A_638 = arith.index_cast %get3A_637 : i32 to index
          %get3A_639 = arith.index_cast %add3A_636 : i32 to index
          %get3A_640 = arith.constant 48 : index
          %get3A_641 = tpu.vector_load %arg8[%get3A_638, %get3A_639, %get3A_640] {strides = array<i32>} : memref<3x400x64xf32, #tpu.memory_space<vmem>>, vector<1x1x16xf32>,
          %get3A_642 = vector.shape_cast %get3A_641 : vector<1x1x16xf32> to vector<16xf32>
          %mul3A_643 = arith.constant 8.000000e+00 : f32
          %mul3A_644 = vector.broadcast %mul3A_643 : f32 to vector<16xf32>
          %mul3A_645 = arith.mulf %get3A_642, %mul3A_644 : vector<16xf32>
          %add3A_646 = arith.addf %mul3A_645, %get3A_617 : vector<16xf32>
          %add3A_647 = arith.constant 200 : i32
          %add3A_648 = arith.addi %add3A_647, %add3A_487 : i32
          %swap3A_649 = arith.constant 1 : i32
          %swap3A_650 = arith.index_cast %swap3A_649 : i32 to index
          %swap3A_651 = arith.index_cast %add3A_648 : i32 to index
          %swap3A_652 = arith.constant 48 : index
          %swap3A_653 = tpu.vector_load %arg8[%swap3A_650, %swap3A_651, %swap3A_652] {strides = array<i32>} : memref<3x400x64xf32, #tpu.memory_space<vmem>>, vector<1x1x16xf32>,
          %swap3A_654 = vector.shape_cast %swap3A_653 : vector<1x1x16xf32> to vector<16xf32>
          %swap3A_655 = vector.shape_cast %add3A_646 : vector<16xf32> to vector<1x1x16xf32>
          tpu.vector_store %arg8[%swap3A_650, %swap3A_651, %swap3A_652], %swap3A_655 {strides = array<i32>} : memref<3x400x64xf32, #tpu.memory_space<vmem>>, vector<1x1x16xf32>,
        }
        %scan3A_294 = arith.constant 200 : i32
        %mul3A_295 = arith.constant 400 : i32
        %mul3A_296 = arith.muli %add3A_190, %mul3A_295 : i32
        %add3A_297 = arith.addi %mul3A_2, %mul3A_296 : i32
        %dma_start3A_298 = arith.constant 1 : i32
        %dma_start3A_299 = arith.constant 0 : i32
        %dma_start3A_300 = arith.constant 0 : i32
        %dma_start3A_301 = tpu.memref_slice %arg8[%dma_start3A_298, %dma_start3A_299, %dma_start3A_300] : memref<3x400x64xf32, #tpu.memory_space<vmem>> -> memref<1x400x64xf32, #tpu.memory_space<vmem>>
        %dma_start3A_302 = tpu.memref_squeeze %dma_start3A_301 : memref<1x400x64xf32, #tpu.memory_space<vmem>> -> memref<400x64xf32, #tpu.memory_space<vmem>>
        %dma_start3A_303 = arith.constant 0 : i32
        %dma_start3A_304 = tpu.memref_slice %arg5[%add3A_297, %dma_start3A_303] : memref<819200x64xf32, #tpu.memory_space<hbm>> -> memref<400x64xf32, #tpu.memory_space<hbm>>
        %dma_start3A_305 = arith.constant 0 : i32
        %dma_start3A_306 = tpu.memref_slice %arg5[%add3A_297, %dma_start3A_305] : memref<819200x64xf32, #tpu.memory_space<hbm>> -> memref<400x64xf32, #tpu.memory_space<hbm>>
        %dma_start3A_307 = arith.constant 0 : i32
        %dma_start3A_308 = arith.constant 0 : i32
        %dma_start3A_309 = tpu.memref_slice %arg8[%dma_start3A_298, %dma_start3A_307, %dma_start3A_308] : memref<3x400x64xf32, #tpu.memory_space<vmem>> -> memref<1x400x64xf32, #tpu.memory_space<vmem>>
        %dma_start3A_310 = tpu.memref_squeeze %dma_start3A_309 : memref<1x400x64xf32, #tpu.memory_space<vmem>> -> memref<400x64xf32, #tpu.memory_space<vmem>>
        tpu.enqueue_dma source(%dma_start3A_310 : memref<400x64xf32, #tpu.memory_space<vmem>>) target(%dma_start3A_306 : memref<400x64xf32, #tpu.memory_space<hbm>>) target_semaphore(%arg13 : memref<!tpu.dma_semaphore, #tpu.memory_space<semaphore_mem>>)
      } else {
      }
      %add3A_196 = arith.constant 2 : i32
      %add3A_197 = arith.addi %add3A_184, %add3A_196 : i32
      %lt3A_198 = arith.constant 64 : i32
      %lt3A_199 = arith.cmpi slt, %add3A_197, %lt3A_198 : i32
      %convert_element_type3A_200 = arith.extui %lt3A_199 : i1 to i32
      %cond3A_201 = arith.constant 0 : i32
      %cond3A_202 = arith.cmpi ne, %convert_element_type3A_200, %cond3A_201 : i32
      scf.if %cond3A_202 {
        %add3A_203 = arith.constant 2 : i32
        %add3A_204 = arith.addi %add3A_197, %add3A_203 : i32
        %lt3A_205 = arith.constant 64 : i32
        %lt3A_206 = arith.cmpi slt, %add3A_204, %lt3A_205 : i32
        %convert_element_type3A_207 = arith.extui %lt3A_206 : i1 to i32
        %cond3A_208 = arith.constant 0 : i32
        %cond3A_209 = arith.cmpi ne, %convert_element_type3A_207, %cond3A_208 : i32
        scf.if %cond3A_209 {
          %ge3A = arith.constant 1 : i32
          %ge3A_311 = arith.cmpi sge, %add3A_197, %ge3A : i32
          %convert_element_type3A_312 = arith.extui %ge3A_311 : i1 to i32
          %cond3A_313 = arith.constant 0 : i32
          %cond3A_314 = arith.cmpi ne, %convert_element_type3A_312, %cond3A_313 : i32
          scf.if %cond3A_314 {
            %sub3A = arith.constant 1 : i32
            %sub3A_405 = arith.subi %add3A_197, %sub3A : i32
            %mul3A_406 = arith.constant 400 : i32
            %mul3A_407 = arith.muli %sub3A_405, %mul3A_406 : i32
            %add3A_408 = arith.addi %mul3A_2, %mul3A_407 : i32
            %dma_wait3A_409 = arith.constant 1 : i32
            %dma_wait3A_410 = arith.constant 0 : i32
            %dma_wait3A_411 = arith.constant 0 : i32
            %dma_wait3A_412 = tpu.memref_slice %arg8[%dma_wait3A_409, %dma_wait3A_410, %dma_wait3A_411] : memref<3x400x64xf32, #tpu.memory_space<vmem>> -> memref<1x400x64xf32, #tpu.memory_space<vmem>>
            %dma_wait3A_413 = tpu.memref_squeeze %dma_wait3A_412 : memref<1x400x64xf32, #tpu.memory_space<vmem>> -> memref<400x64xf32, #tpu.memory_space<vmem>>
            %dma_wait3A_414 = arith.constant 0 : i32
            %dma_wait3A_415 = tpu.memref_slice %arg5[%add3A_408, %dma_wait3A_414] : memref<819200x64xf32, #tpu.memory_space<hbm>> -> memref<400x64xf32, #tpu.memory_space<hbm>>
            %dma_wait3A_416 = arith.constant 0 : i32
            %dma_wait3A_417 = tpu.memref_slice %arg5[%add3A_408, %dma_wait3A_416] : memref<819200x64xf32, #tpu.memory_space<hbm>> -> memref<400x64xf32, #tpu.memory_space<hbm>>
            %dma_wait3A_418 = arith.constant 0 : i32
            %dma_wait3A_419 = arith.constant 0 : i32
            %dma_wait3A_420 = tpu.memref_slice %arg8[%dma_wait3A_409, %dma_wait3A_418, %dma_wait3A_419] : memref<3x400x64xf32, #tpu.memory_space<vmem>> -> memref<1x400x64xf32, #tpu.memory_space<vmem>>
            %dma_wait3A_421 = tpu.memref_squeeze %dma_wait3A_420 : memref<1x400x64xf32, #tpu.memory_space<vmem>> -> memref<400x64xf32, #tpu.memory_space<vmem>>
            tpu.wait_dma2 semaphore(%arg13 : memref<!tpu.dma_semaphore, #tpu.memory_space<semaphore_mem>>) src(%dma_wait3A_421 : memref<400x64xf32, #tpu.memory_space<vmem>>) dst(%dma_wait3A_417 : memref<400x64xf32, #tpu.memory_space<hbm>>)
          } else {
          }
          %add3A_315 = arith.constant 2 : i32
          %add3A_316 = arith.addi %add3A_197, %add3A_315 : i32
          %mul3A_317 = arith.constant 400 : i32
          %mul3A_318 = arith.muli %add3A_316, %mul3A_317 : i32
          %add3A_319 = arith.constant 0 : i32
          %add3A_320 = arith.addi %mul3A_318, %add3A_319 : i32
          %dma_start3A_321 = arith.constant 1 : i32
          %dma_start3A_322 = arith.constant 0 : i32
          %dma_start3A_323 = arith.constant 0 : i32
          %dma_start3A_324 = tpu.memref_slice %arg8[%dma_start3A_321, %dma_start3A_322, %dma_start3A_323] : memref<3x400x64xf32, #tpu.memory_space<vmem>> -> memref<1x400x64xf32, #tpu.memory_space<vmem>>
          %dma_start3A_325 = tpu.memref_squeeze %dma_start3A_324 : memref<1x400x64xf32, #tpu.memory_space<vmem>> -> memref<400x64xf32, #tpu.memory_space<vmem>>
          %dma_start3A_326 = arith.constant 0 : i32
          %dma_start3A_327 = arith.constant 0 : i32
          %dma_start3A_328 = tpu.memref_slice %dma_start3A_325[%dma_start3A_326, %dma_start3A_327] : memref<400x64xf32, #tpu.memory_space<vmem>> -> memref<80x64xf32, #tpu.memory_space<vmem>>
          %dma_start3A_329 = tpu.memref_slice %arg7[%add3A_320] : memref<25600xi32, #tpu.memory_space<vmem>> -> memref<80xi32, #tpu.memory_space<vmem>>
          %dma_start3A_330 = arith.constant 0 : i32
          %dma_start3A_331 = arith.constant 0 : i32
          %dma_start3A_332 = tpu.memref_slice %arg2[%dma_start3A_330, %dma_start3A_331] : memref<1000000x64xf32, #tpu.memory_space<hbm>> -> memref<1000000x64xf32, #tpu.memory_space<hbm>>
          tpu.enqueue_indirect_dma source(%dma_start3A_332 : memref<1000000x64xf32, #tpu.memory_space<hbm>>) target(%dma_start3A_328 : memref<80x64xf32, #tpu.memory_space<vmem>>) offsets(%dma_start3A_329 : memref<80xi32, #tpu.memory_space<vmem>>) semaphore(%arg10 : memref<!tpu.dma_semaphore, #tpu.memory_space<semaphore_mem>>)
          %add3A_333 = arith.constant 2 : i32
          %add3A_334 = arith.addi %add3A_197, %add3A_333 : i32
          %mul3A_335 = arith.constant 400 : i32
          %mul3A_336 = arith.muli %add3A_334, %mul3A_335 : i32
          %add3A_337 = arith.constant 80 : i32
          %add3A_338 = arith.addi %mul3A_336, %add3A_337 : i32
          %dma_start3A_339 = arith.constant 1 : i32
          %dma_start3A_340 = arith.constant 0 : i32
          %dma_start3A_341 = arith.constant 0 : i32
          %dma_start3A_342 = tpu.memref_slice %arg8[%dma_start3A_339, %dma_start3A_340, %dma_start3A_341] : memref<3x400x64xf32, #tpu.memory_space<vmem>> -> memref<1x400x64xf32, #tpu.memory_space<vmem>>
          %dma_start3A_343 = tpu.memref_squeeze %dma_start3A_342 : memref<1x400x64xf32, #tpu.memory_space<vmem>> -> memref<400x64xf32, #tpu.memory_space<vmem>>
          %dma_start3A_344 = arith.constant 80 : i32
          %dma_start3A_345 = arith.constant 0 : i32
          %dma_start3A_346 = tpu.memref_slice %dma_start3A_343[%dma_start3A_344, %dma_start3A_345] : memref<400x64xf32, #tpu.memory_space<vmem>> -> memref<80x64xf32, #tpu.memory_space<vmem>>
          %dma_start3A_347 = tpu.memref_slice %arg7[%add3A_338] : memref<25600xi32, #tpu.memory_space<vmem>> -> memref<80xi32, #tpu.memory_space<vmem>>
          %dma_start3A_348 = arith.constant 0 : i32
          %dma_start3A_349 = arith.constant 0 : i32
          %dma_start3A_350 = tpu.memref_slice %arg2[%dma_start3A_348, %dma_start3A_349] : memref<1000000x64xf32, #tpu.memory_space<hbm>> -> memref<1000000x64xf32, #tpu.memory_space<hbm>>
          tpu.enqueue_indirect_dma source(%dma_start3A_350 : memref<1000000x64xf32, #tpu.memory_space<hbm>>) target(%dma_start3A_346 : memref<80x64xf32, #tpu.memory_space<vmem>>) offsets(%dma_start3A_347 : memref<80xi32, #tpu.memory_space<vmem>>) semaphore(%arg10 : memref<!tpu.dma_semaphore, #tpu.memory_space<semaphore_mem>>)
          %add3A_351 = arith.constant 2 : i32
          %add3A_352 = arith.addi %add3A_197, %add3A_351 : i32
          %mul3A_353 = arith.constant 400 : i32
          %mul3A_354 = arith.muli %add3A_352, %mul3A_353 : i32
          %add3A_355 = arith.constant 160 : i32
          %add3A_356 = arith.addi %mul3A_354, %add3A_355 : i32
          %dma_start3A_357 = arith.constant 1 : i32
          %dma_start3A_358 = arith.constant 0 : i32
          %dma_start3A_359 = arith.constant 0 : i32
          %dma_start3A_360 = tpu.memref_slice %arg8[%dma_start3A_357, %dma_start3A_358, %dma_start3A_359] : memref<3x400x64xf32, #tpu.memory_space<vmem>> -> memref<1x400x64xf32, #tpu.memory_space<vmem>>
          %dma_start3A_361 = tpu.memref_squeeze %dma_start3A_360 : memref<1x400x64xf32, #tpu.memory_space<vmem>> -> memref<400x64xf32, #tpu.memory_space<vmem>>
          %dma_start3A_362 = arith.constant 160 : i32
          %dma_start3A_363 = arith.constant 0 : i32
          %dma_start3A_364 = tpu.memref_slice %dma_start3A_361[%dma_start3A_362, %dma_start3A_363] : memref<400x64xf32, #tpu.memory_space<vmem>> -> memref<80x64xf32, #tpu.memory_space<vmem>>
          %dma_start3A_365 = tpu.memref_slice %arg7[%add3A_356] : memref<25600xi32, #tpu.memory_space<vmem>> -> memref<80xi32, #tpu.memory_space<vmem>>
          %dma_start3A_366 = arith.constant 0 : i32
          %dma_start3A_367 = arith.constant 0 : i32
          %dma_start3A_368 = tpu.memref_slice %arg2[%dma_start3A_366, %dma_start3A_367] : memref<1000000x64xf32, #tpu.memory_space<hbm>> -> memref<1000000x64xf32, #tpu.memory_space<hbm>>
          tpu.enqueue_indirect_dma source(%dma_start3A_368 : memref<1000000x64xf32, #tpu.memory_space<hbm>>) target(%dma_start3A_364 : memref<80x64xf32, #tpu.memory_space<vmem>>) offsets(%dma_start3A_365 : memref<80xi32, #tpu.memory_space<vmem>>) semaphore(%arg10 : memref<!tpu.dma_semaphore, #tpu.memory_space<semaphore_mem>>)
          %add3A_369 = arith.constant 2 : i32
          %add3A_370 = arith.addi %add3A_197, %add3A_369 : i32
          %mul3A_371 = arith.constant 400 : i32
          %mul3A_372 = arith.muli %add3A_370, %mul3A_371 : i32
          %add3A_373 = arith.constant 240 : i32
          %add3A_374 = arith.addi %mul3A_372, %add3A_373 : i32
          %dma_start3A_375 = arith.constant 1 : i32
          %dma_start3A_376 = arith.constant 0 : i32
          %dma_start3A_377 = arith.constant 0 : i32
          %dma_start3A_378 = tpu.memref_slice %arg8[%dma_start3A_375, %dma_start3A_376, %dma_start3A_377] : memref<3x400x64xf32, #tpu.memory_space<vmem>> -> memref<1x400x64xf32, #tpu.memory_space<vmem>>
          %dma_start3A_379 = tpu.memref_squeeze %dma_start3A_378 : memref<1x400x64xf32, #tpu.memory_space<vmem>> -> memref<400x64xf32, #tpu.memory_space<vmem>>
          %dma_start3A_380 = arith.constant 240 : i32
          %dma_start3A_381 = arith.constant 0 : i32
          %dma_start3A_382 = tpu.memref_slice %dma_start3A_379[%dma_start3A_380, %dma_start3A_381] : memref<400x64xf32, #tpu.memory_space<vmem>> -> memref<80x64xf32, #tpu.memory_space<vmem>>
          %dma_start3A_383 = tpu.memref_slice %arg7[%add3A_374] : memref<25600xi32, #tpu.memory_space<vmem>> -> memref<80xi32, #tpu.memory_space<vmem>>
          %dma_start3A_384 = arith.constant 0 : i32
          %dma_start3A_385 = arith.constant 0 : i32
          %dma_start3A_386 = tpu.memref_slice %arg2[%dma_start3A_384, %dma_start3A_385] : memref<1000000x64xf32, #tpu.memory_space<hbm>> -> memref<1000000x64xf32, #tpu.memory_space<hbm>>
          tpu.enqueue_indirect_dma source(%dma_start3A_386 : memref<1000000x64xf32, #tpu.memory_space<hbm>>) target(%dma_start3A_382 : memref<80x64xf32, #tpu.memory_space<vmem>>) offsets(%dma_start3A_383 : memref<80xi32, #tpu.memory_space<vmem>>) semaphore(%arg10 : memref<!tpu.dma_semaphore, #tpu.memory_space<semaphore_mem>>)
          %add3A_387 = arith.constant 2 : i32
          %add3A_388 = arith.addi %add3A_197, %add3A_387 : i32
          %mul3A_389 = arith.constant 400 : i32
          %mul3A_390 = arith.muli %add3A_388, %mul3A_389 : i32
          %add3A_391 = arith.constant 320 : i32
          %add3A_392 = arith.addi %mul3A_390, %add3A_391 : i32
          %dma_start3A_393 = arith.constant 1 : i32
          %dma_start3A_394 = arith.constant 0 : i32
          %dma_start3A_395 = arith.constant 0 : i32
          %dma_start3A_396 = tpu.memref_slice %arg8[%dma_start3A_393, %dma_start3A_394, %dma_start3A_395] : memref<3x400x64xf32, #tpu.memory_space<vmem>> -> memref<1x400x64xf32, #tpu.memory_space<vmem>>
          %dma_start3A_397 = tpu.memref_squeeze %dma_start3A_396 : memref<1x400x64xf32, #tpu.memory_space<vmem>> -> memref<400x64xf32, #tpu.memory_space<vmem>>
          %dma_start3A_398 = arith.constant 320 : i32
          %dma_start3A_399 = arith.constant 0 : i32
          %dma_start3A_400 = tpu.memref_slice %dma_start3A_397[%dma_start3A_398, %dma_start3A_399] : memref<400x64xf32, #tpu.memory_space<vmem>> -> memref<80x64xf32, #tpu.memory_space<vmem>>
          %dma_start3A_401 = tpu.memref_slice %arg7[%add3A_392] : memref<25600xi32, #tpu.memory_space<vmem>> -> memref<80xi32, #tpu.memory_space<vmem>>
          %dma_start3A_402 = arith.constant 0 : i32
          %dma_start3A_403 = arith.constant 0 : i32
          %dma_start3A_404 = tpu.memref_slice %arg2[%dma_start3A_402, %dma_start3A_403] : memref<1000000x64xf32, #tpu.memory_space<hbm>> -> memref<1000000x64xf32, #tpu.memory_space<hbm>>
          tpu.enqueue_indirect_dma source(%dma_start3A_404 : memref<1000000x64xf32, #tpu.memory_space<hbm>>) target(%dma_start3A_400 : memref<80x64xf32, #tpu.memory_space<vmem>>) offsets(%dma_start3A_401 : memref<80xi32, #tpu.memory_space<vmem>>) semaphore(%arg10 : memref<!tpu.dma_semaphore, #tpu.memory_space<semaphore_mem>>)
        } else {
        }
        %mul3A_210 = arith.constant 400 : i32
        %mul3A_211 = arith.muli %add3A_197, %mul3A_210 : i32
        %add3A_212 = arith.constant 0 : i32
        %add3A_213 = arith.addi %mul3A_211, %add3A_212 : i32
        %dma_wait3A_214 = arith.constant 2 : i32
        %dma_wait3A_215 = arith.constant 0 : i32
        %dma_wait3A_216 = arith.constant 0 : i32
        %dma_wait3A_217 = tpu.memref_slice %arg8[%dma_wait3A_214, %dma_wait3A_215, %dma_wait3A_216] : memref<3x400x64xf32, #tpu.memory_space<vmem>> -> memref<1x400x64xf32, #tpu.memory_space<vmem>>
        %dma_wait3A_218 = tpu.memref_squeeze %dma_wait3A_217 : memref<1x400x64xf32, #tpu.memory_space<vmem>> -> memref<400x64xf32, #tpu.memory_space<vmem>>
        %dma_wait3A_219 = arith.constant 0 : i32
        %dma_wait3A_220 = arith.constant 0 : i32
        %dma_wait3A_221 = tpu.memref_slice %dma_wait3A_218[%dma_wait3A_219, %dma_wait3A_220] : memref<400x64xf32, #tpu.memory_space<vmem>> -> memref<80x64xf32, #tpu.memory_space<vmem>>
        %dma_wait3A_222 = tpu.memref_slice %arg7[%add3A_213] : memref<25600xi32, #tpu.memory_space<vmem>> -> memref<80xi32, #tpu.memory_space<vmem>>
        %dma_wait3A_223 = arith.constant 0 : i32
        %dma_wait3A_224 = arith.constant 0 : i32
        %dma_wait3A_225 = tpu.memref_slice %arg2[%dma_wait3A_223, %dma_wait3A_224] : memref<1000000x64xf32, #tpu.memory_space<hbm>> -> memref<1000000x64xf32, #tpu.memory_space<hbm>>
        tpu.wait_indirect_dma semaphore(%arg11 : memref<!tpu.dma_semaphore, #tpu.memory_space<semaphore_mem>>) src(%dma_wait3A_225 : memref<1000000x64xf32, #tpu.memory_space<hbm>>) dst(%dma_wait3A_221 : memref<80x64xf32, #tpu.memory_space<vmem>>)
        %mul3A_226 = arith.constant 400 : i32
        %mul3A_227 = arith.muli %add3A_197, %mul3A_226 : i32
        %add3A_228 = arith.constant 80 : i32
        %add3A_229 = arith.addi %mul3A_227, %add3A_228 : i32
        %dma_wait3A_230 = arith.constant 2 : i32
        %dma_wait3A_231 = arith.constant 0 : i32
        %dma_wait3A_232 = arith.constant 0 : i32
        %dma_wait3A_233 = tpu.memref_slice %arg8[%dma_wait3A_230, %dma_wait3A_231, %dma_wait3A_232] : memref<3x400x64xf32, #tpu.memory_space<vmem>> -> memref<1x400x64xf32, #tpu.memory_space<vmem>>
        %dma_wait3A_234 = tpu.memref_squeeze %dma_wait3A_233 : memref<1x400x64xf32, #tpu.memory_space<vmem>> -> memref<400x64xf32, #tpu.memory_space<vmem>>
        %dma_wait3A_235 = arith.constant 80 : i32
        %dma_wait3A_236 = arith.constant 0 : i32
        %dma_wait3A_237 = tpu.memref_slice %dma_wait3A_234[%dma_wait3A_235, %dma_wait3A_236] : memref<400x64xf32, #tpu.memory_space<vmem>> -> memref<80x64xf32, #tpu.memory_space<vmem>>
        %dma_wait3A_238 = tpu.memref_slice %arg7[%add3A_229] : memref<25600xi32, #tpu.memory_space<vmem>> -> memref<80xi32, #tpu.memory_space<vmem>>
        %dma_wait3A_239 = arith.constant 0 : i32
        %dma_wait3A_240 = arith.constant 0 : i32
        %dma_wait3A_241 = tpu.memref_slice %arg2[%dma_wait3A_239, %dma_wait3A_240] : memref<1000000x64xf32, #tpu.memory_space<hbm>> -> memref<1000000x64xf32, #tpu.memory_space<hbm>>
        tpu.wait_indirect_dma semaphore(%arg11 : memref<!tpu.dma_semaphore, #tpu.memory_space<semaphore_mem>>) src(%dma_wait3A_241 : memref<1000000x64xf32, #tpu.memory_space<hbm>>) dst(%dma_wait3A_237 : memref<80x64xf32, #tpu.memory_space<vmem>>)
        %mul3A_242 = arith.constant 400 : i32
        %mul3A_243 = arith.muli %add3A_197, %mul3A_242 : i32
        %add3A_244 = arith.constant 160 : i32
        %add3A_245 = arith.addi %mul3A_243, %add3A_244 : i32
        %dma_wait3A_246 = arith.constant 2 : i32
        %dma_wait3A_247 = arith.constant 0 : i32
        %dma_wait3A_248 = arith.constant 0 : i32
        %dma_wait3A_249 = tpu.memref_slice %arg8[%dma_wait3A_246, %dma_wait3A_247, %dma_wait3A_248] : memref<3x400x64xf32, #tpu.memory_space<vmem>> -> memref<1x400x64xf32, #tpu.memory_space<vmem>>
        %dma_wait3A_250 = tpu.memref_squeeze %dma_wait3A_249 : memref<1x400x64xf32, #tpu.memory_space<vmem>> -> memref<400x64xf32, #tpu.memory_space<vmem>>
        %dma_wait3A_251 = arith.constant 160 : i32
        %dma_wait3A_252 = arith.constant 0 : i32
        %dma_wait3A_253 = tpu.memref_slice %dma_wait3A_250[%dma_wait3A_251, %dma_wait3A_252] : memref<400x64xf32, #tpu.memory_space<vmem>> -> memref<80x64xf32, #tpu.memory_space<vmem>>
        %dma_wait3A_254 = tpu.memref_slice %arg7[%add3A_245] : memref<25600xi32, #tpu.memory_space<vmem>> -> memref<80xi32, #tpu.memory_space<vmem>>
        %dma_wait3A_255 = arith.constant 0 : i32
        %dma_wait3A_256 = arith.constant 0 : i32
        %dma_wait3A_257 = tpu.memref_slice %arg2[%dma_wait3A_255, %dma_wait3A_256] : memref<1000000x64xf32, #tpu.memory_space<hbm>> -> memref<1000000x64xf32, #tpu.memory_space<hbm>>
        tpu.wait_indirect_dma semaphore(%arg11 : memref<!tpu.dma_semaphore, #tpu.memory_space<semaphore_mem>>) src(%dma_wait3A_257 : memref<1000000x64xf32, #tpu.memory_space<hbm>>) dst(%dma_wait3A_253 : memref<80x64xf32, #tpu.memory_space<vmem>>)
        %mul3A_258 = arith.constant 400 : i32
        %mul3A_259 = arith.muli %add3A_197, %mul3A_258 : i32
        %add3A_260 = arith.constant 240 : i32
        %add3A_261 = arith.addi %mul3A_259, %add3A_260 : i32
        %dma_wait3A_262 = arith.constant 2 : i32
        %dma_wait3A_263 = arith.constant 0 : i32
        %dma_wait3A_264 = arith.constant 0 : i32
        %dma_wait3A_265 = tpu.memref_slice %arg8[%dma_wait3A_262, %dma_wait3A_263, %dma_wait3A_264] : memref<3x400x64xf32, #tpu.memory_space<vmem>> -> memref<1x400x64xf32, #tpu.memory_space<vmem>>
        %dma_wait3A_266 = tpu.memref_squeeze %dma_wait3A_265 : memref<1x400x64xf32, #tpu.memory_space<vmem>> -> memref<400x64xf32, #tpu.memory_space<vmem>>
        %dma_wait3A_267 = arith.constant 240 : i32
        %dma_wait3A_268 = arith.constant 0 : i32
        %dma_wait3A_269 = tpu.memref_slice %dma_wait3A_266[%dma_wait3A_267, %dma_wait3A_268] : memref<400x64xf32, #tpu.memory_space<vmem>> -> memref<80x64xf32, #tpu.memory_space<vmem>>
        %dma_wait3A_270 = tpu.memref_slice %arg7[%add3A_261] : memref<25600xi32, #tpu.memory_space<vmem>> -> memref<80xi32, #tpu.memory_space<vmem>>
        %dma_wait3A_271 = arith.constant 0 : i32
        %dma_wait3A_272 = arith.constant 0 : i32
        %dma_wait3A_273 = tpu.memref_slice %arg2[%dma_wait3A_271, %dma_wait3A_272] : memref<1000000x64xf32, #tpu.memory_space<hbm>> -> memref<1000000x64xf32, #tpu.memory_space<hbm>>
        tpu.wait_indirect_dma semaphore(%arg11 : memref<!tpu.dma_semaphore, #tpu.memory_space<semaphore_mem>>) src(%dma_wait3A_273 : memref<1000000x64xf32, #tpu.memory_space<hbm>>) dst(%dma_wait3A_269 : memref<80x64xf32, #tpu.memory_space<vmem>>)
        %mul3A_274 = arith.constant 400 : i32
        %mul3A_275 = arith.muli %add3A_197, %mul3A_274 : i32
        %add3A_276 = arith.constant 320 : i32
        %add3A_277 = arith.addi %mul3A_275, %add3A_276 : i32
        %dma_wait3A_278 = arith.constant 2 : i32
        %dma_wait3A_279 = arith.constant 0 : i32
        %dma_wait3A_280 = arith.constant 0 : i32
        %dma_wait3A_281 = tpu.memref_slice %arg8[%dma_wait3A_278, %dma_wait3A_279, %dma_wait3A_280] : memref<3x400x64xf32, #tpu.memory_space<vmem>> -> memref<1x400x64xf32, #tpu.memory_space<vmem>>
        %dma_wait3A_282 = tpu.memref_squeeze %dma_wait3A_281 : memref<1x400x64xf32, #tpu.memory_space<vmem>> -> memref<400x64xf32, #tpu.memory_space<vmem>>
        %dma_wait3A_283 = arith.constant 320 : i32
        %dma_wait3A_284 = arith.constant 0 : i32
        %dma_wait3A_285 = tpu.memref_slice %dma_wait3A_282[%dma_wait3A_283, %dma_wait3A_284] : memref<400x64xf32, #tpu.memory_space<vmem>> -> memref<80x64xf32, #tpu.memory_space<vmem>>
        %dma_wait3A_286 = tpu.memref_slice %arg7[%add3A_277] : memref<25600xi32, #tpu.memory_space<vmem>> -> memref<80xi32, #tpu.memory_space<vmem>>
        %dma_wait3A_287 = arith.constant 0 : i32
        %dma_wait3A_288 = arith.constant 0 : i32
        %dma_wait3A_289 = tpu.memref_slice %arg2[%dma_wait3A_287, %dma_wait3A_288] : memref<1000000x64xf32, #tpu.memory_space<hbm>> -> memref<1000000x64xf32, #tpu.memory_space<hbm>>
        tpu.wait_indirect_dma semaphore(%arg11 : memref<!tpu.dma_semaphore, #tpu.memory_space<semaphore_mem>>) src(%dma_wait3A_289 : memref<1000000x64xf32, #tpu.memory_space<hbm>>) dst(%dma_wait3A_285 : memref<80x64xf32, #tpu.memory_space<vmem>>)
        %scan3A_290 = arith.constant 0 : i32
        %scan3A_291 = arith.constant 200 : i32
        %scan3A_292 = arith.addi %scan3A_290, %scan3A_291 : i32
        %scan3A_293 = arith.constant 2 : i32
        scf.for %scan3A_311 = %scan3A_290 to %scan3A_292 step %scan3A_293  : i32 {
          %mul3A_312 = arith.constant 1 : i32
          %mul3A_313 = arith.muli %scan3A_311, %mul3A_312 : i32
          %add3A_314 = arith.constant 0 : i32
          %add3A_315 = arith.addi %add3A_314, %mul3A_313 : i32
          %get3A = arith.index_cast %add3A_315 : i32 to index
          %get3A_316 = arith.constant 0 : index
          %get3A_317 = tpu.vector_load %arg6[%get3A, %get3A_316] {strides = array<i32>} : memref<200x64xf32, #tpu.memory_space<vmem>>, vector<1x16xf32>,
          %get3A_318 = vector.shape_cast %get3A_317 : vector<1x16xf32> to vector<16xf32>
          %get3A_319 = arith.constant 2 : i32
          %get3A_320 = arith.index_cast %get3A_319 : i32 to index
          %get3A_321 = arith.index_cast %add3A_315 : i32 to index
          %get3A_322 = arith.constant 0 : index
          %get3A_323 = tpu.vector_load %arg8[%get3A_320, %get3A_321, %get3A_322] {strides = array<i32>} : memref<3x400x64xf32, #tpu.memory_space<vmem>>, vector<1x1x16xf32>,
          %get3A_324 = vector.shape_cast %get3A_323 : vector<1x1x16xf32> to vector<16xf32>
          %mul3A_325 = arith.constant 8.000000e+00 : f32
          %mul3A_326 = vector.broadcast %mul3A_325 : f32 to vector<16xf32>
          %mul3A_327 = arith.mulf %get3A_324, %mul3A_326 : vector<16xf32>
          %add3A_328 = arith.addf %mul3A_327, %get3A_318 : vector<16xf32>
          %swap3A = arith.constant 2 : i32
          %swap3A_329 = arith.index_cast %swap3A : i32 to index
          %swap3A_330 = arith.index_cast %add3A_315 : i32 to index
          %swap3A_331 = arith.constant 0 : index
          %swap3A_332 = tpu.vector_load %arg8[%swap3A_329, %swap3A_330, %swap3A_331] {strides = array<i32>} : memref<3x400x64xf32, #tpu.memory_space<vmem>>, vector<1x1x16xf32>,
          %swap3A_333 = vector.shape_cast %swap3A_332 : vector<1x1x16xf32> to vector<16xf32>
          %swap3A_334 = vector.shape_cast %add3A_328 : vector<16xf32> to vector<1x1x16xf32>
          tpu.vector_store %arg8[%swap3A_329, %swap3A_330, %swap3A_331], %swap3A_334 {strides = array<i32>} : memref<3x400x64xf32, #tpu.memory_space<vmem>>, vector<1x1x16xf32>,
          %add3A_335 = arith.constant 200 : i32
          %add3A_336 = arith.addi %add3A_335, %add3A_315 : i32
          %get3A_337 = arith.constant 2 : i32
          %get3A_338 = arith.index_cast %get3A_337 : i32 to index
          %get3A_339 = arith.index_cast %add3A_336 : i32 to index
          %get3A_340 = arith.constant 0 : index
          %get3A_341 = tpu.vector_load %arg8[%get3A_338, %get3A_339, %get3A_340] {strides = array<i32>} : memref<3x400x64xf32, #tpu.memory_space<vmem>>, vector<1x1x16xf32>,
          %get3A_342 = vector.shape_cast %get3A_341 : vector<1x1x16xf32> to vector<16xf32>
          %mul3A_343 = arith.constant 8.000000e+00 : f32
          %mul3A_344 = vector.broadcast %mul3A_343 : f32 to vector<16xf32>
          %mul3A_345 = arith.mulf %get3A_342, %mul3A_344 : vector<16xf32>
          %add3A_346 = arith.addf %mul3A_345, %get3A_318 : vector<16xf32>
          %add3A_347 = arith.constant 200 : i32
          %add3A_348 = arith.addi %add3A_347, %add3A_315 : i32
          %swap3A_349 = arith.constant 2 : i32
          %swap3A_350 = arith.index_cast %swap3A_349 : i32 to index
          %swap3A_351 = arith.index_cast %add3A_348 : i32 to index
          %swap3A_352 = arith.constant 0 : index
          %swap3A_353 = tpu.vector_load %arg8[%swap3A_350, %swap3A_351, %swap3A_352] {strides = array<i32>} : memref<3x400x64xf32, #tpu.memory_space<vmem>>, vector<1x1x16xf32>,
          %swap3A_354 = vector.shape_cast %swap3A_353 : vector<1x1x16xf32> to vector<16xf32>
          %swap3A_355 = vector.shape_cast %add3A_346 : vector<16xf32> to vector<1x1x16xf32>
          tpu.vector_store %arg8[%swap3A_350, %swap3A_351, %swap3A_352], %swap3A_355 {strides = array<i32>} : memref<3x400x64xf32, #tpu.memory_space<vmem>>, vector<1x1x16xf32>,
          %get3A_356 = arith.index_cast %add3A_315 : i32 to index
          %get3A_357 = arith.constant 16 : index
          %get3A_358 = tpu.vector_load %arg6[%get3A_356, %get3A_357] {strides = array<i32>} : memref<200x64xf32, #tpu.memory_space<vmem>>, vector<1x16xf32>,
          %get3A_359 = vector.shape_cast %get3A_358 : vector<1x16xf32> to vector<16xf32>
          %get3A_360 = arith.constant 2 : i32
          %get3A_361 = arith.index_cast %get3A_360 : i32 to index
          %get3A_362 = arith.index_cast %add3A_315 : i32 to index
          %get3A_363 = arith.constant 16 : index
          %get3A_364 = tpu.vector_load %arg8[%get3A_361, %get3A_362, %get3A_363] {strides = array<i32>} : memref<3x400x64xf32, #tpu.memory_space<vmem>>, vector<1x1x16xf32>,
          %get3A_365 = vector.shape_cast %get3A_364 : vector<1x1x16xf32> to vector<16xf32>
          %mul3A_366 = arith.constant 8.000000e+00 : f32
          %mul3A_367 = vector.broadcast %mul3A_366 : f32 to vector<16xf32>
          %mul3A_368 = arith.mulf %get3A_365, %mul3A_367 : vector<16xf32>
          %add3A_369 = arith.addf %mul3A_368, %get3A_359 : vector<16xf32>
          %swap3A_370 = arith.constant 2 : i32
          %swap3A_371 = arith.index_cast %swap3A_370 : i32 to index
          %swap3A_372 = arith.index_cast %add3A_315 : i32 to index
          %swap3A_373 = arith.constant 16 : index
          %swap3A_374 = tpu.vector_load %arg8[%swap3A_371, %swap3A_372, %swap3A_373] {strides = array<i32>} : memref<3x400x64xf32, #tpu.memory_space<vmem>>, vector<1x1x16xf32>,
          %swap3A_375 = vector.shape_cast %swap3A_374 : vector<1x1x16xf32> to vector<16xf32>
          %swap3A_376 = vector.shape_cast %add3A_369 : vector<16xf32> to vector<1x1x16xf32>
          tpu.vector_store %arg8[%swap3A_371, %swap3A_372, %swap3A_373], %swap3A_376 {strides = array<i32>} : memref<3x400x64xf32, #tpu.memory_space<vmem>>, vector<1x1x16xf32>,
          %add3A_377 = arith.constant 200 : i32
          %add3A_378 = arith.addi %add3A_377, %add3A_315 : i32
          %get3A_379 = arith.constant 2 : i32
          %get3A_380 = arith.index_cast %get3A_379 : i32 to index
          %get3A_381 = arith.index_cast %add3A_378 : i32 to index
          %get3A_382 = arith.constant 16 : index
          %get3A_383 = tpu.vector_load %arg8[%get3A_380, %get3A_381, %get3A_382] {strides = array<i32>} : memref<3x400x64xf32, #tpu.memory_space<vmem>>, vector<1x1x16xf32>,
          %get3A_384 = vector.shape_cast %get3A_383 : vector<1x1x16xf32> to vector<16xf32>
          %mul3A_385 = arith.constant 8.000000e+00 : f32
          %mul3A_386 = vector.broadcast %mul3A_385 : f32 to vector<16xf32>
          %mul3A_387 = arith.mulf %get3A_384, %mul3A_386 : vector<16xf32>
          %add3A_388 = arith.addf %mul3A_387, %get3A_359 : vector<16xf32>
          %add3A_389 = arith.constant 200 : i32
          %add3A_390 = arith.addi %add3A_389, %add3A_315 : i32
          %swap3A_391 = arith.constant 2 : i32
          %swap3A_392 = arith.index_cast %swap3A_391 : i32 to index
          %swap3A_393 = arith.index_cast %add3A_390 : i32 to index
          %swap3A_394 = arith.constant 16 : index
          %swap3A_395 = tpu.vector_load %arg8[%swap3A_392, %swap3A_393, %swap3A_394] {strides = array<i32>} : memref<3x400x64xf32, #tpu.memory_space<vmem>>, vector<1x1x16xf32>,
          %swap3A_396 = vector.shape_cast %swap3A_395 : vector<1x1x16xf32> to vector<16xf32>
          %swap3A_397 = vector.shape_cast %add3A_388 : vector<16xf32> to vector<1x1x16xf32>
          tpu.vector_store %arg8[%swap3A_392, %swap3A_393, %swap3A_394], %swap3A_397 {strides = array<i32>} : memref<3x400x64xf32, #tpu.memory_space<vmem>>, vector<1x1x16xf32>,
          %get3A_398 = arith.index_cast %add3A_315 : i32 to index
          %get3A_399 = arith.constant 32 : index
          %get3A_400 = tpu.vector_load %arg6[%get3A_398, %get3A_399] {strides = array<i32>} : memref<200x64xf32, #tpu.memory_space<vmem>>, vector<1x16xf32>,
          %get3A_401 = vector.shape_cast %get3A_400 : vector<1x16xf32> to vector<16xf32>
          %get3A_402 = arith.constant 2 : i32
          %get3A_403 = arith.index_cast %get3A_402 : i32 to index
          %get3A_404 = arith.index_cast %add3A_315 : i32 to index
          %get3A_405 = arith.constant 32 : index
          %get3A_406 = tpu.vector_load %arg8[%get3A_403, %get3A_404, %get3A_405] {strides = array<i32>} : memref<3x400x64xf32, #tpu.memory_space<vmem>>, vector<1x1x16xf32>,
          %get3A_407 = vector.shape_cast %get3A_406 : vector<1x1x16xf32> to vector<16xf32>
          %mul3A_408 = arith.constant 8.000000e+00 : f32
          %mul3A_409 = vector.broadcast %mul3A_408 : f32 to vector<16xf32>
          %mul3A_410 = arith.mulf %get3A_407, %mul3A_409 : vector<16xf32>
          %add3A_411 = arith.addf %mul3A_410, %get3A_401 : vector<16xf32>
          %swap3A_412 = arith.constant 2 : i32
          %swap3A_413 = arith.index_cast %swap3A_412 : i32 to index
          %swap3A_414 = arith.index_cast %add3A_315 : i32 to index
          %swap3A_415 = arith.constant 32 : index
          %swap3A_416 = tpu.vector_load %arg8[%swap3A_413, %swap3A_414, %swap3A_415] {strides = array<i32>} : memref<3x400x64xf32, #tpu.memory_space<vmem>>, vector<1x1x16xf32>,
          %swap3A_417 = vector.shape_cast %swap3A_416 : vector<1x1x16xf32> to vector<16xf32>
          %swap3A_418 = vector.shape_cast %add3A_411 : vector<16xf32> to vector<1x1x16xf32>
          tpu.vector_store %arg8[%swap3A_413, %swap3A_414, %swap3A_415], %swap3A_418 {strides = array<i32>} : memref<3x400x64xf32, #tpu.memory_space<vmem>>, vector<1x1x16xf32>,
          %add3A_419 = arith.constant 200 : i32
          %add3A_420 = arith.addi %add3A_419, %add3A_315 : i32
          %get3A_421 = arith.constant 2 : i32
          %get3A_422 = arith.index_cast %get3A_421 : i32 to index
          %get3A_423 = arith.index_cast %add3A_420 : i32 to index
          %get3A_424 = arith.constant 32 : index
          %get3A_425 = tpu.vector_load %arg8[%get3A_422, %get3A_423, %get3A_424] {strides = array<i32>} : memref<3x400x64xf32, #tpu.memory_space<vmem>>, vector<1x1x16xf32>,
          %get3A_426 = vector.shape_cast %get3A_425 : vector<1x1x16xf32> to vector<16xf32>
          %mul3A_427 = arith.constant 8.000000e+00 : f32
          %mul3A_428 = vector.broadcast %mul3A_427 : f32 to vector<16xf32>
          %mul3A_429 = arith.mulf %get3A_426, %mul3A_428 : vector<16xf32>
          %add3A_430 = arith.addf %mul3A_429, %get3A_401 : vector<16xf32>
          %add3A_431 = arith.constant 200 : i32
          %add3A_432 = arith.addi %add3A_431, %add3A_315 : i32
          %swap3A_433 = arith.constant 2 : i32
          %swap3A_434 = arith.index_cast %swap3A_433 : i32 to index
          %swap3A_435 = arith.index_cast %add3A_432 : i32 to index
          %swap3A_436 = arith.constant 32 : index
          %swap3A_437 = tpu.vector_load %arg8[%swap3A_434, %swap3A_435, %swap3A_436] {strides = array<i32>} : memref<3x400x64xf32, #tpu.memory_space<vmem>>, vector<1x1x16xf32>,
          %swap3A_438 = vector.shape_cast %swap3A_437 : vector<1x1x16xf32> to vector<16xf32>
          %swap3A_439 = vector.shape_cast %add3A_430 : vector<16xf32> to vector<1x1x16xf32>
          tpu.vector_store %arg8[%swap3A_434, %swap3A_435, %swap3A_436], %swap3A_439 {strides = array<i32>} : memref<3x400x64xf32, #tpu.memory_space<vmem>>, vector<1x1x16xf32>,
          %get3A_440 = arith.index_cast %add3A_315 : i32 to index
          %get3A_441 = arith.constant 48 : index
          %get3A_442 = tpu.vector_load %arg6[%get3A_440, %get3A_441] {strides = array<i32>} : memref<200x64xf32, #tpu.memory_space<vmem>>, vector<1x16xf32>,
          %get3A_443 = vector.shape_cast %get3A_442 : vector<1x16xf32> to vector<16xf32>
          %get3A_444 = arith.constant 2 : i32
          %get3A_445 = arith.index_cast %get3A_444 : i32 to index
          %get3A_446 = arith.index_cast %add3A_315 : i32 to index
          %get3A_447 = arith.constant 48 : index
          %get3A_448 = tpu.vector_load %arg8[%get3A_445, %get3A_446, %get3A_447] {strides = array<i32>} : memref<3x400x64xf32, #tpu.memory_space<vmem>>, vector<1x1x16xf32>,
          %get3A_449 = vector.shape_cast %get3A_448 : vector<1x1x16xf32> to vector<16xf32>
          %mul3A_450 = arith.constant 8.000000e+00 : f32
          %mul3A_451 = vector.broadcast %mul3A_450 : f32 to vector<16xf32>
          %mul3A_452 = arith.mulf %get3A_449, %mul3A_451 : vector<16xf32>
          %add3A_453 = arith.addf %mul3A_452, %get3A_443 : vector<16xf32>
          %swap3A_454 = arith.constant 2 : i32
          %swap3A_455 = arith.index_cast %swap3A_454 : i32 to index
          %swap3A_456 = arith.index_cast %add3A_315 : i32 to index
          %swap3A_457 = arith.constant 48 : index
          %swap3A_458 = tpu.vector_load %arg8[%swap3A_455, %swap3A_456, %swap3A_457] {strides = array<i32>} : memref<3x400x64xf32, #tpu.memory_space<vmem>>, vector<1x1x16xf32>,
          %swap3A_459 = vector.shape_cast %swap3A_458 : vector<1x1x16xf32> to vector<16xf32>
          %swap3A_460 = vector.shape_cast %add3A_453 : vector<16xf32> to vector<1x1x16xf32>
          tpu.vector_store %arg8[%swap3A_455, %swap3A_456, %swap3A_457], %swap3A_460 {strides = array<i32>} : memref<3x400x64xf32, #tpu.memory_space<vmem>>, vector<1x1x16xf32>,
          %add3A_461 = arith.constant 200 : i32
          %add3A_462 = arith.addi %add3A_461, %add3A_315 : i32
          %get3A_463 = arith.constant 2 : i32
          %get3A_464 = arith.index_cast %get3A_463 : i32 to index
          %get3A_465 = arith.index_cast %add3A_462 : i32 to index
          %get3A_466 = arith.constant 48 : index
          %get3A_467 = tpu.vector_load %arg8[%get3A_464, %get3A_465, %get3A_466] {strides = array<i32>} : memref<3x400x64xf32, #tpu.memory_space<vmem>>, vector<1x1x16xf32>,
          %get3A_468 = vector.shape_cast %get3A_467 : vector<1x1x16xf32> to vector<16xf32>
          %mul3A_469 = arith.constant 8.000000e+00 : f32
          %mul3A_470 = vector.broadcast %mul3A_469 : f32 to vector<16xf32>
          %mul3A_471 = arith.mulf %get3A_468, %mul3A_470 : vector<16xf32>
          %add3A_472 = arith.addf %mul3A_471, %get3A_443 : vector<16xf32>
          %add3A_473 = arith.constant 200 : i32
          %add3A_474 = arith.addi %add3A_473, %add3A_315 : i32
          %swap3A_475 = arith.constant 2 : i32
          %swap3A_476 = arith.index_cast %swap3A_475 : i32 to index
          %swap3A_477 = arith.index_cast %add3A_474 : i32 to index
          %swap3A_478 = arith.constant 48 : index
          %swap3A_479 = tpu.vector_load %arg8[%swap3A_476, %swap3A_477, %swap3A_478] {strides = array<i32>} : memref<3x400x64xf32, #tpu.memory_space<vmem>>, vector<1x1x16xf32>,
          %swap3A_480 = vector.shape_cast %swap3A_479 : vector<1x1x16xf32> to vector<16xf32>
          %swap3A_481 = vector.shape_cast %add3A_472 : vector<16xf32> to vector<1x1x16xf32>
          tpu.vector_store %arg8[%swap3A_476, %swap3A_477, %swap3A_478], %swap3A_481 {strides = array<i32>} : memref<3x400x64xf32, #tpu.memory_space<vmem>>, vector<1x1x16xf32>,
          %scan3A_482 = arith.constant 1 : i32
          %scan3A_483 = arith.addi %scan3A_311, %scan3A_482 : i32
          %mul3A_484 = arith.constant 1 : i32
          %mul3A_485 = arith.muli %scan3A_483, %mul3A_484 : i32
          %add3A_486 = arith.constant 0 : i32
          %add3A_487 = arith.addi %add3A_486, %mul3A_485 : i32
          %get3A_488 = arith.index_cast %add3A_487 : i32 to index
          %get3A_489 = arith.constant 0 : index
          %get3A_490 = tpu.vector_load %arg6[%get3A_488, %get3A_489] {strides = array<i32>} : memref<200x64xf32, #tpu.memory_space<vmem>>, vector<1x16xf32>,
          %get3A_491 = vector.shape_cast %get3A_490 : vector<1x16xf32> to vector<16xf32>
          %get3A_492 = arith.constant 2 : i32
          %get3A_493 = arith.index_cast %get3A_492 : i32 to index
          %get3A_494 = arith.index_cast %add3A_487 : i32 to index
          %get3A_495 = arith.constant 0 : index
          %get3A_496 = tpu.vector_load %arg8[%get3A_493, %get3A_494, %get3A_495] {strides = array<i32>} : memref<3x400x64xf32, #tpu.memory_space<vmem>>, vector<1x1x16xf32>,
          %get3A_497 = vector.shape_cast %get3A_496 : vector<1x1x16xf32> to vector<16xf32>
          %mul3A_498 = arith.constant 8.000000e+00 : f32
          %mul3A_499 = vector.broadcast %mul3A_498 : f32 to vector<16xf32>
          %mul3A_500 = arith.mulf %get3A_497, %mul3A_499 : vector<16xf32>
          %add3A_501 = arith.addf %mul3A_500, %get3A_491 : vector<16xf32>
          %swap3A_502 = arith.constant 2 : i32
          %swap3A_503 = arith.index_cast %swap3A_502 : i32 to index
          %swap3A_504 = arith.index_cast %add3A_487 : i32 to index
          %swap3A_505 = arith.constant 0 : index
          %swap3A_506 = tpu.vector_load %arg8[%swap3A_503, %swap3A_504, %swap3A_505] {strides = array<i32>} : memref<3x400x64xf32, #tpu.memory_space<vmem>>, vector<1x1x16xf32>,
          %swap3A_507 = vector.shape_cast %swap3A_506 : vector<1x1x16xf32> to vector<16xf32>
          %swap3A_508 = vector.shape_cast %add3A_501 : vector<16xf32> to vector<1x1x16xf32>
          tpu.vector_store %arg8[%swap3A_503, %swap3A_504, %swap3A_505], %swap3A_508 {strides = array<i32>} : memref<3x400x64xf32, #tpu.memory_space<vmem>>, vector<1x1x16xf32>,
          %add3A_509 = arith.constant 200 : i32
          %add3A_510 = arith.addi %add3A_509, %add3A_487 : i32
          %get3A_511 = arith.constant 2 : i32
          %get3A_512 = arith.index_cast %get3A_511 : i32 to index
          %get3A_513 = arith.index_cast %add3A_510 : i32 to index
          %get3A_514 = arith.constant 0 : index
          %get3A_515 = tpu.vector_load %arg8[%get3A_512, %get3A_513, %get3A_514] {strides = array<i32>} : memref<3x400x64xf32, #tpu.memory_space<vmem>>, vector<1x1x16xf32>,
          %get3A_516 = vector.shape_cast %get3A_515 : vector<1x1x16xf32> to vector<16xf32>
          %mul3A_517 = arith.constant 8.000000e+00 : f32
          %mul3A_518 = vector.broadcast %mul3A_517 : f32 to vector<16xf32>
          %mul3A_519 = arith.mulf %get3A_516, %mul3A_518 : vector<16xf32>
          %add3A_520 = arith.addf %mul3A_519, %get3A_491 : vector<16xf32>
          %add3A_521 = arith.constant 200 : i32
          %add3A_522 = arith.addi %add3A_521, %add3A_487 : i32
          %swap3A_523 = arith.constant 2 : i32
          %swap3A_524 = arith.index_cast %swap3A_523 : i32 to index
          %swap3A_525 = arith.index_cast %add3A_522 : i32 to index
          %swap3A_526 = arith.constant 0 : index
          %swap3A_527 = tpu.vector_load %arg8[%swap3A_524, %swap3A_525, %swap3A_526] {strides = array<i32>} : memref<3x400x64xf32, #tpu.memory_space<vmem>>, vector<1x1x16xf32>,
          %swap3A_528 = vector.shape_cast %swap3A_527 : vector<1x1x16xf32> to vector<16xf32>
          %swap3A_529 = vector.shape_cast %add3A_520 : vector<16xf32> to vector<1x1x16xf32>
          tpu.vector_store %arg8[%swap3A_524, %swap3A_525, %swap3A_526], %swap3A_529 {strides = array<i32>} : memref<3x400x64xf32, #tpu.memory_space<vmem>>, vector<1x1x16xf32>,
          %get3A_530 = arith.index_cast %add3A_487 : i32 to index
          %get3A_531 = arith.constant 16 : index
          %get3A_532 = tpu.vector_load %arg6[%get3A_530, %get3A_531] {strides = array<i32>} : memref<200x64xf32, #tpu.memory_space<vmem>>, vector<1x16xf32>,
          %get3A_533 = vector.shape_cast %get3A_532 : vector<1x16xf32> to vector<16xf32>
          %get3A_534 = arith.constant 2 : i32
          %get3A_535 = arith.index_cast %get3A_534 : i32 to index
          %get3A_536 = arith.index_cast %add3A_487 : i32 to index
          %get3A_537 = arith.constant 16 : index
          %get3A_538 = tpu.vector_load %arg8[%get3A_535, %get3A_536, %get3A_537] {strides = array<i32>} : memref<3x400x64xf32, #tpu.memory_space<vmem>>, vector<1x1x16xf32>,
          %get3A_539 = vector.shape_cast %get3A_538 : vector<1x1x16xf32> to vector<16xf32>
          %mul3A_540 = arith.constant 8.000000e+00 : f32
          %mul3A_541 = vector.broadcast %mul3A_540 : f32 to vector<16xf32>
          %mul3A_542 = arith.mulf %get3A_539, %mul3A_541 : vector<16xf32>
          %add3A_543 = arith.addf %mul3A_542, %get3A_533 : vector<16xf32>
          %swap3A_544 = arith.constant 2 : i32
          %swap3A_545 = arith.index_cast %swap3A_544 : i32 to index
          %swap3A_546 = arith.index_cast %add3A_487 : i32 to index
          %swap3A_547 = arith.constant 16 : index
          %swap3A_548 = tpu.vector_load %arg8[%swap3A_545, %swap3A_546, %swap3A_547] {strides = array<i32>} : memref<3x400x64xf32, #tpu.memory_space<vmem>>, vector<1x1x16xf32>,
          %swap3A_549 = vector.shape_cast %swap3A_548 : vector<1x1x16xf32> to vector<16xf32>
          %swap3A_550 = vector.shape_cast %add3A_543 : vector<16xf32> to vector<1x1x16xf32>
          tpu.vector_store %arg8[%swap3A_545, %swap3A_546, %swap3A_547], %swap3A_550 {strides = array<i32>} : memref<3x400x64xf32, #tpu.memory_space<vmem>>, vector<1x1x16xf32>,
          %add3A_551 = arith.constant 200 : i32
          %add3A_552 = arith.addi %add3A_551, %add3A_487 : i32
          %get3A_553 = arith.constant 2 : i32
          %get3A_554 = arith.index_cast %get3A_553 : i32 to index
          %get3A_555 = arith.index_cast %add3A_552 : i32 to index
          %get3A_556 = arith.constant 16 : index
          %get3A_557 = tpu.vector_load %arg8[%get3A_554, %get3A_555, %get3A_556] {strides = array<i32>} : memref<3x400x64xf32, #tpu.memory_space<vmem>>, vector<1x1x16xf32>,
          %get3A_558 = vector.shape_cast %get3A_557 : vector<1x1x16xf32> to vector<16xf32>
          %mul3A_559 = arith.constant 8.000000e+00 : f32
          %mul3A_560 = vector.broadcast %mul3A_559 : f32 to vector<16xf32>
          %mul3A_561 = arith.mulf %get3A_558, %mul3A_560 : vector<16xf32>
          %add3A_562 = arith.addf %mul3A_561, %get3A_533 : vector<16xf32>
          %add3A_563 = arith.constant 200 : i32
          %add3A_564 = arith.addi %add3A_563, %add3A_487 : i32
          %swap3A_565 = arith.constant 2 : i32
          %swap3A_566 = arith.index_cast %swap3A_565 : i32 to index
          %swap3A_567 = arith.index_cast %add3A_564 : i32 to index
          %swap3A_568 = arith.constant 16 : index
          %swap3A_569 = tpu.vector_load %arg8[%swap3A_566, %swap3A_567, %swap3A_568] {strides = array<i32>} : memref<3x400x64xf32, #tpu.memory_space<vmem>>, vector<1x1x16xf32>,
          %swap3A_570 = vector.shape_cast %swap3A_569 : vector<1x1x16xf32> to vector<16xf32>
          %swap3A_571 = vector.shape_cast %add3A_562 : vector<16xf32> to vector<1x1x16xf32>
          tpu.vector_store %arg8[%swap3A_566, %swap3A_567, %swap3A_568], %swap3A_571 {strides = array<i32>} : memref<3x400x64xf32, #tpu.memory_space<vmem>>, vector<1x1x16xf32>,
          %get3A_572 = arith.index_cast %add3A_487 : i32 to index
          %get3A_573 = arith.constant 32 : index
          %get3A_574 = tpu.vector_load %arg6[%get3A_572, %get3A_573] {strides = array<i32>} : memref<200x64xf32, #tpu.memory_space<vmem>>, vector<1x16xf32>,
          %get3A_575 = vector.shape_cast %get3A_574 : vector<1x16xf32> to vector<16xf32>
          %get3A_576 = arith.constant 2 : i32
          %get3A_577 = arith.index_cast %get3A_576 : i32 to index
          %get3A_578 = arith.index_cast %add3A_487 : i32 to index
          %get3A_579 = arith.constant 32 : index
          %get3A_580 = tpu.vector_load %arg8[%get3A_577, %get3A_578, %get3A_579] {strides = array<i32>} : memref<3x400x64xf32, #tpu.memory_space<vmem>>, vector<1x1x16xf32>,
          %get3A_581 = vector.shape_cast %get3A_580 : vector<1x1x16xf32> to vector<16xf32>
          %mul3A_582 = arith.constant 8.000000e+00 : f32
          %mul3A_583 = vector.broadcast %mul3A_582 : f32 to vector<16xf32>
          %mul3A_584 = arith.mulf %get3A_581, %mul3A_583 : vector<16xf32>
          %add3A_585 = arith.addf %mul3A_584, %get3A_575 : vector<16xf32>
          %swap3A_586 = arith.constant 2 : i32
          %swap3A_587 = arith.index_cast %swap3A_586 : i32 to index
          %swap3A_588 = arith.index_cast %add3A_487 : i32 to index
          %swap3A_589 = arith.constant 32 : index
          %swap3A_590 = tpu.vector_load %arg8[%swap3A_587, %swap3A_588, %swap3A_589] {strides = array<i32>} : memref<3x400x64xf32, #tpu.memory_space<vmem>>, vector<1x1x16xf32>,
          %swap3A_591 = vector.shape_cast %swap3A_590 : vector<1x1x16xf32> to vector<16xf32>
          %swap3A_592 = vector.shape_cast %add3A_585 : vector<16xf32> to vector<1x1x16xf32>
          tpu.vector_store %arg8[%swap3A_587, %swap3A_588, %swap3A_589], %swap3A_592 {strides = array<i32>} : memref<3x400x64xf32, #tpu.memory_space<vmem>>, vector<1x1x16xf32>,
          %add3A_593 = arith.constant 200 : i32
          %add3A_594 = arith.addi %add3A_593, %add3A_487 : i32
          %get3A_595 = arith.constant 2 : i32
          %get3A_596 = arith.index_cast %get3A_595 : i32 to index
          %get3A_597 = arith.index_cast %add3A_594 : i32 to index
          %get3A_598 = arith.constant 32 : index
          %get3A_599 = tpu.vector_load %arg8[%get3A_596, %get3A_597, %get3A_598] {strides = array<i32>} : memref<3x400x64xf32, #tpu.memory_space<vmem>>, vector<1x1x16xf32>,
          %get3A_600 = vector.shape_cast %get3A_599 : vector<1x1x16xf32> to vector<16xf32>
          %mul3A_601 = arith.constant 8.000000e+00 : f32
          %mul3A_602 = vector.broadcast %mul3A_601 : f32 to vector<16xf32>
          %mul3A_603 = arith.mulf %get3A_600, %mul3A_602 : vector<16xf32>
          %add3A_604 = arith.addf %mul3A_603, %get3A_575 : vector<16xf32>
          %add3A_605 = arith.constant 200 : i32
          %add3A_606 = arith.addi %add3A_605, %add3A_487 : i32
          %swap3A_607 = arith.constant 2 : i32
          %swap3A_608 = arith.index_cast %swap3A_607 : i32 to index
          %swap3A_609 = arith.index_cast %add3A_606 : i32 to index
          %swap3A_610 = arith.constant 32 : index
          %swap3A_611 = tpu.vector_load %arg8[%swap3A_608, %swap3A_609, %swap3A_610] {strides = array<i32>} : memref<3x400x64xf32, #tpu.memory_space<vmem>>, vector<1x1x16xf32>,
          %swap3A_612 = vector.shape_cast %swap3A_611 : vector<1x1x16xf32> to vector<16xf32>
          %swap3A_613 = vector.shape_cast %add3A_604 : vector<16xf32> to vector<1x1x16xf32>
          tpu.vector_store %arg8[%swap3A_608, %swap3A_609, %swap3A_610], %swap3A_613 {strides = array<i32>} : memref<3x400x64xf32, #tpu.memory_space<vmem>>, vector<1x1x16xf32>,
          %get3A_614 = arith.index_cast %add3A_487 : i32 to index
          %get3A_615 = arith.constant 48 : index
          %get3A_616 = tpu.vector_load %arg6[%get3A_614, %get3A_615] {strides = array<i32>} : memref<200x64xf32, #tpu.memory_space<vmem>>, vector<1x16xf32>,
          %get3A_617 = vector.shape_cast %get3A_616 : vector<1x16xf32> to vector<16xf32>
          %get3A_618 = arith.constant 2 : i32
          %get3A_619 = arith.index_cast %get3A_618 : i32 to index
          %get3A_620 = arith.index_cast %add3A_487 : i32 to index
          %get3A_621 = arith.constant 48 : index
          %get3A_622 = tpu.vector_load %arg8[%get3A_619, %get3A_620, %get3A_621] {strides = array<i32>} : memref<3x400x64xf32, #tpu.memory_space<vmem>>, vector<1x1x16xf32>,
          %get3A_623 = vector.shape_cast %get3A_622 : vector<1x1x16xf32> to vector<16xf32>
          %mul3A_624 = arith.constant 8.000000e+00 : f32
          %mul3A_625 = vector.broadcast %mul3A_624 : f32 to vector<16xf32>
          %mul3A_626 = arith.mulf %get3A_623, %mul3A_625 : vector<16xf32>
          %add3A_627 = arith.addf %mul3A_626, %get3A_617 : vector<16xf32>
          %swap3A_628 = arith.constant 2 : i32
          %swap3A_629 = arith.index_cast %swap3A_628 : i32 to index
          %swap3A_630 = arith.index_cast %add3A_487 : i32 to index
          %swap3A_631 = arith.constant 48 : index
          %swap3A_632 = tpu.vector_load %arg8[%swap3A_629, %swap3A_630, %swap3A_631] {strides = array<i32>} : memref<3x400x64xf32, #tpu.memory_space<vmem>>, vector<1x1x16xf32>,
          %swap3A_633 = vector.shape_cast %swap3A_632 : vector<1x1x16xf32> to vector<16xf32>
          %swap3A_634 = vector.shape_cast %add3A_627 : vector<16xf32> to vector<1x1x16xf32>
          tpu.vector_store %arg8[%swap3A_629, %swap3A_630, %swap3A_631], %swap3A_634 {strides = array<i32>} : memref<3x400x64xf32, #tpu.memory_space<vmem>>, vector<1x1x16xf32>,
          %add3A_635 = arith.constant 200 : i32
          %add3A_636 = arith.addi %add3A_635, %add3A_487 : i32
          %get3A_637 = arith.constant 2 : i32
          %get3A_638 = arith.index_cast %get3A_637 : i32 to index
          %get3A_639 = arith.index_cast %add3A_636 : i32 to index
          %get3A_640 = arith.constant 48 : index
          %get3A_641 = tpu.vector_load %arg8[%get3A_638, %get3A_639, %get3A_640] {strides = array<i32>} : memref<3x400x64xf32, #tpu.memory_space<vmem>>, vector<1x1x16xf32>,
          %get3A_642 = vector.shape_cast %get3A_641 : vector<1x1x16xf32> to vector<16xf32>
          %mul3A_643 = arith.constant 8.000000e+00 : f32
          %mul3A_644 = vector.broadcast %mul3A_643 : f32 to vector<16xf32>
          %mul3A_645 = arith.mulf %get3A_642, %mul3A_644 : vector<16xf32>
          %add3A_646 = arith.addf %mul3A_645, %get3A_617 : vector<16xf32>
          %add3A_647 = arith.constant 200 : i32
          %add3A_648 = arith.addi %add3A_647, %add3A_487 : i32
          %swap3A_649 = arith.constant 2 : i32
          %swap3A_650 = arith.index_cast %swap3A_649 : i32 to index
          %swap3A_651 = arith.index_cast %add3A_648 : i32 to index
          %swap3A_652 = arith.constant 48 : index
          %swap3A_653 = tpu.vector_load %arg8[%swap3A_650, %swap3A_651, %swap3A_652] {strides = array<i32>} : memref<3x400x64xf32, #tpu.memory_space<vmem>>, vector<1x1x16xf32>,
          %swap3A_654 = vector.shape_cast %swap3A_653 : vector<1x1x16xf32> to vector<16xf32>
          %swap3A_655 = vector.shape_cast %add3A_646 : vector<16xf32> to vector<1x1x16xf32>
          tpu.vector_store %arg8[%swap3A_650, %swap3A_651, %swap3A_652], %swap3A_655 {strides = array<i32>} : memref<3x400x64xf32, #tpu.memory_space<vmem>>, vector<1x1x16xf32>,
        }
        %scan3A_294 = arith.constant 200 : i32
        %mul3A_295 = arith.constant 400 : i32
        %mul3A_296 = arith.muli %add3A_197, %mul3A_295 : i32
        %add3A_297 = arith.addi %mul3A_2, %mul3A_296 : i32
        %dma_start3A_298 = arith.constant 2 : i32
        %dma_start3A_299 = arith.constant 0 : i32
        %dma_start3A_300 = arith.constant 0 : i32
        %dma_start3A_301 = tpu.memref_slice %arg8[%dma_start3A_298, %dma_start3A_299, %dma_start3A_300] : memref<3x400x64xf32, #tpu.memory_space<vmem>> -> memref<1x400x64xf32, #tpu.memory_space<vmem>>
        %dma_start3A_302 = tpu.memref_squeeze %dma_start3A_301 : memref<1x400x64xf32, #tpu.memory_space<vmem>> -> memref<400x64xf32, #tpu.memory_space<vmem>>
        %dma_start3A_303 = arith.constant 0 : i32
        %dma_start3A_304 = tpu.memref_slice %arg5[%add3A_297, %dma_start3A_303] : memref<819200x64xf32, #tpu.memory_space<hbm>> -> memref<400x64xf32, #tpu.memory_space<hbm>>
        %dma_start3A_305 = arith.constant 0 : i32
        %dma_start3A_306 = tpu.memref_slice %arg5[%add3A_297, %dma_start3A_305] : memref<819200x64xf32, #tpu.memory_space<hbm>> -> memref<400x64xf32, #tpu.memory_space<hbm>>
        %dma_start3A_307 = arith.constant 0 : i32
        %dma_start3A_308 = arith.constant 0 : i32
        %dma_start3A_309 = tpu.memref_slice %arg8[%dma_start3A_298, %dma_start3A_307, %dma_start3A_308] : memref<3x400x64xf32, #tpu.memory_space<vmem>> -> memref<1x400x64xf32, #tpu.memory_space<vmem>>
        %dma_start3A_310 = tpu.memref_squeeze %dma_start3A_309 : memref<1x400x64xf32, #tpu.memory_space<vmem>> -> memref<400x64xf32, #tpu.memory_space<vmem>>
        tpu.enqueue_dma source(%dma_start3A_310 : memref<400x64xf32, #tpu.memory_space<vmem>>) target(%dma_start3A_306 : memref<400x64xf32, #tpu.memory_space<hbm>>) target_semaphore(%arg14 : memref<!tpu.dma_semaphore, #tpu.memory_space<semaphore_mem>>)
      } else {
      }
    }
    %scan3A_135 = arith.constant 22 : i32
    %add3A_136 = arith.constant 24400 : i32
    %add3A_137 = arith.addi %mul3A_2, %add3A_136 : i32
    %dma_wait3A = arith.constant 1 : i32
    %dma_wait3A_138 = arith.constant 0 : i32
    %dma_wait3A_139 = arith.constant 0 : i32
    %dma_wait3A_140 = tpu.memref_slice %arg8[%dma_wait3A, %dma_wait3A_138, %dma_wait3A_139] : memref<3x400x64xf32, #tpu.memory_space<vmem>> -> memref<1x400x64xf32, #tpu.memory_space<vmem>>
    %dma_wait3A_141 = tpu.memref_squeeze %dma_wait3A_140 : memref<1x400x64xf32, #tpu.memory_space<vmem>> -> memref<400x64xf32, #tpu.memory_space<vmem>>
    %dma_wait3A_142 = arith.constant 0 : i32
    %dma_wait3A_143 = tpu.memref_slice %arg5[%add3A_137, %dma_wait3A_142] : memref<819200x64xf32, #tpu.memory_space<hbm>> -> memref<400x64xf32, #tpu.memory_space<hbm>>
    %dma_wait3A_144 = arith.constant 0 : i32
    %dma_wait3A_145 = tpu.memref_slice %arg5[%add3A_137, %dma_wait3A_144] : memref<819200x64xf32, #tpu.memory_space<hbm>> -> memref<400x64xf32, #tpu.memory_space<hbm>>
    %dma_wait3A_146 = arith.constant 0 : i32
    %dma_wait3A_147 = arith.constant 0 : i32
    %dma_wait3A_148 = tpu.memref_slice %arg8[%dma_wait3A, %dma_wait3A_146, %dma_wait3A_147] : memref<3x400x64xf32, #tpu.memory_space<vmem>> -> memref<1x400x64xf32, #tpu.memory_space<vmem>>
    %dma_wait3A_149 = tpu.memref_squeeze %dma_wait3A_148 : memref<1x400x64xf32, #tpu.memory_space<vmem>> -> memref<400x64xf32, #tpu.memory_space<vmem>>
    tpu.wait_dma2 semaphore(%arg13 : memref<!tpu.dma_semaphore, #tpu.memory_space<semaphore_mem>>) src(%dma_wait3A_149 : memref<400x64xf32, #tpu.memory_space<vmem>>) dst(%dma_wait3A_145 : memref<400x64xf32, #tpu.memory_space<hbm>>)
    %add3A_150 = arith.constant 24800 : i32
    %add3A_151 = arith.addi %mul3A_2, %add3A_150 : i32
    %dma_wait3A_152 = arith.constant 2 : i32
    %dma_wait3A_153 = arith.constant 0 : i32
    %dma_wait3A_154 = arith.constant 0 : i32
    %dma_wait3A_155 = tpu.memref_slice %arg8[%dma_wait3A_152, %dma_wait3A_153, %dma_wait3A_154] : memref<3x400x64xf32, #tpu.memory_space<vmem>> -> memref<1x400x64xf32, #tpu.memory_space<vmem>>
    %dma_wait3A_156 = tpu.memref_squeeze %dma_wait3A_155 : memref<1x400x64xf32, #tpu.memory_space<vmem>> -> memref<400x64xf32, #tpu.memory_space<vmem>>
    %dma_wait3A_157 = arith.constant 0 : i32
    %dma_wait3A_158 = tpu.memref_slice %arg5[%add3A_151, %dma_wait3A_157] : memref<819200x64xf32, #tpu.memory_space<hbm>> -> memref<400x64xf32, #tpu.memory_space<hbm>>
    %dma_wait3A_159 = arith.constant 0 : i32
    %dma_wait3A_160 = tpu.memref_slice %arg5[%add3A_151, %dma_wait3A_159] : memref<819200x64xf32, #tpu.memory_space<hbm>> -> memref<400x64xf32, #tpu.memory_space<hbm>>
    %dma_wait3A_161 = arith.constant 0 : i32
    %dma_wait3A_162 = arith.constant 0 : i32
    %dma_wait3A_163 = tpu.memref_slice %arg8[%dma_wait3A_152, %dma_wait3A_161, %dma_wait3A_162] : memref<3x400x64xf32, #tpu.memory_space<vmem>> -> memref<1x400x64xf32, #tpu.memory_space<vmem>>
    %dma_wait3A_164 = tpu.memref_squeeze %dma_wait3A_163 : memref<1x400x64xf32, #tpu.memory_space<vmem>> -> memref<400x64xf32, #tpu.memory_space<vmem>>
    tpu.wait_dma2 semaphore(%arg14 : memref<!tpu.dma_semaphore, #tpu.memory_space<semaphore_mem>>) src(%dma_wait3A_164 : memref<400x64xf32, #tpu.memory_space<vmem>>) dst(%dma_wait3A_160 : memref<400x64xf32, #tpu.memory_space<hbm>>)
    %add3A_165 = arith.constant 25200 : i32
    %add3A_166 = arith.addi %mul3A_2, %add3A_165 : i32
    %dma_wait3A_167 = arith.constant 0 : i32
    %dma_wait3A_168 = arith.constant 0 : i32
    %dma_wait3A_169 = arith.constant 0 : i32
    %dma_wait3A_170 = tpu.memref_slice %arg8[%dma_wait3A_167, %dma_wait3A_168, %dma_wait3A_169] : memref<3x400x64xf32, #tpu.memory_space<vmem>> -> memref<1x400x64xf32, #tpu.memory_space<vmem>>
    %dma_wait3A_171 = tpu.memref_squeeze %dma_wait3A_170 : memref<1x400x64xf32, #tpu.memory_space<vmem>> -> memref<400x64xf32, #tpu.memory_space<vmem>>
    %dma_wait3A_172 = arith.constant 0 : i32
    %dma_wait3A_173 = tpu.memref_slice %arg5[%add3A_166, %dma_wait3A_172] : memref<819200x64xf32, #tpu.memory_space<hbm>> -> memref<400x64xf32, #tpu.memory_space<hbm>>
    %dma_wait3A_174 = arith.constant 0 : i32
    %dma_wait3A_175 = tpu.memref_slice %arg5[%add3A_166, %dma_wait3A_174] : memref<819200x64xf32, #tpu.memory_space<hbm>> -> memref<400x64xf32, #tpu.memory_space<hbm>>
    %dma_wait3A_176 = arith.constant 0 : i32
    %dma_wait3A_177 = arith.constant 0 : i32
    %dma_wait3A_178 = tpu.memref_slice %arg8[%dma_wait3A_167, %dma_wait3A_176, %dma_wait3A_177] : memref<3x400x64xf32, #tpu.memory_space<vmem>> -> memref<1x400x64xf32, #tpu.memory_space<vmem>>
    %dma_wait3A_179 = tpu.memref_squeeze %dma_wait3A_178 : memref<1x400x64xf32, #tpu.memory_space<vmem>> -> memref<400x64xf32, #tpu.memory_space<vmem>>
    tpu.wait_dma2 semaphore(%arg12 : memref<!tpu.dma_semaphore, #tpu.memory_space<semaphore_mem>>) src(%dma_wait3A_179 : memref<400x64xf32, #tpu.memory_space<vmem>>) dst(%dma_wait3A_175 : memref<400x64xf32, #tpu.memory_space<hbm>>)
    return
  }
}

</mosaic_0001>

<sc_bundles>
// kernel: kernel.3.cloned.1.call-start
scs
__scs_entry_jumppad:
0x0: {  	(pc) =	sbr.rel $0x88, $3  }
0x1: {  	(tag) =	ssettag $0x0;
	lr =	simm.s32 $0x1  }
0x2: {  	[smem:$0x3F9F] =	sst lr;
	_ =	strace $0xD0000000  }
0x3: {  	_ = 	snop  }
0x4: {  	_ = 	snop  }
0x5: {  	_ = 	snop  }
0x6: {  	_ = 	snop  }
0x7: {  	_ = 	snop  }
__scs_overlays_trampoline_lowered:
0x8: {  	[smem:$0x3FAE] =	sst s0  }
0x9: {  	[smem:$0x3FAF] =	sst s1  }
0xa: {  	[smem:$0x3FB0] =	sst s2  }
0xb: {  	[smem:$0x3FB1] =	sst s3  }
0xc: {  	[smem:$0x3FB2] =	sst s4  }
0xd: {  	[smem:$0x3FB3] =	sst s5  }
0xe: {  	[smem:$0x3FB4] =	sst s6  }
0xf: {  	[smem:$0x3FB5] =	sst s7  }
0x10: {  	[smem:$0x3FB6] =	sst s8  }
0x11: {  	[smem:$0x3FB7] =	sst s9;
	s0 =	simm.s32 @!p0 $0x0  }
0x12: {  	s1 =	sld [smem:$0x3F9D];
	s0 =	simm.s32 @p0 $0x1  }
0x13: {  	[smem:$0x3FB8] =	sst s0;
	s0 =	simm.s32 @!p1 $0x0  }
0x14: {  	s2 =	sld [smem:$0x3F9C];
	s0 =	simm.s32 @p1 $0x1  }
0x15: {  	[smem:$0x3FB9] =	sst s0;
	s0 =	simm.s32 @!p2 $0x0  }
0x16: {  	s3 =	sld [smem:$0x3FDB];
	s0 =	simm.s32 @p2 $0x1  }
0x17: {  	s4 =	simm.s32 $0x1BF5;
	[smem:$0x3FBB] =	sst s0  }
0x18: {  	s0 =	sld [smem:$0x3F9E];
	_ =	swait.ge [sflag:s4], $0x0  }
0x19: {  	s7 =	sld [smem:$0x3F9F]  }
0x1a: {  	s8 =	sadd.s32 $0xFFFFE003, lr  }
0x1b: {  	s9 =	sadd.s32 $0xFFFFFEF7, lr;
	s5 =	simm.s32 $0xFFFFFFFF;
	p2 =	slt.u32 s8, $0xFFFFF086  }
0x1c: {  	p1 =	slt.u32 s9, $0xF7A;
	s5 =	simm.s32 @!p2 $0x0  }
0x1d: {  	s5 =	simm.s32 @p1 $0x1;
	p0 =	seq.s32 s7, s2  }
0x1e: {  	s7 =	smul.u32 @!p0 $0xF7A, s2;
	p2 =	seq.s32 @!p0 s5, $0x0  }
0x1f: {  	s9 =	smul.u32 $0xF7A, s1;
	s8 =	simm.s32 @!p0 $0x1BF5;
	p2 =	por !p2, p0  }
0x20: {  	[sflag:s8] =	ssyncset.s32 @!p0 $0xFFFFF086;
	s6 =	sadd.s32 @!p0 s3, s7;
	s7 =	simm.s32 @!p0 $0x108  }
0x21: {  	s3 =	sadd.s32 s3, s9;
	s6 =	sadd.s32 @!p0 $0x88, s6;
	s7 =	simm.s32 @p2 $0x1082  }
0x22: {  	[simem:s7], [sflag:s8] =	dma.local @!p0 [hbm:s6], $0xF7A  }
0x23: {  	s9 =	sor.u32 $0xD0000000, s2;
	s6 =	simm.s32 $0x108;
	_ =	swait.ge @!p0 [sflag:s8], $0x0  }
0x24: {  	s3 =	sadd.s32 $0x88, s3;
	s6 =	simm.s32 @!p1 $0x1082;
	[sflag:s4] =	ssyncset.s32 $0xFFFFF086  }
0x25: {  	[simem:s6], [sflag:s4] =	dma.local [hbm:s3], $0xF7A  }
0x26: {  	[smem:$0x3F9F] =	sst s1;
	(tag) =	ssettag s2;
	_ =	strace s9  }
0x27: {  	s1 =	sld [smem:$0x3FAF]  }
0x28: {  	s2 =	sld [smem:$0x3FB0]  }
0x29: {  	s4 =	sld [smem:$0x3FB2]  }
0x2a: {  	p0 =	seq.s32 s5, $0x0;
	s5 =	sld [smem:$0x3FB3]  }
0x2b: {  	s6 =	sld [smem:$0x3FB4]  }
0x2c: {  	s7 =	sld [smem:$0x3FB5]  }
0x2d: {  	s3 =	simm.s32 $0x108;
	s8 =	sld [smem:$0x3FB6]  }
0x2e: {  	s3 =	simm.s32 @!p0 $0x1082;
	s9 =	sld [smem:$0x3FB7]  }
0x2f: {  	lr =	sadd.s32 s0, s3;
	s0 =	sld [smem:$0x3FAE]  }
0x30: {  	s3 =	sld [smem:$0x3FB1]  }
0x31: {  	[smem:$0x3FBA] =	sst s10  }
0x32: {  	s10 =	sld [smem:$0x3FB8];
	_ =	sdelay $0x3  }
0x33: {  	p0 =	seq.s32 s10, $0x1;
	s10 =	sld [smem:$0x3FBA];
	_ =	sdelay $0x3  }
0x34: {  	[smem:$0x3FBA] =	sst s10  }
0x35: {  	s10 =	sld [smem:$0x3FB9];
	_ =	sdelay $0x3  }
0x36: {  	p1 =	seq.s32 s10, $0x1;
	s10 =	sld [smem:$0x3FBA];
	_ =	sdelay $0x3  }
0x37: {  	[smem:$0x3FBA] =	sst s10  }
0x38: {  	s10 =	sld [smem:$0x3FBB]  }
0x39: {  	_ = 	snop;
	(pc) =	sbr.ind lr, $3  }
0x3a: {  	_ = 	snop  }
0x3b: {  	_ = 	snop  }
0x3c: {  	p2 =	seq.s32 s10, $0x1;
	s10 =	sld [smem:$0x3FBA]  }
0x3d: {  	_ =	shalt  }
0x3e: {  	_ =	shalt  }
0x3f: {  	_ =	shalt  }
0x40: {  	_ =	shalt  }
0x41: {  	_ =	shalt  }
0x42: {  	_ =	shalt  }
0x43: {  	_ =	shalt  }
0x44: {  	_ =	shalt  }
0x45: {  	_ =	shalt  }
0x46: {  	_ =	shalt  }
0x47: {  	_ =	shalt  }
0x48: {  	_ =	shalt  }
0x49: {  	_ =	shalt  }
0x4a: {  	_ =	shalt  }
0x4b: {  	_ =	shalt  }
0x4c: {  	_ =	shalt  }
0x4d: {  	_ =	shalt  }
0x4e: {  	_ =	shalt  }
0x4f: {  	_ =	shalt  }
0x50: {  	_ =	shalt  }
0x51: {  	_ =	shalt  }
0x52: {  	_ =	shalt  }
0x53: {  	_ =	shalt  }
0x54: {  	_ =	shalt  }
0x55: {  	_ =	shalt  }
0x56: {  	_ =	shalt  }
0x57: {  	_ =	shalt  }
0x58: {  	_ =	shalt  }
0x59: {  	_ =	shalt  }
0x5a: {  	_ =	shalt  }
0x5b: {  	_ =	shalt  }
0x5c: {  	_ =	shalt  }
0x5d: {  	_ =	shalt  }
0x5e: {  	_ =	shalt  }
0x5f: {  	_ =	shalt  }
0x60: {  	_ =	shalt  }
0x61: {  	_ =	shalt  }
0x62: {  	_ =	shalt  }
0x63: {  	_ =	shalt  }
0x64: {  	_ =	shalt  }
0x65: {  	_ =	shalt  }
0x66: {  	_ =	shalt  }
0x67: {  	_ =	shalt  }
0x68: {  	_ =	shalt  }
0x69: {  	_ =	shalt  }
0x6a: {  	_ =	shalt  }
0x6b: {  	_ =	shalt  }
0x6c: {  	_ =	shalt  }
0x6d: {  	_ =	shalt  }
0x6e: {  	_ =	shalt  }
0x6f: {  	_ =	shalt  }
0x70: {  	_ =	shalt  }
0x71: {  	_ =	shalt  }
0x72: {  	_ =	shalt  }
0x73: {  	_ =	shalt  }
0x74: {  	_ =	shalt  }
0x75: {  	_ =	shalt  }
0x76: {  	_ =	shalt  }
0x77: {  	_ =	shalt  }
0x78: {  	_ =	shalt  }
0x79: {  	_ =	shalt  }
0x7a: {  	_ =	shalt  }
0x7b: {  	_ =	shalt  }
0x7c: {  	_ =	shalt  }
0x7d: {  	_ =	shalt  }
0x7e: {  	_ =	shalt  }
0x7f: {  	_ =	shalt  }
0x80: {  	_ =	shalt  }
0x81: {  	_ =	shalt  }
0x82: {  	_ =	shalt  }
0x83: {  	_ =	shalt  }
0x84: {  	_ =	shalt  }
0x85: {  	_ =	shalt  }
0x86: {  	_ =	shalt  }
0x87: {  	_ =	shalt  }
.Lfunc_end0:
.L_simem_size_0:
called_computation.1_lowered:
.L_overlay_start_0:
0x88: {  	s2 =	sld [smem:$0x3FD9]  }
0x89: {  	s3 =	sld [smem:$0x3FFE];
	_ =	sdelay $0x1  }
0x8a: {  	s1 =	srdreg.scid  }
0x8b: {  	s0 =	sand.u32 $0x1, s1  }
0x8c: {  	s17 =	sshll.u32 s0, $0xA;
	s2 =	sadd.s32 s3, s2  }
0x8d: {  	s2 =	sadd.s32 s2, s17  }
0x8e: {  	[smem:$0x3FC6] =	sst s2  }
0x8f: {  	_ = 	snop  }
0x90: {  	s2 =	sld [smem:$0x3FD0];
	(tm) =	ssettm $0x1  }
0x91: {  	s18 =	sld [smem:$0x3FFB];
	_ =	sdelay $0x3  }
0x92: {  	_ =	strace s18  }
0x93: {  	s3 =	sld [smem:$0x3FFC];
	_ =	sdelay $0x3  }
0x94: {  	_ =	strace s3  }
0x95: {  	s3 =	sld [smem:$0x3FFD];
	_ =	sdelay $0x3  }
0x96: {  	_ =	strace s3  }
0x97: {  	_ =	strace $0x8FFFFFFF  }
0x98: {  	s19 =	sld [smem:$0x3FDB];
	_ =	sdelay $0x1  }
0x99: {  	s4 =	simm.s32 $_scs_section_size  }
0x9a: {  	s5 =	simm.s32 $_size__tile_overlayer_lowered;
	s6 =	simm.s32 $_tile_overlayer_lowered  }
0x9b: {  	s22 =	simm.s32 $0x1BFF;
	s21 =	sshll.u32 s6, $0x1;
	s3 =	sadd.s32 s4, s19  }
0x9c: {  	s7 =	simm.s32 $0x0;
	s20 =	sshll.u32 s5, $0x1;
	s5 =	sadd.s32 s21, s3  }
0x9d: {  	[timem:s7], [sflag:s22] =	dma.local [hbm:s5], s20  }
0x9e: {  	_ =	swait.ge [sflag:s22], s20  }
0x9f: {  	s4 =	ssub.s32 $0x0, s20;
	[sflag:s22] =	ssyncset.done $0x0  }
0xa0: {  	[sflag:s22] =	ssyncadd.s32 s4;
	_ =	sdelay $0x1  }
0xa1: {  	s23 =	simm.s32 $0x1B8B  }
0xa2: {  	_ =	swait.ge [sflag:s23], $0x1  }
0xa3: {  	[sflag:s23] =	ssyncset.done $0x0  }
0xa4: {  	s25 =	simm.s32 $0x1B8E;
	s24 =	sld [smem:$0x3FFE];
	[sflag:s23] =	ssyncadd.s32 $0xFFFFFFFF  }
0xa5: {  	s26 =	simm.s32 $execute0_lowered;
	[smem:$0x3FD2] =	sst s25  }
0xa6: {  	s5 =	sshll.u32 s26, $0x1;
	_ =	strace $0x80000046;
	[dreg:$0x1] =	wrdreg $0xFFFFFFFF  }
0xa7: {  	s28 =	simm.s32 $_size_execute0_lowered;
	s3 =	sadd.s32 s3, s5;
	[dreg:$0x0] =	wrdreg $0x0  }
0xa8: {  	s5 =	sshll.u32 s28, $0x1;
	[dreg:$0x2] =	wrdreg s3  }
0xa9: {  	[dreg:$0x3] =	wrdreg s5  }
0xaa: {  	[dreg:$0x4] =	wrdreg $0xC0  }
0xab: {  	_ =	task [dreg:s7], $0x5FFFF  }
0xac: {  	[dreg:$0x1] =	wrdreg $0xFFFFFFFF  }
0xad: {  	[dreg:$0x0] =	wrdreg $0x60  }
0xae: {  	[dreg:$0x2] =	wrdreg s24  }
0xaf: {  	[dreg:$0x3] =	wrdreg s2  }
0xb0: {  	[dreg:$0x4] =	wrdreg $0x9  }
0xb1: {  	_ =	task.clear_ibuf [dreg:s7], $0x5FFFF;
	_ =	strace $0x90000046  }
0xb2: {  	s29 =	simm.s32 $0x9;
	_ =	strace $0x80000048  }
0xb3: {  	_ =	swait.ge [sflag:s29], $0x1  }
0xb4: {  	[sflag:s29] =	ssyncadd.s32 $0xFFFFFFFF  }
0xb5: {  	_ =	strace $0x90000048  }
0xb6: {  	_ =	sfence  }
0xb7: {  	s30 =	sld [smem:$0x0];
	_ =	sdelay $0x2  }
0xb8: {  	s31 =	sshll.u32 s1, $0xD;
	s1 =	sshrl.u32 s1, $0x2  }
0xb9: {  	s3 =	sand.u32 $0x4000, s31;
	s1 =	sadd.s32 s1, s30  }
0xba: {  	s0 =	sor.u32 s3, s0;
	s1 =	sshll.u32 s1, $0x11  }
0xbb: {  	s0 =	sor.u32 s1, s0  }
0xbc: {  	s0 =	sadd.s32 $0x8F2B, s0  }
0xbd: {  	[sflag:s0] =	ssyncadd.remote.s32 $0x1  }
0xbe: {  	_ =	sfence.sel $0xFFFF  }
0xbf: {  	[dreg:$0x0] =	wrdreg $0xFFFFFFFF;
	(pc) =	sbr.abs _section_cstart, $3  }
0xc0: {  	[dreg:$0x1] =	wrdreg $0xFFFFFFFF  }
0xc1: {  	_ =	task.clear_ibuf [dreg:s7], $0x2FFFF;
	_ =	strace $0x9FFFFFFF  }
0xc2: {  	(tm) =	ssettm $0x7FFFFFFF  }
0xc3: {  	_ =	shalt  }
tec
execute0_lowered:
.L_overlay_start_1:
0x0: {  	(tag) =	ssettag $0x1  }
0x1: {  	s0 =	rddreg [dreg:$0x0]  }
0x2: {  	s1 =	srdreg.scid;
	s3 =	stileid.u32  }
0x3: {  	s2 =	rddreg [dreg:$0x1];
	s11 =	simm.s32 $0x7;
	s13 =	simm.s32 $0x50  }
0x4: {  	s14 =	simm.s32 $0x9600;
	s16 =	simm.s32 $0xAA00;
	s18 =	simm.s32 $0xBE00  }
0x5: {  	s20 =	simm.s32 $0xD200;
	s22 =	simm.s32 $0xE600;
	s24 =	simm.s32 $0xFA00  }
0x6: {  	s15 =	simm.s32 $0x15E00;
	s17 =	simm.s32 $0x17200;
	s19 =	simm.s32 $0x18600  }
0x7: {  	s21 =	simm.s32 $0x19A00;
	s23 =	simm.s32 $0x1AE00;
	s28 =	simm.s32 $0x6  }
0x8: {  	s29 =	simm.s32 $0x4;
	s1 =	sand.u32 $0x1, s1;
	s4 =	sshll.u32 s3, $0x1  }
0x9: {  	s30 =	simm.s32 $0x2;
	s3 =	simm.s32 $0x0;
	s4 =	sor.u32 s1, s4  }
0xa: {  	s31 =	simm.s32 $0x3;
	[smem:$0x7FF] =	sst s3;
	s4 =	smul.u32 $0x6400, s4  }
0xb: {  	s5 =	sadd.s32 $0xF43200, s0;
	s1 =	ssub.s32 $0x2, s1;
	_ =	strace $0x80000047  }
.Ltmp0:
0xc: {  	s25 =	sshrl.u32 s1, $0x1;
	s6 =	sshrl.u32 s4, $0x3;
	(pc) =	sbr.rel .LBB2_1-.Ltmp0, $4  }
0xd: {  	s8 =	sor.u32 $0x190, s4;
	s6 =	sadd.s32 s6, s0;
	s0 =	sadd.s32 $0x19E00, s0  }
0xe: {  	[dreg:$0x3] =	wrdreg s0;
	s0 =	ssub.s32 s1, s25;
	s26 =	sadd.s32 $0xE00, s6  }
0xf: {  	s9 =	sor.u32 $0x320, s4;
	[dreg:$0x4] =	wrdreg s26;
	s0 =	smax.u32 s0, $0x1  }
0x10: {  	s25 =	simm.s32 $0x1;
	s1 =	simm.s32 $0x0;
	[dreg:$0x5] =	wrdreg s0  }
.LBB2_14:
0x11: {  	s0 =	simm.s32 $0x5  }
0x12: {  	_ =	swait.ge [sflag:s0], $0x6400  }
0x13: {  	[sflag:s0] =	ssyncset.done $0x0  }
0x14: {  	[sflag:s0] =	ssyncadd.s32 $0xFFFF9C00  }
0x15: {  	_ =	swait.ge [sflag:s28], $0x6400  }
0x16: {  	[sflag:s28] =	ssyncset.done $0x0  }
0x17: {  	[sflag:s28] =	ssyncadd.s32 $0xFFFF9C00  }
0x18: {  	_ =	swait.ge [sflag:s29], $0x6400  }
0x19: {  	s1 =	sadd.s32 $0x1, s1;
	s26 =	rddreg [dreg:$0x5]  }
0x1a: {  	p0 =	sne.s32 s1, s26  }
.Ltmp1:
0x1b: {  	_ = 	snop;
	(pc) =	sbr.rel @!p0 .LBB2_15-.Ltmp1, $3  }
0x1c: {  	_ =	sdelay $0x1  }
0x1d: {  	[sflag:s29] =	ssyncset.done $0x0  }
0x1e: {  	[sflag:s29] =	ssyncadd.s32 $0xFFFF9C00  }
.LBB2_1:
0x1f: {  	s0 =	rddreg [dreg:$0x3]  }
0x20: {  	[tilespmem:s3], [sflag:$0x7] =	stream.linear.gather [hbm4b:s0+s3], $0x3200, $0x38;
	[tilespmem:$0x1C200] =	vst v63  }
0x21: {  	_ =	swait.ge [sflag:s11], $0x3200  }
0x22: {  	[sflag:s11] =	ssyncset.done $0x0  }
0x23: {  	s6 =	simm.s32 $0x3200;
	s26 =	rddreg [dreg:$0x4];
	[sflag:s11] =	ssyncadd.s32 $0xFFFFCE00  }
0x24: {  	[tilespmem:s6], [sflag:$0x7] =	stream.linear.gather [hbm4b:s26+s3], $0x6400, $0x38;
	[tilespmem:$0x1C200] =	vst v63  }
0x25: {  	_ =	swait.ge [sflag:s11], $0x6400  }
0x26: {  	[sflag:s11] =	ssyncset.done $0x0  }
0x27: {  	[sflag:s11] =	ssyncadd.s32 $0xFFFF9C00  }
0x28: {  	[tilespmem:s14], [sflag:$0x1] =	stream.indirect.gather [hbm4b:s5+s13], $0x40, s6, s13, $0xb8;
	[tilespmem:$0x1C200] =	vst v63  }
0x29: {  	s7 =	simm.s32 $0x3250  }
0x2a: {  	[tilespmem:s16], [sflag:$0x1] =	stream.indirect.gather [hbm4b:s5+s13], $0x40, s7, s13, $0xb8;
	[tilespmem:$0x1C200] =	vst v63  }
0x2b: {  	s10 =	simm.s32 $0x32A0  }
0x2c: {  	[tilespmem:s18], [sflag:$0x1] =	stream.indirect.gather [hbm4b:s5+s13], $0x40, s10, s13, $0xb8;
	[tilespmem:$0x1C200] =	vst v63  }
0x2d: {  	s12 =	simm.s32 $0x32F0  }
0x2e: {  	[tilespmem:s20], [sflag:$0x1] =	stream.indirect.gather [hbm4b:s5+s13], $0x40, s12, s13, $0xb8;
	[tilespmem:$0x1C200] =	vst v63  }
0x2f: {  	s26 =	simm.s32 $0x3340  }
0x30: {  	[tilespmem:s22], [sflag:$0x1] =	stream.indirect.gather [hbm4b:s5+s13], $0x40, s26, s13, $0xb8;
	[tilespmem:$0x1C200] =	vst v63  }
0x31: {  	s6 =	simm.s32 $0x3390  }
0x32: {  	[tilespmem:s24], [sflag:$0x2] =	stream.indirect.gather [hbm4b:s5+s13], $0x40, s6, s13, $0xb8;
	[tilespmem:$0x1C200] =	vst v63  }
0x33: {  	s7 =	simm.s32 $0x33E0;
	s10 =	simm.s32 $0x10E00  }
0x34: {  	[tilespmem:s10], [sflag:$0x2] =	stream.indirect.gather [hbm4b:s5+s13], $0x40, s7, s13, $0xb8;
	[tilespmem:$0x1C200] =	vst v63  }
0x35: {  	s12 =	simm.s32 $0x3430;
	s26 =	simm.s32 $0x12200  }
0x36: {  	[tilespmem:s26], [sflag:$0x2] =	stream.indirect.gather [hbm4b:s5+s13], $0x40, s12, s13, $0xb8;
	[tilespmem:$0x1C200] =	vst v63  }
0x37: {  	s7 =	simm.s32 $0x3480;
	s10 =	simm.s32 $0x13600  }
0x38: {  	[tilespmem:s10], [sflag:$0x2] =	stream.indirect.gather [hbm4b:s5+s13], $0x40, s7, s13, $0xb8;
	[tilespmem:$0x1C200] =	vst v63  }
0x39: {  	s0 =	simm.s32 $0x0;
	s12 =	simm.s32 $0x34D0;
	s26 =	simm.s32 $0x14A00  }
0x3a: {  	[tilespmem:s26], [sflag:$0x2] =	stream.indirect.gather [hbm4b:s5+s13], $0x40, s12, s13, $0xb8;
	[tilespmem:$0x1C200] =	vst v63  }
.LBB2_2:
0x3b: {  	p0 =	seq.s32 s0, $0x0  }
.Ltmp2:
0x3c: {  	_ = 	snop;
	(pc) =	sbr.rel @p0 .LBB2_5-.Ltmp2, $1  }
0x3d: {  	_ =	sdelay $0x3  }
0x3e: {  	p0 =	seq.s32 s0, $0x15  }
.Ltmp3:
0x3f: {  	_ = 	snop;
	(pc) =	sbr.rel @p0 .LBB2_6-.Ltmp3, $1  }
0x40: {  	_ =	sdelay $0x3  }
0x41: {  	_ =	swait.ge [sflag:s28], $0x6400  }
0x42: {  	[sflag:s28] =	ssyncset.done $0x0  }
0x43: {  	[sflag:s28] =	ssyncadd.s32 $0xFFFF9C00  }
.LBB2_5:
0x44: {  	s6 =	smul.u32 $0x12C0, s0;
	_ =	sdelay $0x1  }
0x45: {  	s6 =	sshra.s32 s6, $0x2  }
0x46: {  	s7 =	sadd.s32 $0x3520, s6  }
0x47: {  	[tilespmem:s15], [sflag:$0x3] =	stream.indirect.gather [hbm4b:s5+s13], $0x40, s7, s13, $0xb8;
	[tilespmem:$0x1C200] =	vst v63  }
0x48: {  	s10 =	sadd.s32 $0x3570, s6  }
0x49: {  	[tilespmem:s17], [sflag:$0x3] =	stream.indirect.gather [hbm4b:s5+s13], $0x40, s10, s13, $0xb8;
	[tilespmem:$0x1C200] =	vst v63  }
0x4a: {  	s12 =	sadd.s32 $0x35C0, s6  }
0x4b: {  	[tilespmem:s19], [sflag:$0x3] =	stream.indirect.gather [hbm4b:s5+s13], $0x40, s12, s13, $0xb8;
	[tilespmem:$0x1C200] =	vst v63  }
0x4c: {  	s26 =	sadd.s32 $0x3610, s6  }
0x4d: {  	[tilespmem:s21], [sflag:$0x3] =	stream.indirect.gather [hbm4b:s5+s13], $0x40, s26, s13, $0xb8;
	[tilespmem:$0x1C200] =	vst v63  }
0x4e: {  	s6 =	sadd.s32 $0x3660, s6  }
0x4f: {  	[tilespmem:s23], [sflag:$0x3] =	stream.indirect.gather [hbm4b:s5+s13], $0x40, s6, s13, $0xb8;
	[tilespmem:$0x1C200] =	vst v63  }
.LBB2_6:
0x50: {  	_ =	swait.ge [sflag:s25], $0x1400  }
0x51: {  	[sflag:s25] =	ssyncset.done $0x0  }
0x52: {  	[sflag:s25] =	ssyncadd.s32 $0xFFFFEC00  }
0x53: {  	_ =	swait.ge [sflag:s25], $0x1400  }
0x54: {  	[sflag:s25] =	ssyncset.done $0x0  }
0x55: {  	[sflag:s25] =	ssyncadd.s32 $0xFFFFEC00  }
0x56: {  	_ =	swait.ge [sflag:s25], $0x1400  }
0x57: {  	[sflag:s25] =	ssyncset.done $0x0  }
0x58: {  	[sflag:s25] =	ssyncadd.s32 $0xFFFFEC00  }
0x59: {  	_ =	swait.ge [sflag:s25], $0x1400  }
0x5a: {  	[sflag:s25] =	ssyncset.done $0x0  }
0x5b: {  	[sflag:s25] =	ssyncadd.s32 $0xFFFFEC00  }
0x5c: {  	_ =	swait.ge [sflag:s25], $0x1400  }
0x5d: {  	[sflag:s25] =	ssyncset.done $0x0  }
0x5e: {  	s12 =	simm.s32 $0xC870;
	[sflag:s25] =	ssyncadd.s32 $0xFFFFEC00  }
0x5f: {  	v0 =	vld [tilespmem:s12+$0xFFFFCD90]  }
0x60: {  	s6 =	simm.s32 $0x40;
	v1 =	vld [tilespmem:s12+$0xFFFFFF90]  }
0x61: {  	v2 =	vld [tilespmem:s6+$0xFFFFFFC0];
	_ =	sdelay $0x2  }
0x62: {  	v0 =	vmul.f32 $8.000000000e+00, v0  }
0x63: {  	v1 =	vmul.f32 $8.000000000e+00, v1  }
0x64: {  	v0 =	vadd.f32 v0, v2  }
0x65: {  	v1 =	vadd.f32 v1, v2  }
0x66: {  	[tilespmem:s12+$0xFFFFCD90] =	vst v0;
	v0 =	vld [tilespmem:s12+$0xFFFFCDA0]  }
0x67: {  	v2 =	vld [tilespmem:s12+$0xFFFFFFA0];
	[tilespmem:s12+$0xFFFFFF90] =	vst v1  }
0x68: {  	v1 =	vld [tilespmem:s6+$0xFFFFFFD0];
	_ =	sdelay $0x2  }
0x69: {  	v0 =	vmul.f32 $8.000000000e+00, v0  }
0x6a: {  	v2 =	vmul.f32 $8.000000000e+00, v2  }
0x6b: {  	v0 =	vadd.f32 v0, v1  }
0x6c: {  	v1 =	vadd.f32 v2, v1  }
0x6d: {  	[tilespmem:s12+$0xFFFFCDA0] =	vst v0;
	v0 =	vld [tilespmem:s12+$0xFFFFCDB0]  }
0x6e: {  	v2 =	vld [tilespmem:s12+$0xFFFFFFB0];
	[tilespmem:s12+$0xFFFFFFA0] =	vst v1  }
0x6f: {  	v1 =	vld [tilespmem:s6+$0xFFFFFFE0];
	_ =	sdelay $0x2  }
0x70: {  	v0 =	vmul.f32 $8.000000000e+00, v0  }
0x71: {  	v2 =	vmul.f32 $8.000000000e+00, v2  }
0x72: {  	v0 =	vadd.f32 v0, v1  }
0x73: {  	v1 =	vadd.f32 v2, v1  }
0x74: {  	[tilespmem:s12+$0xFFFFCDB0] =	vst v0;
	v0 =	vld [tilespmem:s12+$0xFFFFCDC0]  }
0x75: {  	v2 =	vld [tilespmem:s12+$0xFFFFFFC0];
	[tilespmem:s12+$0xFFFFFFB0] =	vst v1  }
0x76: {  	v1 =	vld [tilespmem:s6+$0xFFFFFFF0];
	_ =	sdelay $0x2  }
0x77: {  	v0 =	vmul.f32 $8.000000000e+00, v0  }
0x78: {  	v2 =	vmul.f32 $8.000000000e+00, v2  }
0x79: {  	v0 =	vadd.f32 v0, v1  }
0x7a: {  	v1 =	vadd.f32 v2, v1  }
0x7b: {  	[tilespmem:s12+$0xFFFFCDC0] =	vst v0;
	v0 =	vld [tilespmem:s12+$0xFFFFCDD0]  }
0x7c: {  	v2 =	vld [tilespmem:s12+$0xFFFFFFD0];
	[tilespmem:s12+$0xFFFFFFC0] =	vst v1  }
0x7d: {  	v1 =	vld [tilespmem:s6+$0x0];
	_ =	sdelay $0x2  }
0x7e: {  	v0 =	vmul.f32 $8.000000000e+00, v0  }
0x7f: {  	v2 =	vmul.f32 $8.000000000e+00, v2  }
0x80: {  	v0 =	vadd.f32 v0, v1  }
0x81: {  	v1 =	vadd.f32 v2, v1  }
0x82: {  	[tilespmem:s12+$0xFFFFCDD0] =	vst v0;
	v0 =	vld [tilespmem:s12+$0xFFFFCDE0]  }
0x83: {  	v2 =	vld [tilespmem:s12+$0xFFFFFFE0];
	[tilespmem:s12+$0xFFFFFFD0] =	vst v1  }
0x84: {  	v1 =	vld [tilespmem:s6+$0x10];
	_ =	sdelay $0x2  }
0x85: {  	v0 =	vmul.f32 $8.000000000e+00, v0  }
0x86: {  	v2 =	vmul.f32 $8.000000000e+00, v2  }
0x87: {  	v0 =	vadd.f32 v0, v1  }
0x88: {  	v1 =	vadd.f32 v2, v1  }
0x89: {  	v2 =	vld [tilespmem:s12+$0xFFFFFFF0];
	[tilespmem:s12+$0xFFFFCDE0] =	vst v0  }
0x8a: {  	v0 =	vld [tilespmem:s12+$0xFFFFCDF0];
	[tilespmem:s12+$0xFFFFFFE0] =	vst v1  }
0x8b: {  	v1 =	vld [tilespmem:s6+$0x20];
	_ =	sdelay $0x2  }
0x8c: {  	v2 =	vmul.f32 $8.000000000e+00, v2  }
0x8d: {  	v0 =	vmul.f32 $8.000000000e+00, v0  }
0x8e: {  	v2 =	vadd.f32 v2, v1  }
0x8f: {  	v3 =	vadd.f32 v0, v1;
	v0 =	vld [tilespmem:s12+$0xFFFFCE00]  }
0x90: {  	v1 =	vld [tilespmem:s12+$0x0];
	[tilespmem:s12+$0xFFFFFFF0] =	vst v2  }
0x91: {  	s10 =	simm.s32 $0x0;
	s7 =	simm.s32 $0xC870;
	[tilespmem:s12+$0xFFFFCDF0] =	vst v3  }
.LBB2_7:
0x92: {  	s10 =	sadd.s32 $0x2, s10;
	v2 =	vld [tilespmem:s6+$0x30];
	s12 =	sadd.s32 $0x80, s12;
	s6 =	sadd.s32 $0x80, s6  }
0x93: {  	p0 =	slt.u32 s10, $0xC6;
	_ =	sdelay $0x1  }
0x94: {  	v0 =	vmul.f32 $8.000000000e+00, v0;
	v1 =	vmul.f32 $8.000000000e+00, v1;
	_ =	sdelay $0x1  }
0x95: {  	v0 =	vadd.f32 v0, v2;
	v1 =	vadd.f32 v1, v2  }
0x96: {  	v2 =	vld [tilespmem:s12+$0xFFFFFF90]  }
0x97: {  	v3 =	vld [tilespmem:s12+$0xFFFFCD90];
	[tilespmem:s7+$0xFFFFCE00] =	vst v0  }
0x98: {  	[tilespmem:s7+$0x0] =	vst v1;
	s7 =	smov.u32 s12  }
0x99: {  	v0 =	vld [tilespmem:s6+$0xFFFFFFC0];
	_ =	sdelay $0x2  }
0x9a: {  	v2 =	vmul.f32 $8.000000000e+00, v2;
	v1 =	vmul.f32 $8.000000000e+00, v3;
	_ =	sdelay $0x1  }
0x9b: {  	v1 =	vadd.f32 v1, v0;
	v0 =	vadd.f32 v2, v0  }
0x9c: {  	v2 =	vld [tilespmem:s12+$0xFFFFFFA0]  }
0x9d: {  	[tilespmem:s12+$0xFFFFCD90] =	vst v1;
	v1 =	vld [tilespmem:s12+$0xFFFFCDA0]  }
0x9e: {  	[tilespmem:s12+$0xFFFFFF90] =	vst v0  }
0x9f: {  	v0 =	vld [tilespmem:s6+$0xFFFFFFD0];
	_ =	sdelay $0x2  }
0xa0: {  	v2 =	vmul.f32 $8.000000000e+00, v2;
	v1 =	vmul.f32 $8.000000000e+00, v1;
	_ =	sdelay $0x1  }
0xa1: {  	v1 =	vadd.f32 v1, v0;
	v0 =	vadd.f32 v2, v0  }
0xa2: {  	v2 =	vld [tilespmem:s12+$0xFFFFFFB0]  }
0xa3: {  	[tilespmem:s12+$0xFFFFCDA0] =	vst v1;
	v1 =	vld [tilespmem:s12+$0xFFFFCDB0]  }
0xa4: {  	[tilespmem:s12+$0xFFFFFFA0] =	vst v0  }
0xa5: {  	v0 =	vld [tilespmem:s6+$0xFFFFFFE0];
	_ =	sdelay $0x2  }
0xa6: {  	v2 =	vmul.f32 $8.000000000e+00, v2;
	v1 =	vmul.f32 $8.000000000e+00, v1;
	_ =	sdelay $0x1  }
0xa7: {  	v1 =	vadd.f32 v1, v0;
	v0 =	vadd.f32 v2, v0  }
0xa8: {  	v2 =	vld [tilespmem:s12+$0xFFFFFFC0]  }
0xa9: {  	[tilespmem:s12+$0xFFFFCDB0] =	vst v1;
	v1 =	vld [tilespmem:s12+$0xFFFFCDC0]  }
0xaa: {  	[tilespmem:s12+$0xFFFFFFB0] =	vst v0  }
0xab: {  	v0 =	vld [tilespmem:s6+$0xFFFFFFF0];
	_ =	sdelay $0x2  }
0xac: {  	v2 =	vmul.f32 $8.000000000e+00, v2;
	v1 =	vmul.f32 $8.000000000e+00, v1;
	_ =	sdelay $0x1  }
0xad: {  	v1 =	vadd.f32 v1, v0;
	v0 =	vadd.f32 v2, v0  }
0xae: {  	v2 =	vld [tilespmem:s12+$0xFFFFFFD0]  }
0xaf: {  	[tilespmem:s12+$0xFFFFCDC0] =	vst v1;
	v1 =	vld [tilespmem:s12+$0xFFFFCDD0]  }
0xb0: {  	[tilespmem:s12+$0xFFFFFFC0] =	vst v0  }
0xb1: {  	v0 =	vld [tilespmem:s6+$0x0];
	_ =	sdelay $0x2  }
0xb2: {  	v2 =	vmul.f32 $8.000000000e+00, v2;
	v1 =	vmul.f32 $8.000000000e+00, v1;
	_ =	sdelay $0x1  }
0xb3: {  	v1 =	vadd.f32 v1, v0;
	v0 =	vadd.f32 v2, v0  }
0xb4: {  	v2 =	vld [tilespmem:s12+$0xFFFFFFE0]  }
0xb5: {  	[tilespmem:s12+$0xFFFFCDD0] =	vst v1;
	v1 =	vld [tilespmem:s12+$0xFFFFCDE0]  }
0xb6: {  	[tilespmem:s12+$0xFFFFFFD0] =	vst v0  }
0xb7: {  	v0 =	vld [tilespmem:s6+$0x10];
	_ =	sdelay $0x2  }
0xb8: {  	v2 =	vmul.f32 $8.000000000e+00, v2;
	v1 =	vmul.f32 $8.000000000e+00, v1;
	_ =	sdelay $0x1  }
0xb9: {  	v1 =	vadd.f32 v1, v0;
	v0 =	vadd.f32 v2, v0  }
0xba: {  	v2 =	vld [tilespmem:s12+$0xFFFFFFF0]  }
0xbb: {  	[tilespmem:s12+$0xFFFFCDE0] =	vst v1;
	v1 =	vld [tilespmem:s12+$0xFFFFCDF0]  }
0xbc: {  	[tilespmem:s12+$0xFFFFFFE0] =	vst v0  }
0xbd: {  	v0 =	vld [tilespmem:s6+$0x20];
	_ =	sdelay $0x2  }
0xbe: {  	v2 =	vmul.f32 $8.000000000e+00, v2;
	v1 =	vmul.f32 $8.000000000e+00, v1  }
.Ltmp4:
0xbf: {  	(pc) =	sbr.rel @p0 .LBB2_7-.Ltmp4, $4  }
0xc0: {  	v1 =	vadd.f32 v1, v0;
	v2 =	vadd.f32 v2, v0  }
0xc1: {  	v0 =	vld [tilespmem:s12+$0xFFFFCE00]  }
0xc2: {  	[tilespmem:s12+$0xFFFFCDF0] =	vst v1;
	v1 =	vld [tilespmem:s12+$0x0]  }
0xc3: {  	[tilespmem:s12+$0xFFFFFFF0] =	vst v2  }
0xc4: {  	v2 =	vld [tilespmem:s6+$0x30];
	_ =	sdelay $0x2  }
0xc5: {  	v0 =	vmul.f32 $8.000000000e+00, v0  }
0xc6: {  	s12 =	smul.u32 $0x4B0, s0;
	p0 =	seq.s32 s0, $0x15;
	v1 =	vmul.f32 $8.000000000e+00, v1  }
.Ltmp5:
0xc7: {  	v0 =	vadd.f32 v0, v2;
	(pc) =	sbr.rel @p0 .LBB2_14-.Ltmp5, $4  }
0xc8: {  	s26 =	sadd.s32 s4, s12;
	v1 =	vadd.f32 v1, v2  }
0xc9: {  	s6 =	sshll.u32 s26, $0x3;
	[tilespmem:s7+$0xFFFFCE00] =	vst v0  }
0xca: {  	s6 =	sadd.s32 s2, s6;
	[tilespmem:s7+$0x0] =	vst v1  }
0xcb: {  	[hbm4b:s6+s3] =	stream.linear.scatter [tilespmem:s14], [sflag:$0x4], $0x6400, $0x38;
	[tilespmem:$0x1C200] =	vst v63  }
0xcc: {  	_ =	swait.ge [sflag:s29], $0x6400  }
0xcd: {  	[sflag:s29] =	ssyncset.done $0x0  }
0xce: {  	s6 =	sadd.s32 $0x36B0, s12;
	[sflag:s29] =	ssyncadd.s32 $0xFFFF9C00  }
0xcf: {  	[tilespmem:s14], [sflag:$0x1] =	stream.indirect.gather [hbm4b:s5+s13], $0x40, s6, s13, $0xb8;
	[tilespmem:$0x1C200] =	vst v63  }
0xd0: {  	s26 =	sadd.s32 $0x3700, s12  }
0xd1: {  	[tilespmem:s16], [sflag:$0x1] =	stream.indirect.gather [hbm4b:s5+s13], $0x40, s26, s13, $0xb8;
	[tilespmem:$0x1C200] =	vst v63  }
0xd2: {  	s7 =	sadd.s32 $0x3750, s12  }
0xd3: {  	[tilespmem:s18], [sflag:$0x1] =	stream.indirect.gather [hbm4b:s5+s13], $0x40, s7, s13, $0xb8;
	[tilespmem:$0x1C200] =	vst v63  }
0xd4: {  	s10 =	sadd.s32 $0x37A0, s12  }
0xd5: {  	[tilespmem:s20], [sflag:$0x1] =	stream.indirect.gather [hbm4b:s5+s13], $0x40, s10, s13, $0xb8;
	[tilespmem:$0x1C200] =	vst v63  }
0xd6: {  	s26 =	sadd.s32 $0x37F0, s12  }
0xd7: {  	[tilespmem:s22], [sflag:$0x1] =	stream.indirect.gather [hbm4b:s5+s13], $0x40, s26, s13, $0xb8;
	[tilespmem:$0x1C200] =	vst v63  }
0xd8: {  	_ =	swait.ge [sflag:s30], $0x1400  }
0xd9: {  	[sflag:s30] =	ssyncset.done $0x0  }
0xda: {  	[sflag:s30] =	ssyncadd.s32 $0xFFFFEC00  }
0xdb: {  	_ =	swait.ge [sflag:s30], $0x1400  }
0xdc: {  	[sflag:s30] =	ssyncset.done $0x0  }
0xdd: {  	[sflag:s30] =	ssyncadd.s32 $0xFFFFEC00  }
0xde: {  	_ =	swait.ge [sflag:s30], $0x1400  }
0xdf: {  	[sflag:s30] =	ssyncset.done $0x0  }
0xe0: {  	[sflag:s30] =	ssyncadd.s32 $0xFFFFEC00  }
0xe1: {  	_ =	swait.ge [sflag:s30], $0x1400  }
0xe2: {  	[sflag:s30] =	ssyncset.done $0x0  }
0xe3: {  	[sflag:s30] =	ssyncadd.s32 $0xFFFFEC00  }
0xe4: {  	_ =	swait.ge [sflag:s30], $0x1400  }
0xe5: {  	[sflag:s30] =	ssyncset.done $0x0  }
0xe6: {  	s6 =	simm.s32 $0x0;
	[sflag:s30] =	ssyncadd.s32 $0xFFFFEC00  }
0xe7: {  	v3 =	vld [tilespmem:s6+$0x0]  }
0xe8: {  	v4 =	vld [tilespmem:s6+$0x10]  }
0xe9: {  	v5 =	vld [tilespmem:s6+$0x20]  }
0xea: {  	v7 =	vld [tilespmem:s6+$0x30]  }
0xeb: {  	v2 =	vld [tilespmem:s6+$0x40]  }
0xec: {  	v6 =	vld [tilespmem:s6+$0xFA00]  }
0xed: {  	v8 =	vld [tilespmem:s6+$0x12C00]  }
0xee: {  	v1 =	vld [tilespmem:s6+$0x50]  }
0xef: {  	v9 =	vld [tilespmem:s6+$0xFA10]  }
0xf0: {  	v10 =	vld [tilespmem:s6+$0x12C10]  }
0xf1: {  	v11 =	vld [tilespmem:s6+$0xFA20];
	v6 =	vmul.f32 $8.000000000e+00, v6  }
0xf2: {  	v0 =	vld [tilespmem:s6+$0x60];
	v8 =	vmul.f32 $8.000000000e+00, v8  }
0xf3: {  	v12 =	vld [tilespmem:s6+$0x12C20];
	v6 =	vadd.f32 v6, v3  }
0xf4: {  	v13 =	vld [tilespmem:s6+$0xFA30];
	v3 =	vadd.f32 v8, v3;
	v8 =	vmul.f32 $8.000000000e+00, v9  }
0xf5: {  	v14 =	vld [tilespmem:s6+$0x12C30];
	[tilespmem:s6+$0xFA00] =	vst v6;
	v6 =	vmul.f32 $8.000000000e+00, v10  }
0xf6: {  	v15 =	vld [tilespmem:s6+$0xFA40];
	v8 =	vadd.f32 v8, v4;
	[tilespmem:s6+$0x12C00] =	vst v3;
	v3 =	vmul.f32 $8.000000000e+00, v11  }
0xf7: {  	v9 =	vld [tilespmem:s6+$0x12C40];
	v6 =	vadd.f32 v6, v4  }
0xf8: {  	v10 =	vld [tilespmem:s6+$0xFA50];
	[tilespmem:s6+$0xFA10] =	vst v8;
	v8 =	vmul.f32 $8.000000000e+00, v12;
	v11 =	vadd.f32 v3, v5  }
0xf9: {  	v4 =	vld [tilespmem:s6+$0x12C50];
	[tilespmem:s6+$0x12C10] =	vst v6;
	v6 =	vmul.f32 $8.000000000e+00, v13  }
0xfa: {  	v3 =	vld [tilespmem:s6+$0xFA60];
	v8 =	vadd.f32 v8, v5;
	[tilespmem:s6+$0xFA20] =	vst v11;
	v11 =	vmul.f32 $8.000000000e+00, v14  }
0xfb: {  	v63 =	vmul.f32 $8.000000000e+00, v15;
	v5 =	vld [tilespmem:s6+$0x12C60];
	v62 =	vadd.f32 v6, v7  }
0xfc: {  	[tilespmem:s6+$0x12C20] =	vst v8;
	v6 =	vld [tilespmem:s6+$0xFA70];
	v8 =	vadd.f32 v11, v7;
	v11 =	vmul.f32 $8.000000000e+00, v9  }
0xfd: {  	s7 =	simm.s32 $0x0;
	s10 =	simm.s32 $0x200;
	v10 =	vmul.f32 $8.000000000e+00, v10;
	v9 =	vadd.f32 v63, v2;
	v7 =	vld [tilespmem:s6+$0x12C70];
	[tilespmem:s6+$0xFA30] =	vst v62  }
.LBB2_10:
0xfe: {  	s26 =	sshra.s32 s10, $0x2;
	[tilespmem:s6+$0x12C30] =	vst v8;
	v2 =	vadd.f32 v11, v2;
	v4 =	vmul.f32 $8.000000000e+00, v4;
	v8 =	vld [tilespmem:s6+$0x70]  }
0xff: {  	v11 =	vld [tilespmem:s26+$0x0];
	[tilespmem:s6+$0xFA40] =	vst v9;
	v9 =	vadd.f32 v10, v1;
	v3 =	vmul.f32 $8.000000000e+00, v3  }
0x100: {  	v10 =	vld [tilespmem:s26+$0x10];
	[tilespmem:s6+$0x12C40] =	vst v2;
	v1 =	vadd.f32 v4, v1;
	v2 =	vmul.f32 $8.000000000e+00, v5  }
0x101: {  	v5 =	vld [tilespmem:s26+$0x20];
	[tilespmem:s6+$0xFA50] =	vst v9;
	v3 =	vadd.f32 v3, v0;
	v4 =	vmul.f32 $8.000000000e+00, v6  }
0x102: {  	v6 =	vld [tilespmem:s26+$0x30];
	[tilespmem:s6+$0x12C50] =	vst v1;
	v0 =	vadd.f32 v2, v0;
	v7 =	vmul.f32 $8.000000000e+00, v7  }
0x103: {  	v2 =	vld [tilespmem:s26+$0x40];
	[tilespmem:s6+$0xFA60] =	vst v3;
	v3 =	vadd.f32 v4, v8  }
0x104: {  	v1 =	vld [tilespmem:s26+$0x50];
	[tilespmem:s6+$0x12C60] =	vst v0;
	v4 =	vadd.f32 v7, v8  }
0x105: {  	v0 =	vld [tilespmem:s26+$0x60];
	[tilespmem:s6+$0xFA70] =	vst v3  }
0x106: {  	v3 =	vld [tilespmem:s26+$0xFA00];
	[tilespmem:s6+$0x12C70] =	vst v4;
	s6 =	smov.u32 s26  }
0x107: {  	v4 =	vld [tilespmem:s6+$0x12C00]  }
0x108: {  	v7 =	vld [tilespmem:s6+$0xFA10]  }
0x109: {  	v8 =	vld [tilespmem:s6+$0x12C10]  }
0x10a: {  	v9 =	vld [tilespmem:s6+$0xFA20]  }
0x10b: {  	v3 =	vmul.f32 $8.000000000e+00, v3;
	v12 =	vld [tilespmem:s6+$0x12C20]  }
0x10c: {  	v4 =	vmul.f32 $8.000000000e+00, v4;
	v13 =	vld [tilespmem:s6+$0xFA30]  }
0x10d: {  	v3 =	vadd.f32 v3, v11;
	v7 =	vmul.f32 $8.000000000e+00, v7;
	v14 =	vld [tilespmem:s6+$0x12C30]  }
0x10e: {  	v4 =	vadd.f32 v4, v11;
	v8 =	vmul.f32 $8.000000000e+00, v8;
	v11 =	vld [tilespmem:s6+$0xFA40]  }
0x10f: {  	s7 =	sadd.s32 $0x2, s7;
	[tilespmem:s6+$0xFA00] =	vst v3;
	v3 =	vadd.f32 v7, v10;
	v7 =	vmul.f32 $8.000000000e+00, v9;
	v9 =	vld [tilespmem:s6+$0x12C40]  }
0x110: {  	p0 =	slt.u32 s7, $0xC6;
	[tilespmem:s6+$0x12C00] =	vst v4;
	v8 =	vadd.f32 v8, v10;
	v10 =	vmul.f32 $8.000000000e+00, v12;
	v12 =	vld [tilespmem:s6+$0xFA50]  }
.Ltmp6:
0x111: {  	[tilespmem:s6+$0xFA10] =	vst v3;
	v7 =	vadd.f32 v7, v5;
	v13 =	vmul.f32 $8.000000000e+00, v13;
	v4 =	vld [tilespmem:s6+$0x12C50];
	(pc) =	sbr.rel @p0 .LBB2_10-.Ltmp6, $4  }
0x112: {  	[tilespmem:s6+$0x12C10] =	vst v8;
	v8 =	vadd.f32 v10, v5;
	v10 =	vmul.f32 $8.000000000e+00, v14;
	v3 =	vld [tilespmem:s6+$0xFA60]  }
0x113: {  	[tilespmem:s6+$0xFA20] =	vst v7;
	v7 =	vadd.f32 v13, v6;
	v13 =	vmul.f32 $8.000000000e+00, v11;
	v5 =	vld [tilespmem:s6+$0x12C60]  }
0x114: {  	[tilespmem:s6+$0x12C20] =	vst v8;
	v8 =	vadd.f32 v10, v6;
	v11 =	vmul.f32 $8.000000000e+00, v9;
	v6 =	vld [tilespmem:s6+$0xFA70]  }
0x115: {  	s10 =	sadd.s32 $0x200, s10;
	[tilespmem:s6+$0xFA30] =	vst v7;
	v9 =	vadd.f32 v13, v2;
	v10 =	vmul.f32 $8.000000000e+00, v12;
	v7 =	vld [tilespmem:s6+$0x12C70]  }
0x116: {  	[tilespmem:s6+$0x12C30] =	vst v8;
	v2 =	vadd.f32 v11, v2;
	v4 =	vmul.f32 $8.000000000e+00, v4;
	v8 =	vld [tilespmem:s6+$0x70]  }
0x117: {  	[tilespmem:s6+$0xFA40] =	vst v9;
	v9 =	vadd.f32 v10, v1;
	v3 =	vmul.f32 $8.000000000e+00, v3  }
0x118: {  	[tilespmem:s6+$0x12C40] =	vst v2;
	v1 =	vadd.f32 v4, v1;
	v2 =	vmul.f32 $8.000000000e+00, v5  }
0x119: {  	[tilespmem:s6+$0xFA50] =	vst v9;
	v3 =	vadd.f32 v3, v0;
	v4 =	vmul.f32 $8.000000000e+00, v6  }
0x11a: {  	[tilespmem:s6+$0x12C50] =	vst v1;
	v0 =	vadd.f32 v2, v0;
	v1 =	vmul.f32 $8.000000000e+00, v7  }
0x11b: {  	s7 =	sadd.s32 s12, s8;
	[tilespmem:s6+$0xFA60] =	vst v3;
	v2 =	vadd.f32 v4, v8  }
0x11c: {  	s7 =	sshll.u32 s7, $0x3;
	[tilespmem:s6+$0x12C60] =	vst v0;
	v0 =	vadd.f32 v1, v8  }
0x11d: {  	p0 =	sgt.u32 s0, $0x13;
	s7 =	sand.u32 $0x1FFFFF80, s7;
	[tilespmem:s6+$0xFA70] =	vst v2  }
0x11e: {  	s26 =	sadd.s32 s2, s7;
	[tilespmem:s6+$0x12C70] =	vst v0;
	s6 =	simm.s32 @!p0 $0x5  }
0x11f: {  	[hbm4b:s26+s3] =	stream.linear.scatter [tilespmem:s24], [sflag:$0x5], $0x6400, $0x38;
	[tilespmem:$0x1C200] =	vst v63  }
0x120: {  	_ =	swait.ge @!p0 [sflag:s6], $0x6400  }
0x121: {  	s10 =	simm.s32 @!p0 $0xFA00;
	[sflag:s6] =	ssyncset.done @!p0 $0x0  }
0x122: {  	s7 =	simm.s32 @!p0 $0x50;
	[sflag:s6] =	ssyncadd.s32 @!p0 $0xFFFF9C00;
	s6 =	sadd.s32 @!p0 $0x3840, s12  }
0x123: {  	[tilespmem:s10], [sflag:$0x2] =	stream.indirect.gather @!p0 [hbm4b:s5+s7], $0x40, s6, s7, $0xb8;
	[tilespmem:$0x1C200] =	vst v63  }
0x124: {  	s6 =	sadd.s32 @!p0 $0x3890, s12;
	s10 =	simm.s32 @!p0 $0x10E00  }
0x125: {  	[tilespmem:s10], [sflag:$0x2] =	stream.indirect.gather @!p0 [hbm4b:s5+s7], $0x40, s6, s7, $0xb8;
	[tilespmem:$0x1C200] =	vst v63  }
0x126: {  	s6 =	sadd.s32 @!p0 $0x38E0, s12;
	s10 =	simm.s32 @!p0 $0x12200  }
0x127: {  	[tilespmem:s10], [sflag:$0x2] =	stream.indirect.gather @!p0 [hbm4b:s5+s7], $0x40, s6, s7, $0xb8;
	[tilespmem:$0x1C200] =	vst v63  }
0x128: {  	s6 =	sadd.s32 @!p0 $0x3930, s12;
	s10 =	simm.s32 @!p0 $0x13600  }
0x129: {  	[tilespmem:s10], [sflag:$0x2] =	stream.indirect.gather @!p0 [hbm4b:s5+s7], $0x40, s6, s7, $0xb8;
	[tilespmem:$0x1C200] =	vst v63  }
0x12a: {  	s6 =	sadd.s32 @!p0 $0x3980, s12;
	s10 =	simm.s32 @!p0 $0x14A00  }
0x12b: {  	[tilespmem:s10], [sflag:$0x2] =	stream.indirect.gather @!p0 [hbm4b:s5+s7], $0x40, s6, s7, $0xb8;
	[tilespmem:$0x1C200] =	vst v63  }
0x12c: {  	_ =	swait.ge [sflag:s31], $0x1400  }
0x12d: {  	[sflag:s31] =	ssyncset.done $0x0  }
0x12e: {  	[sflag:s31] =	ssyncadd.s32 $0xFFFFEC00  }
0x12f: {  	_ =	swait.ge [sflag:s31], $0x1400  }
0x130: {  	[sflag:s31] =	ssyncset.done $0x0  }
0x131: {  	[sflag:s31] =	ssyncadd.s32 $0xFFFFEC00  }
0x132: {  	_ =	swait.ge [sflag:s31], $0x1400  }
0x133: {  	[sflag:s31] =	ssyncset.done $0x0  }
0x134: {  	[sflag:s31] =	ssyncadd.s32 $0xFFFFEC00  }
0x135: {  	_ =	swait.ge [sflag:s31], $0x1400  }
0x136: {  	[sflag:s31] =	ssyncset.done $0x0  }
0x137: {  	[sflag:s31] =	ssyncadd.s32 $0xFFFFEC00  }
0x138: {  	_ =	swait.ge [sflag:s31], $0x1400  }
0x139: {  	[sflag:s31] =	ssyncset.done $0x0  }
0x13a: {  	s6 =	simm.s32 $0x0;
	[sflag:s31] =	ssyncadd.s32 $0xFFFFEC00  }
0x13b: {  	v3 =	vld [tilespmem:s6+$0x0]  }
0x13c: {  	v4 =	vld [tilespmem:s6+$0x10]  }
0x13d: {  	v5 =	vld [tilespmem:s6+$0x20]  }
0x13e: {  	v7 =	vld [tilespmem:s6+$0x30]  }
0x13f: {  	v2 =	vld [tilespmem:s6+$0x40]  }
0x140: {  	v6 =	vld [tilespmem:s6+$0x15E00]  }
0x141: {  	v8 =	vld [tilespmem:s6+$0x19000]  }
0x142: {  	v1 =	vld [tilespmem:s6+$0x50]  }
0x143: {  	v9 =	vld [tilespmem:s6+$0x15E10]  }
0x144: {  	v10 =	vld [tilespmem:s6+$0x19010]  }
0x145: {  	v11 =	vld [tilespmem:s6+$0x15E20];
	v6 =	vmul.f32 $8.000000000e+00, v6  }
0x146: {  	v0 =	vld [tilespmem:s6+$0x60];
	v8 =	vmul.f32 $8.000000000e+00, v8  }
0x147: {  	v12 =	vld [tilespmem:s6+$0x19020];
	v6 =	vadd.f32 v6, v3  }
0x148: {  	v13 =	vld [tilespmem:s6+$0x15E30];
	v3 =	vadd.f32 v8, v3;
	v8 =	vmul.f32 $8.000000000e+00, v9  }
0x149: {  	v14 =	vld [tilespmem:s6+$0x19030];
	[tilespmem:s6+$0x15E00] =	vst v6;
	v6 =	vmul.f32 $8.000000000e+00, v10  }
0x14a: {  	v15 =	vld [tilespmem:s6+$0x15E40];
	v8 =	vadd.f32 v8, v4;
	[tilespmem:s6+$0x19000] =	vst v3;
	v3 =	vmul.f32 $8.000000000e+00, v11  }
0x14b: {  	v9 =	vld [tilespmem:s6+$0x19040];
	v6 =	vadd.f32 v6, v4  }
0x14c: {  	v10 =	vld [tilespmem:s6+$0x15E50];
	[tilespmem:s6+$0x15E10] =	vst v8;
	v8 =	vmul.f32 $8.000000000e+00, v12;
	v11 =	vadd.f32 v3, v5  }
0x14d: {  	v4 =	vld [tilespmem:s6+$0x19050];
	[tilespmem:s6+$0x19010] =	vst v6;
	v6 =	vmul.f32 $8.000000000e+00, v13  }
0x14e: {  	v3 =	vld [tilespmem:s6+$0x15E60];
	v8 =	vadd.f32 v8, v5;
	[tilespmem:s6+$0x15E20] =	vst v11;
	v11 =	vmul.f32 $8.000000000e+00, v14  }
0x14f: {  	v63 =	vmul.f32 $8.000000000e+00, v15;
	v5 =	vld [tilespmem:s6+$0x19060];
	v62 =	vadd.f32 v6, v7  }
0x150: {  	[tilespmem:s6+$0x19020] =	vst v8;
	v6 =	vld [tilespmem:s6+$0x15E70];
	v8 =	vadd.f32 v11, v7;
	v11 =	vmul.f32 $8.000000000e+00, v9  }
0x151: {  	s7 =	simm.s32 $0x0;
	s10 =	simm.s32 $0x200;
	v10 =	vmul.f32 $8.000000000e+00, v10;
	v9 =	vadd.f32 v63, v2;
	v7 =	vld [tilespmem:s6+$0x19070];
	[tilespmem:s6+$0x15E30] =	vst v62  }
.LBB2_12:
0x152: {  	s26 =	sshra.s32 s10, $0x2;
	[tilespmem:s6+$0x19030] =	vst v8;
	v2 =	vadd.f32 v11, v2;
	v4 =	vmul.f32 $8.000000000e+00, v4;
	v8 =	vld [tilespmem:s6+$0x70]  }
0x153: {  	v11 =	vld [tilespmem:s26+$0x0];
	[tilespmem:s6+$0x15E40] =	vst v9;
	v9 =	vadd.f32 v10, v1;
	v3 =	vmul.f32 $8.000000000e+00, v3  }
0x154: {  	v10 =	vld [tilespmem:s26+$0x10];
	[tilespmem:s6+$0x19040] =	vst v2;
	v1 =	vadd.f32 v4, v1;
	v2 =	vmul.f32 $8.000000000e+00, v5  }
0x155: {  	v5 =	vld [tilespmem:s26+$0x20];
	[tilespmem:s6+$0x15E50] =	vst v9;
	v3 =	vadd.f32 v3, v0;
	v4 =	vmul.f32 $8.000000000e+00, v6  }
0x156: {  	v6 =	vld [tilespmem:s26+$0x30];
	[tilespmem:s6+$0x19050] =	vst v1;
	v0 =	vadd.f32 v2, v0;
	v7 =	vmul.f32 $8.000000000e+00, v7  }
0x157: {  	v2 =	vld [tilespmem:s26+$0x40];
	[tilespmem:s6+$0x15E60] =	vst v3;
	v3 =	vadd.f32 v4, v8  }
0x158: {  	v1 =	vld [tilespmem:s26+$0x50];
	[tilespmem:s6+$0x19060] =	vst v0;
	v4 =	vadd.f32 v7, v8  }
0x159: {  	v0 =	vld [tilespmem:s26+$0x60];
	[tilespmem:s6+$0x15E70] =	vst v3  }
0x15a: {  	v3 =	vld [tilespmem:s26+$0x15E00];
	[tilespmem:s6+$0x19070] =	vst v4;
	s6 =	smov.u32 s26  }
0x15b: {  	v4 =	vld [tilespmem:s6+$0x19000]  }
0x15c: {  	v7 =	vld [tilespmem:s6+$0x15E10]  }
0x15d: {  	v8 =	vld [tilespmem:s6+$0x19010]  }
0x15e: {  	v9 =	vld [tilespmem:s6+$0x15E20]  }
0x15f: {  	v3 =	vmul.f32 $8.000000000e+00, v3;
	v12 =	vld [tilespmem:s6+$0x19020]  }
0x160: {  	v4 =	vmul.f32 $8.000000000e+00, v4;
	v13 =	vld [tilespmem:s6+$0x15E30]  }
0x161: {  	v3 =	vadd.f32 v3, v11;
	v7 =	vmul.f32 $8.000000000e+00, v7;
	v14 =	vld [tilespmem:s6+$0x19030]  }
0x162: {  	v4 =	vadd.f32 v4, v11;
	v8 =	vmul.f32 $8.000000000e+00, v8;
	v11 =	vld [tilespmem:s6+$0x15E40]  }
0x163: {  	s7 =	sadd.s32 $0x2, s7;
	[tilespmem:s6+$0x15E00] =	vst v3;
	v3 =	vadd.f32 v7, v10;
	v7 =	vmul.f32 $8.000000000e+00, v9;
	v9 =	vld [tilespmem:s6+$0x19040]  }
0x164: {  	p0 =	slt.u32 s7, $0xC6;
	[tilespmem:s6+$0x19000] =	vst v4;
	v8 =	vadd.f32 v8, v10;
	v10 =	vmul.f32 $8.000000000e+00, v12;
	v12 =	vld [tilespmem:s6+$0x15E50]  }
.Ltmp7:
0x165: {  	[tilespmem:s6+$0x15E10] =	vst v3;
	v7 =	vadd.f32 v7, v5;
	v13 =	vmul.f32 $8.000000000e+00, v13;
	v4 =	vld [tilespmem:s6+$0x19050];
	(pc) =	sbr.rel @p0 .LBB2_12-.Ltmp7, $4  }
0x166: {  	[tilespmem:s6+$0x19010] =	vst v8;
	v8 =	vadd.f32 v10, v5;
	v10 =	vmul.f32 $8.000000000e+00, v14;
	v3 =	vld [tilespmem:s6+$0x15E60]  }
0x167: {  	[tilespmem:s6+$0x15E20] =	vst v7;
	v7 =	vadd.f32 v13, v6;
	v13 =	vmul.f32 $8.000000000e+00, v11;
	v5 =	vld [tilespmem:s6+$0x19060]  }
0x168: {  	[tilespmem:s6+$0x19020] =	vst v8;
	v8 =	vadd.f32 v10, v6;
	v11 =	vmul.f32 $8.000000000e+00, v9;
	v6 =	vld [tilespmem:s6+$0x15E70]  }
0x169: {  	s10 =	sadd.s32 $0x200, s10;
	[tilespmem:s6+$0x15E30] =	vst v7;
	v9 =	vadd.f32 v13, v2;
	v10 =	vmul.f32 $8.000000000e+00, v12;
	v7 =	vld [tilespmem:s6+$0x19070]  }
0x16a: {  	[tilespmem:s6+$0x19030] =	vst v8;
	v2 =	vadd.f32 v11, v2;
	v4 =	vmul.f32 $8.000000000e+00, v4;
	v55 =	vld [tilespmem:s6+$0x70]  }
0x16b: {  	[tilespmem:s6+$0x15E40] =	vst v9;
	v56 =	vadd.f32 v10, v1;
	v3 =	vmul.f32 $8.000000000e+00, v3  }
0x16c: {  	[tilespmem:s6+$0x19040] =	vst v2;
	v57 =	vadd.f32 v4, v1;
	v58 =	vmul.f32 $8.000000000e+00, v5  }
0x16d: {  	s0 =	sadd.s32 $0x1, s0;
	[tilespmem:s6+$0x15E50] =	vst v56;
	v3 =	vadd.f32 v3, v0;
	v59 =	vmul.f32 $8.000000000e+00, v6  }
0x16e: {  	p0 =	sne.s32 s0, $0x16;
	[tilespmem:s6+$0x19050] =	vst v57;
	v60 =	vadd.f32 v58, v0;
	v61 =	vmul.f32 $8.000000000e+00, v7  }
.Ltmp8:
0x16f: {  	s7 =	sadd.s32 s12, s9;
	[tilespmem:s6+$0x15E60] =	vst v3;
	v62 =	vadd.f32 v59, v55;
	(pc) =	sbr.rel @p0 .LBB2_2-.Ltmp8, $4  }
.Ltmp9:
0x170: {  	s7 =	sshll.u32 s7, $0x3;
	[tilespmem:s6+$0x19060] =	vst v60;
	v63 =	vadd.f32 v61, v55;
	(pc) =	sbr.rel @!p0 .LBB2_14-.Ltmp9, $4  }
0x171: {  	s7 =	sand.u32 $0x1FFFFF80, s7;
	[tilespmem:s6+$0x15E70] =	vst v62  }
0x172: {  	s26 =	sadd.s32 s2, s7;
	[tilespmem:s6+$0x19070] =	vst v63  }
0x173: {  	[hbm4b:s26+s3] =	stream.linear.scatter [tilespmem:s15], [sflag:$0x6], $0x6400, $0x38;
	[tilespmem:$0x1C200] =	vst v63  }
0x174: {  	_ = 	snop  }
.LBB2_15:
0x175: {  	_ =	sfence.sel $0x180000  }
0x176: {  	[bflag:$0x0] =	sbarrier.arrive $0xFFFF  }
0x177: {  	_ =	strace $0x90000047  }
0x178: {  	s0 =	stileid.u32;
	[bflag:$0x2] =	sbarrier.arrive $0xFFFF  }
0x179: {  	p0 =	sne.s32 s0, $0x0;
	s0 =	rddreg [dreg:$0x2]  }
0x17a: {  	s0 =	sadd.s32 @!p0 $0x100000, s0  }
0x17b: {  	[sflag:s0] =	ssyncadd.tile.s32 @!p0 $0x1;
	_ =	shalt  }
.Lfunc_end2:
_tile_overlayer_lowered:
.L_overlay_start_2:
0x17c: {  	(tag) =	ssettag $0x2  }
0x17d: {  	s0 =	rddreg [dreg:$0x0];
	s2 =	stileid.u32  }
0x17e: {  	s1 =	rddreg [dreg:$0x1];
	p0 =	sne.s32 s2, $0x0  }
0x17f: {  	s3 =	rddreg [dreg:$0x2];
	[bflag:$0x3] =	sbarrier.arrive $0xFFFF;
	s2 =	simm.s32 @!p0 $0x1C07  }
0x180: {  	[timem:s3], [sflag:s2] =	dma.local @!p0 [hbm:s0], s1  }
0x181: {  	s0 =	simm.s32 @!p0 $0x7  }
0x182: {  	_ =	swait.ge @!p0 [sflag:s0], s1  }
0x183: {  	s1 =	ssub.s32 @!p0 $0x0, s1;
	[sflag:s0] =	ssyncset.done @!p0 $0x0  }
0x184: {  	[sflag:s0] =	ssyncadd.s32 @!p0 s1  }
0x185: {  	[bflag:$0x3] =	sbarrier.arrive $0xFFFF  }
0x186: {  	_ =	shalt  }

// kernel: sparse-core-data-format-call.cloned.1.call-start
scs
called_computation_lowered:
.L_overlay_start_0:
0x0: {  	s2 =	sld [smem:$0x3FD9]  }
0x1: {  	s3 =	sld [smem:$0x3FFE];
	_ =	sdelay $0x1  }
0x2: {  	s1 =	srdreg.scid  }
0x3: {  	s0 =	sand.u32 $0x1, s1  }
0x4: {  	s18 =	sshll.u32 s0, $0xA;
	s2 =	sadd.s32 s3, s2  }
0x5: {  	s2 =	sadd.s32 s2, s18  }
0x6: {  	[smem:$0x3FC6] =	sst s2  }
0x7: {  	_ = 	snop  }
0x8: {  	s2 =	sld [smem:$0x3FD0];
	(tm) =	ssettm $0x1  }
0x9: {  	s19 =	sld [smem:$0x3FFB];
	_ =	sdelay $0x3  }
0xa: {  	_ =	strace s19  }
0xb: {  	s3 =	sld [smem:$0x3FFC];
	_ =	sdelay $0x3  }
0xc: {  	_ =	strace s3  }
0xd: {  	s3 =	sld [smem:$0x3FFD];
	_ =	sdelay $0x3  }
0xe: {  	_ =	strace s3  }
0xf: {  	_ =	strace $0x8FFFFFFF  }
0x10: {  	s20 =	sld [smem:$0x3FDB];
	_ =	sdelay $0x1  }
0x11: {  	s4 =	simm.s32 $_scs_section_size  }
0x12: {  	s5 =	simm.s32 $_size__tile_overlayer_lowered;
	s6 =	simm.s32 $_tile_overlayer_lowered  }
0x13: {  	s23 =	simm.s32 $0x1BFF;
	s22 =	sshll.u32 s6, $0x1;
	s3 =	sadd.s32 s4, s20  }
0x14: {  	s7 =	simm.s32 $0x0;
	s21 =	sshll.u32 s5, $0x1;
	s5 =	sadd.s32 s22, s3  }
0x15: {  	[timem:s7], [sflag:s23] =	dma.local [hbm:s5], s21  }
0x16: {  	_ =	swait.ge [sflag:s23], s21  }
0x17: {  	s4 =	ssub.s32 $0x0, s21;
	[sflag:s23] =	ssyncset.done $0x0  }
0x18: {  	[sflag:s23] =	ssyncadd.s32 s4;
	_ =	sdelay $0x1  }
0x19: {  	s24 =	simm.s32 $0x1B8B  }
0x1a: {  	_ =	swait.ge [sflag:s24], $0x1  }
0x1b: {  	[sflag:s24] =	ssyncset.done $0x0  }
0x1c: {  	s26 =	simm.s32 $0x1B8E;
	s25 =	sld [smem:$0x3FFE];
	[sflag:s24] =	ssyncadd.s32 $0xFFFFFFFF  }
0x1d: {  	s27 =	simm.s32 $execute0_lowered;
	[smem:$0x3FD2] =	sst s26  }
0x1e: {  	s5 =	sshll.u32 s27, $0x1;
	_ =	strace $0x80000049;
	[dreg:$0x1] =	wrdreg $0xFFFFFFFF  }
0x1f: {  	s28 =	simm.s32 $_size_execute0_lowered;
	s3 =	sadd.s32 s3, s5;
	[dreg:$0x0] =	wrdreg $0x0  }
0x20: {  	s5 =	sshll.u32 s28, $0x1;
	[dreg:$0x2] =	wrdreg s3  }
0x21: {  	[dreg:$0x3] =	wrdreg s5  }
0x22: {  	[dreg:$0x4] =	wrdreg $0xC0  }
0x23: {  	_ =	task [dreg:s7], $0x5FFFF  }
0x24: {  	[dreg:$0x1] =	wrdreg $0xFFFFFFFF  }
0x25: {  	[dreg:$0x0] =	wrdreg $0x60  }
0x26: {  	[dreg:$0x2] =	wrdreg s25  }
0x27: {  	[dreg:$0x3] =	wrdreg s2  }
0x28: {  	[dreg:$0x4] =	wrdreg $0x9  }
0x29: {  	_ =	task.clear_ibuf [dreg:s7], $0x5FFFF;
	_ =	strace $0x90000049  }
0x2a: {  	s29 =	simm.s32 $0x9;
	_ =	strace $0x8000004B  }
0x2b: {  	_ =	swait.ge [sflag:s29], $0x1  }
0x2c: {  	[sflag:s29] =	ssyncadd.s32 $0xFFFFFFFF  }
0x2d: {  	_ =	strace $0x9000004B  }
0x2e: {  	_ =	sfence  }
0x2f: {  	s30 =	sld [smem:$0x0];
	_ =	sdelay $0x2  }
0x30: {  	s31 =	sshll.u32 s1, $0xD;
	s1 =	sshrl.u32 s1, $0x2  }
0x31: {  	s3 =	sand.u32 $0x4000, s31;
	s1 =	sadd.s32 s1, s30  }
0x32: {  	s0 =	sor.u32 s3, s0;
	s1 =	sshll.u32 s1, $0x11  }
0x33: {  	s0 =	sor.u32 s1, s0  }
0x34: {  	s0 =	sadd.s32 $0x8F2B, s0  }
0x35: {  	[sflag:s0] =	ssyncadd.remote.s32 $0x1  }
0x36: {  	_ =	sfence.sel $0xFFFF  }
0x37: {  	[dreg:$0x0] =	wrdreg $0xFFFFFFFF;
	(pc) =	sbr.abs _section_cstart, $3  }
0x38: {  	[dreg:$0x1] =	wrdreg $0xFFFFFFFF  }
0x39: {  	_ =	task.clear_ibuf [dreg:s7], $0x2FFFF;
	_ =	strace $0x9FFFFFFF  }
0x3a: {  	(tm) =	ssettm $0x7FFFFFFF  }
0x3b: {  	_ =	shalt  }
tec
execute0_lowered:
.L_overlay_start_1:
0x0: {  	(tag) =	ssettag $0x1  }
0x1: {  	s0 =	srdreg.scid  }
0x2: {  	s1 =	sshll.u32 s0, $0x4  }
0x3: {  	s0 =	stileid.u32;
	s1 =	sand.u32 $0x10, s1  }
0x4: {  	s1 =	sor.u32 s0, s1  }
0x5: {  	s6 =	rddreg [dreg:$0x0];
	s4 =	simm.s32 $0x1;
	s2 =	sshll.u32 s1, $0x7  }
0x6: {  	s7 =	simm.s32 $0x2;
	s12 =	simm.s32 $0x0;
	s1 =	ssub.s32 $0x1000, s2  }
0x7: {  	s8 =	simm.s32 $0x8000;
	s13 =	simm.s32 $0x0;
	s3 =	sand.u32 $0xF80, s1  }
0x8: {  	s9 =	simm.s32 $0x0;
	s5 =	sshrl.u32 s1, $0xC;
	p0 =	sne.s32 s3, $0x0  }
.Ltmp0:
0x9: {  	s1 =	rddreg [dreg:$0x2];
	s4 =	simm.s32 @!p0 $0x0;
	(pc) =	sbr.rel .LBB1_1-.Ltmp0, $4  }
0xa: {  	s11 =	simm.s32 $0x0;
	s3 =	rddreg [dreg:$0x1];
	s5 =	sadd.s32 s4, s5  }
0xb: {  	_ =	strace $0x8000004A;
	s4 =	simm.s32 $0x1;
	s5 =	smul.u32 $0xC8, s5  }
0xc: {  	s6 =	sadd.s32 $0xE00, s6;
	s10 =	smov.u32 s2;
	[sflag:s4] =	ssyncpa.u1 $0x0  }
0xd: {  	p0 =	por $0x0, $0x0;
	[sflag:s7] =	ssyncpa.u1 $0x0;
	s7 =	sor.u32 $0x1, s5  }
.LBB1_4:
0xe: {  	s16 =	sshll.u32 s13, $0x3;
	s17 =	sand.u32 $0x78, s13  }
0xf: {  	s30 =	sand.u32 $0x7E00, s13;
	s12 =	sshll.u32 s12, $0xF;
	s16 =	sand.u32 $0xC00, s16  }
0x10: {  	[tilespmem:s15+$0x810 ss:$0x81] =	vst.msk $0xffff, v2;
	s31 =	sand.u32 $0x7, s13;
	s16 =	sor.u32 s17, s16;
	s17 =	sadd.s32 s3, s30  }
0x11: {  	[tilespmem:s15+$0x1020 ss:$0x81] =	vst.msk $0xffff, v0;
	s13 =	sshll.u32 s31, $0x12;
	s12 =	sadd.s32 s12, s17;
	s16 =	sshrl.u32 s16, $0x3  }
0x12: {  	[tilespmem:s15+$0x0 ss:$0x81] =	vst.msk $0xffff, v1;
	s13 =	sor.u32 $0x400, s13;
	s12 =	sadd.s32 s16, s12  }
0x13: {  	[hbm4b:s12+s13] =	stream.strided.scatter [tilespmem:s14], [sflag:$0x2], $0x2000, s8, s13, $0x20;
	[tilespmem:$0x8080] =	vst v63  }
.LBB1_5:
0x14: {  	s14 =	sadd.s32 $0x1, s9  }
0x15: {  	s12 =	sadd.s32 $0x1000, s10;
	s16 =	smov.u32 s10;
	p2 =	sgt.s32 s14, $0xC7  }
0x16: {  	s16 =	smov.u32 @p2 s12  }
0x17: {  	s14 =	simm.s32 @p2 $0x0;
	p2 =	sgt.s32 s16, $0xFFF  }
0x18: {  	s16 =	smov.u32 @p2 s2;
	p2 =	sne.s32 s11, s7  }
.Ltmp1:
0x19: {  	p1 =	slt.u32 s11, $0x2;
	(pc) =	sbr.rel @!p2 .LBB1_6-.Ltmp1, $4  }
0x1a: {  	s15 =	simm.s32 @!p1 $0x2  }
0x1b: {  	s13 =	smov.u32 s10;
	p0 =	por !p0, !p0;
	_ =	swait.ge @!p1 [sflag:s15], $0x2000  }
0x1c: {  	s12 =	smov.u32 s9;
	[sflag:s15] =	ssyncset.done @!p1 $0x0;
	s9 =	smov.u32 s14  }
0x1d: {  	s11 =	sadd.s32 $0x1, s11;
	[sflag:s15] =	ssyncadd.s32 @!p1 $0xFFFFE000;
	s10 =	smov.u32 s16  }
.LBB1_1:
0x1e: {  	p1 =	sge.u32 s11, s5  }
0x1f: {  	s14 =	sand.u32 @!p1 $0x1FFFFFF, s9  }
0x20: {  	s15 =	smulhi.u32 @!p1 $0x147AE15, s14;
	_ =	sdelay $0x1  }
0x21: {  	s15 =	smul.u32 @!p1 $0xC8, s15  }
0x22: {  	s16 =	sxor.u32 @!p1 $0xFFFFFFFF, s11;
	s17 =	smul.u32 @!p1 $0xC80, s10  }
0x23: {  	s31 =	sadd.s32 $0xFFFFFFFF, s11;
	s16 =	sshll.u32 @!p1 s16, $0xD;
	s14 =	ssub.s32 @!p1 s14, s15  }
0x24: {  	s15 =	sand.u32 @!p1 $0x2000, s16;
	s16 =	sadd.s32 @!p1 s6, s17;
	s14 =	sshll.u32 @!p1 s14, $0x4  }
0x25: {  	s17 =	simm.s32 @!p1 $0x6400;
	s14 =	sadd.s32 @!p1 s14, s16;
	s16 =	simm.s32 @!p1 $0x40  }
0x26: {  	[tilespmem:s15], [sflag:$0x1] =	stream.strided.gather @!p1 [hbm4b:s14+s16], $0x2000, s17, s16, $0x38;
	[tilespmem:$0x8080] =	vst v63  }
0x27: {  	p1 =	sge.u32 s31, s5  }
.Ltmp2:
0x28: {  	_ = 	snop;
	(pc) =	sbr.rel @p1 .LBB1_5-.Ltmp2, $1  }
0x29: {  	_ =	sdelay $0x3  }
0x2a: {  	s14 =	simm.s32 $0x1  }
0x2b: {  	_ =	swait.ge [sflag:s4], $0x2000;
	s14 =	simm.s32 @!p0 $0x0  }
0x2c: {  	[sflag:s4] =	ssyncset.done $0x0;
	s15 =	sshll.u32 s14, $0xD  }
0x2d: {  	[sflag:s4] =	ssyncadd.s32 $0xFFFFE000;
	s18 =	sor.u32 $0x20, s15  }
0x2e: {  	s14 =	smul.u32 $0x8100, s14;
	v3 =	vld [tilespmem:s18+$0x10]  }
0x2f: {  	s30 =	sand.u32 $0x1, s11;
	v2 =	vld [tilespmem:s18+$0xFFFFFFF0]  }
0x30: {  	s15 =	smul.u32 $0x8100, s30;
	s14 =	sshrl.u32 s14, $0x2;
	v0 =	vld [tilespmem:s18+$0x0]  }
0x31: {  	v1 =	vld [tilespmem:s18+$0xFFFFFFE0];
	s16 =	sor.u32 $0x4000, s14  }
0x32: {  	s31 =	sshrl.u32 s15, $0x2;
	s15 =	sadd.s32 $0x0, s16  }
0x33: {  	s17 =	simm.s32 $0x4;
	s18 =	sadd.s32 $0x40, s18;
	s14 =	sor.u32 $0x4000, s31;
	[tilespmem:s15+$0x1830 ss:$0x81] =	vst.msk $0xffff, v3  }
.LBB1_3:
0x34: {  	v3 =	vld [tilespmem:s18+$0x10];
	p1 =	sne.s32 s17, $0x1FC;
	[tilespmem:s15+$0x810 ss:$0x81] =	vst.msk $0xffff, v2;
	s19 =	smov.u32 s17;
	s17 =	sadd.s32 $0x4, s17  }
.Ltmp3:
0x35: {  	v2 =	vld [tilespmem:s18+$0xFFFFFFF0];
	[tilespmem:s15+$0x1020 ss:$0x81] =	vst.msk $0xffff, v0;
	(pc) =	sbr.rel @p1 .LBB1_3-.Ltmp3, $4  }
0x36: {  	v0 =	vld [tilespmem:s18+$0x0];
	[tilespmem:s15+$0x0 ss:$0x81] =	vst.msk $0xffff, v1  }
0x37: {  	s15 =	sshra.s32 s19, $0x2;
	v1 =	vld [tilespmem:s18+$0xFFFFFFE0]  }
0x38: {  	s15 =	sadd.s32 s15, s16  }
0x39: {  	s18 =	sadd.s32 $0x40, s18;
	[tilespmem:s15+$0x1830 ss:$0x81] =	vst.msk $0xffff, v3  }
.Ltmp4:
0x3a: {  	_ = 	snop;
	(pc) =	sbr.rel .LBB1_4-.Ltmp4, $1  }
0x3b: {  	_ =	sdelay $0x3  }
.LBB1_6:
0x3c: {  	_ =	sfence.sel $0x180000  }
0x3d: {  	s2 =	simm.s32 $0x1;
	[bflag:$0x0] =	sbarrier.arrive $0xFFFF  }
0x3e: {  	s31 =	simm.s32 $0x2;
	[sflag:s2] =	ssyncpa.u1 $0x1  }
0x3f: {  	[sflag:s31] =	ssyncpa.u1 $0x1  }
0x40: {  	p0 =	sne.s32 s0, $0x0;
	_ =	strace $0x9000004A  }
0x41: {  	s0 =	sadd.s32 @!p0 $0x100000, s1;
	[bflag:$0x2] =	sbarrier.arrive $0xFFFF  }
0x42: {  	[sflag:s0] =	ssyncadd.tile.s32 @!p0 $0x1;
	_ =	shalt  }
.Lfunc_end1:
_tile_overlayer_lowered:
.L_overlay_start_2:
0x43: {  	(tag) =	ssettag $0x2  }
0x44: {  	s0 =	rddreg [dreg:$0x0];
	s2 =	stileid.u32  }
0x45: {  	s1 =	rddreg [dreg:$0x1];
	p0 =	sne.s32 s2, $0x0  }
0x46: {  	s3 =	rddreg [dreg:$0x2];
	[bflag:$0x3] =	sbarrier.arrive $0xFFFF;
	s2 =	simm.s32 @!p0 $0x1C01  }
0x47: {  	[timem:s3], [sflag:s2] =	dma.local @!p0 [hbm:s0], s1  }
0x48: {  	s0 =	simm.s32 @!p0 $0x1  }
0x49: {  	_ =	swait.ge @!p0 [sflag:s0], s1  }
0x4a: {  	s1 =	ssub.s32 @!p0 $0x0, s1;
	[sflag:s0] =	ssyncset.done @!p0 $0x0  }
0x4b: {  	[sflag:s0] =	ssyncadd.s32 @!p0 s1  }
0x4c: {  	[bflag:$0x3] =	sbarrier.arrive $0xFFFF  }
0x4d: {  	_ =	shalt  }

</sc_bundles>
